<compile_context>
chip_gen: v7x
topology: tpu7x:2x2x1
jax: 0.10.2.dev20260603
libtpu: 0.0.44.dev20260713+nightly
codegen_flags: <defaults>
</compile_context>

<pallas_src>
import functools

import jax
import jax.numpy as jnp
from jax import lax
from jax.experimental import pallas as pl
from jax.experimental.pallas import tpu as pltpu
from jax.experimental.pallas import tpu_sc as plsc

N = 10000
D = 128
E = 320000

NP = 10240
CH = 128
NCHUNK = 2560
EP = NCHUNK * CH
NWORKERS = 32
CPW = NCHUNK // NWORKERS
RPT = NP // 16


NB = 2
NIB = 4


def _sc_aggregate(with_counts):
    if with_counts:
        out_type = [jax.ShapeDtypeStruct((2 * NP, D), jnp.float32),
                    jax.ShapeDtypeStruct((2 * NP,), jnp.float32)]
    else:
        out_type = jax.ShapeDtypeStruct((2 * NP, D), jnp.float32)

    scratch = [
        pltpu.VMEM_SHARED((NP, D), jnp.float32),
        pltpu.VMEM_SHARED((NP,), jnp.float32),
    ] + [pltpu.VMEM((CH, D), jnp.float32) for _ in range(NB)] \
      + [pltpu.VMEM((2, CH), jnp.int32) for _ in range(NIB)] + [
        pltpu.VMEM((CH,), jnp.float32),
    ] + [pltpu.SemaphoreType.DMA for _ in range(NIB + 3 * NB)]

    mesh = plsc.VectorSubcoreMesh(core_axis_name="c", subcore_axis_name="s")

    @functools.partial(pl.kernel, mesh=mesh, out_type=out_type,
                       scratch_types=scratch)
    def sc_agg(table_hbm, eidx_hbm, zrows_hbm, zcol_hbm, ones_hbm,
               *refs):
        if with_counts:
            parts_hbm, counts_hbm = refs[0], refs[1]
            scr = refs[2:]
        else:
            parts_hbm = refs[0]
            scr = refs[1:]
        acc_sh, cnt_sh = scr[0], scr[1]
        rows = scr[2:2 + NB]
        idxs = scr[2 + NB:2 + NB + NIB]
        ones_v = scr[2 + NB + NIB]
        p = 3 + NB + NIB
        isems = scr[p:p + NIB]
        gsems = scr[p + NIB:p + NIB + NB]
        rsems = scr[p + NIB + NB:p + NIB + 2 * NB]
        csems = scr[p + NIB + 2 * NB:p + NIB + 3 * NB]

        cid = lax.axis_index("c")
        sid = lax.axis_index("s")
        base = (cid * 16 + sid) * CPW
        sl = pl.ds(sid * RPT, RPT)

        pltpu.sync_copy(zrows_hbm, acc_sh.at[sl])
        if with_counts:
            pltpu.sync_copy(zcol_hbm, cnt_sh.at[sl])
        pltpu.sync_copy(ones_hbm, ones_v)
        plsc.subcore_barrier()

        def idx_cp(i, ib):
            return pltpu.make_async_copy(eidx_hbm.at[base + i], idxs[ib],
                                         isems[ib])

        def gather(r4, r2):
            return pltpu.make_async_copy(
                table_hbm.at[idxs[r4].at[0]], rows[r2], gsems[r2])

        def srow(r4, r2):
            return pltpu.make_async_copy(
                rows[r2], acc_sh.at[idxs[r4].at[1]], rsems[r2])

        def scnt(r4, r2):
            return pltpu.make_async_copy(
                ones_v, cnt_sh.at[idxs[r4].at[1]], csems[r2])

        idx_cp(0, 0).start()
        idx_cp(1, 1).start()
        idx_cp(2, 2).start()
        idx_cp(0, 0).wait()
        gather(0, 0).start()
        idx_cp(3, 3).start()
        idx_cp(1, 1).wait()
        gather(1, 1).start()
        gather(0, 0).wait()
        srow(0, 0).start(add=True)
        if with_counts:
            scnt(0, 0).start(add=True)

        def body(k, carry):
            i0 = 2 + 4 * k
            for j in range(4):
                i = i0 + j
                r4 = (2 + j) % 4
                r2 = j % 2
                p4 = (1 + j) % 4
                n4 = (j + 4) % 4
                srow(n4, r2).wait()
                if with_counts:
                    scnt(n4, r2).wait()
                idx_cp(i + 2, n4).start()
                idx_cp(i, r4).wait()
                gather(r4, r2).start()
                gather(p4, 1 - r2).wait()
                srow(p4, 1 - r2).start(add=True)
                if with_counts:
                    scnt(p4, 1 - r2).start(add=True)
            return carry

        lax.fori_loop(0, (CPW - 4) // 4, body, 0)

        for i in (CPW - 2, CPW - 1):
            r4, r2 = i % 4, i % 2
            p4 = (i - 1) % 4
            srow((i - 2) % 4, r2).wait()
            if with_counts:
                scnt((i - 2) % 4, r2).wait()
            idx_cp(i, r4).wait()
            gather(r4, r2).start()
            gather(p4, 1 - r2).wait()
            srow(p4, 1 - r2).start(add=True)
            if with_counts:
                scnt(p4, 1 - r2).start(add=True)
        lr4, lr2 = (CPW - 1) % 4, (CPW - 1) % 2
        gather(lr4, lr2).wait()
        srow(lr4, lr2).start(add=True)
        if with_counts:
            scnt(lr4, lr2).start(add=True)
        for i in (CPW - 2, CPW - 1):
            srow(i % 4, i % 2).wait()
            if with_counts:
                scnt(i % 4, i % 2).wait()
        plsc.subcore_barrier()

        off = cid * NP + sid * RPT
        pltpu.sync_copy(acc_sh.at[sl], parts_hbm.at[pl.ds(off, RPT)])
        if with_counts:
            pltpu.sync_copy(cnt_sh.at[sl], counts_hbm.at[pl.ds(off, RPT)])

    return sc_agg


_sc_agg_counts = _sc_aggregate(True)
_sc_agg_nocounts = _sc_aggregate(False)


R = 512
GRID = NP // R


def _tc1_body(p0, p1, cnt, x, wl, bl, wr, h_out):
    c = cnt[0, :] + cnt[1, :]
    inv = 1.0 / jnp.maximum(c, 1.0)
    mean = (p0[...] + p1[...]) * inv[:, None]
    h = (jnp.dot(mean, wl[...], preferred_element_type=jnp.float32)
         + bl[...]
         + jnp.dot(x[...], wr[...], preferred_element_type=jnp.float32))
    h_out[...] = jnp.maximum(h, 0.0)


def _tc2_body(p0, p1, cnt, h, wl, bl, wr, wlin, blin, out):
    c = cnt[0, :] + cnt[1, :]
    inv = 1.0 / jnp.maximum(c, 1.0)
    mean = (p0[...] + p1[...]) * inv[:, None]
    h2 = (jnp.dot(mean, wl[...], preferred_element_type=jnp.float32)
          + bl[...]
          + jnp.dot(h[...], wr[...], preferred_element_type=jnp.float32))
    h2 = jnp.maximum(h2, 0.0)
    out[...] = (jnp.dot(h2, wlin[...], preferred_element_type=jnp.float32)
                + blin[...])


_row_spec = pl.BlockSpec((R, D), lambda i: (i, 0))
_cnt_spec = pl.BlockSpec((2, R), lambda i: (0, i))
_w_spec = pl.BlockSpec((D, D), lambda i: (0, 0))
_b_spec = pl.BlockSpec((1, D), lambda i: (0, 0))

_tc1 = pl.pallas_call(
    _tc1_body,
    grid=(GRID,),
    in_specs=[_row_spec, _row_spec, _cnt_spec, _row_spec,
              _w_spec, _b_spec, _w_spec],
    out_specs=_row_spec,
    out_shape=jax.ShapeDtypeStruct((NP, D), jnp.float32),
)

_tc2 = pl.pallas_call(
    _tc2_body,
    grid=(GRID,),
    in_specs=[_row_spec, _row_spec, _cnt_spec, _row_spec,
              _w_spec, _b_spec, _w_spec, _w_spec, _b_spec],
    out_specs=_row_spec,
    out_shape=jax.ShapeDtypeStruct((NP, D), jnp.float32),
)


def kernel(x, edge_index, Wl1, bl1, Wr1, Wl2, bl2, Wr2, Wlin, blin):
    src = edge_index[0].astype(jnp.int32)
    dst = edge_index[1].astype(jnp.int32)
    pad = EP - E
    src2d = jnp.concatenate(
        [src, jnp.zeros((pad,), jnp.int32)]).reshape(NCHUNK, CH)
    dst2d = jnp.concatenate(
        [dst, N + (jnp.arange(pad, dtype=jnp.int32) % (NP - N))]
    ).reshape(NCHUNK, CH)
    eidx = jnp.stack([src2d, dst2d], axis=1)

    x_pad = jnp.pad(x, ((0, NP - N), (0, 0)))
    zrows = jnp.zeros((RPT, D), jnp.float32)
    zcol = jnp.zeros((RPT,), jnp.float32)
    ones = jnp.ones((CH,), jnp.float32)

    parts1, counts = _sc_agg_counts(x_pad, eidx, zrows, zcol, ones)
    cnt2 = counts.reshape(2, NP)
    h = _tc1(parts1[:NP], parts1[NP:], cnt2, x_pad,
             Wl1, bl1.reshape(1, D), Wr1)

    parts2 = _sc_agg_nocounts(h, eidx, zrows, zcol, ones)
    out = _tc2(parts2[:NP], parts2[NP:], cnt2, h,
               Wl2, bl2.reshape(1, D), Wr2, Wlin, blin.reshape(1, D))
    return out[:N]

# --- scband reference (transcript-rebuilt; emitter-appended) ---
"""Pipeline reference for scband-gnn-old-14465449853060 (READ-ONLY COPY).

The authoritative reference and input builder live on the scoring server;
editing this copy changes nothing except your own understanding.
"""

import jax, jax.numpy as jnp
import numpy as np

N_NODES = 10000
D_FEAT = 128
HIDDEN = 128
OUT = 128
N_EDGES = 320000


def _sage_conv(x, edge_index, W_l, b_l, W_r):
    # PyG SAGEConv with mean aggregation:
    # out = lin_l(mean_{j in N(i)} x_j) + lin_r(x_i)
    src = edge_index[0]
    dst = edge_index[1]
    n = x.shape[0]
    msgs = jnp.take(x, src, axis=0)
    summed = jax.ops.segment_sum(msgs, dst, num_segments=n)
    counts = jax.ops.segment_sum(jnp.ones((msgs.shape[0],), dtype=x.dtype), dst, num_segments=n)
    mean = summed / jnp.clip(counts, 1.0)[:, None]
    return mean @ W_l + b_l + x @ W_r


def setup_inputs(seed: int = 0) -> dict:
    key = jax.random.key(seed)
    ks = jax.random.split(key, 10)
    x = jax.random.normal(ks[0], (N_NODES, D_FEAT), dtype=jnp.float32)
    edge_index = jax.random.randint(ks[1], (2, N_EDGES), 0, N_NODES, dtype=jnp.int64)
    s1 = 1.0 / np.sqrt(D_FEAT)
    s2 = 1.0 / np.sqrt(HIDDEN)
    Wl1 = jax.random.uniform(ks[2], (D_FEAT, HIDDEN), jnp.float32, -s1, s1)
    bl1 = jnp.zeros((HIDDEN,), dtype=jnp.float32)
    Wr1 = jax.random.uniform(ks[3], (D_FEAT, HIDDEN), jnp.float32, -s1, s1)
    Wl2 = jax.random.uniform(ks[4], (HIDDEN, HIDDEN), jnp.float32, -s2, s2)
    bl2 = jnp.zeros((HIDDEN,), dtype=jnp.float32)
    Wr2 = jax.random.uniform(ks[5], (HIDDEN, HIDDEN), jnp.float32, -s2, s2)
    Wlin = jax.random.uniform(ks[6], (HIDDEN, OUT), jnp.float32, -s2, s2)
    blin = jax.random.uniform(ks[7], (OUT,), jnp.float32, -s2, s2)
    return {"x": x, "edge_index": edge_index, "Wl1": Wl1, "bl1": bl1, "Wr1": Wr1,
            "Wl2": Wl2, "bl2": bl2, "Wr2": Wr2, "Wlin": Wlin, "blin": blin}


def reference(x, edge_index, Wl1, bl1, Wr1, Wl2, bl2, Wr2, Wlin, blin):
    # conv1 -> relu (applied per node-type dict in original; single type 'transaction' here)
    h = _sage_conv(x, edge_index, Wl1, bl1, Wr1)
    h = jax.nn.relu(h)
    # conv2 -> relu
    h = _sage_conv(h, edge_index, Wl2, bl2, Wr2)
    h = jax.nn.relu(h)
    # final linear on the 'transaction' node type
    return h @ Wlin + blin

if __name__ == "__main__":
    import jax
    _d = setup_inputs()
    print(jax.jit(kernel)(*tuple(_d.values())))

</pallas_src>

<mosaic_0001>
#map = affine_map<(d0, d1) -> (0, 0)>
#map1 = affine_map<(d0, d1) -> (0, 0, 0)>
#map2 = affine_map<(d0, d1) -> (0)>
module attributes {stable_mosaic.version = 14 : i64} {
  func.func @sc_agg(%arg0: i32, %arg1: i32, %arg2: memref<10240x128xf32, #tpu.memory_space<hbm>>, %arg3: memref<2560x2x128xi32, #tpu.memory_space<hbm>>, %arg4: memref<640x128xf32, #tpu.memory_space<hbm>>, %arg5: memref<640xf32, #tpu.memory_space<hbm>>, %arg6: memref<128xf32, #tpu.memory_space<hbm>>, %arg7: memref<20480x128xf32, #tpu.memory_space<hbm>>, %arg8: memref<20480xf32, #tpu.memory_space<hbm>>, %arg9: memref<10240x128xf32, #tpu.memory_space<vmem_shared>>, %arg10: memref<10240xf32, #tpu.memory_space<vmem_shared>>, %arg11: memref<128x128xf32, #tpu.memory_space<vmem>>, %arg12: memref<128x128xf32, #tpu.memory_space<vmem>>, %arg13: memref<2x128xi32, #tpu.memory_space<vmem>>, %arg14: memref<2x128xi32, #tpu.memory_space<vmem>>, %arg15: memref<2x128xi32, #tpu.memory_space<vmem>>, %arg16: memref<2x128xi32, #tpu.memory_space<vmem>>, %arg17: memref<128xf32, #tpu.memory_space<vmem>>, %arg18: memref<!tpu.dma_semaphore, #tpu.memory_space<semaphore_mem>>, %arg19: memref<!tpu.dma_semaphore, #tpu.memory_space<semaphore_mem>>, %arg20: memref<!tpu.dma_semaphore, #tpu.memory_space<semaphore_mem>>, %arg21: memref<!tpu.dma_semaphore, #tpu.memory_space<semaphore_mem>>, %arg22: memref<!tpu.dma_semaphore, #tpu.memory_space<semaphore_mem>>, %arg23: memref<!tpu.dma_semaphore, #tpu.memory_space<semaphore_mem>>, %arg24: memref<!tpu.dma_semaphore, #tpu.memory_space<semaphore_mem>>, %arg25: memref<!tpu.dma_semaphore, #tpu.memory_space<semaphore_mem>>, %arg26: memref<!tpu.dma_semaphore, #tpu.memory_space<semaphore_mem>>, %arg27: memref<!tpu.dma_semaphore, #tpu.memory_space<semaphore_mem>>) attributes {dimension_semantics = [#tpu.dimension_semantics<core_parallel>, #tpu.dimension_semantics<subcore_parallel>], iteration_bounds = array<i64: 2, 16>, scalar_prefetch = 0 : i64, scratch_operands = 19 : i64, tpu.core_type = #tpu.core_type<sc_vector_subcore>, window_params = [{transform_indices = #map}, {transform_indices = #map1}, {transform_indices = #map}, {transform_indices = #map2}, {transform_indices = #map2}, {transform_indices = #map}, {transform_indices = #map2}]} {
    %mul3A = arith.constant 16 : i32
    %mul3A_0 = arith.muli %arg0, %mul3A : i32
    %add3A = arith.addi %mul3A_0, %arg1 : i32
    %mul3A_1 = arith.constant 80 : i32
    %mul3A_2 = arith.muli %add3A, %mul3A_1 : i32
    %mul3A_3 = arith.constant 640 : i32
    %mul3A_4 = arith.muli %arg1, %mul3A_3 : i32
    "tpu.region"() ({
      %run_scoped3A = tpu.sem_alloc : memref<!tpu.dma_semaphore, #tpu.memory_space<semaphore_mem>>
      %dma_start3A_254 = arith.constant 0 : i32
      %dma_start3A_255 = tpu.memref_slice %arg9[%mul3A_4, %dma_start3A_254] : memref<10240x128xf32, #tpu.memory_space<vmem_shared>> -> memref<640x128xf32, #tpu.memory_space<vmem_shared>>
      tpu.enqueue_dma source(%arg4 : memref<640x128xf32, #tpu.memory_space<hbm>>) target(%dma_start3A_255 : memref<640x128xf32, #tpu.memory_space<vmem_shared>>) target_semaphore(%run_scoped3A : memref<!tpu.dma_semaphore, #tpu.memory_space<semaphore_mem>>)
      %dma_wait3A_256 = arith.constant 0 : i32
      %dma_wait3A_257 = tpu.memref_slice %arg9[%mul3A_4, %dma_wait3A_256] : memref<10240x128xf32, #tpu.memory_space<vmem_shared>> -> memref<640x128xf32, #tpu.memory_space<vmem_shared>>
      tpu.wait_dma2 semaphore(%run_scoped3A : memref<!tpu.dma_semaphore, #tpu.memory_space<semaphore_mem>>) src(%arg4 : memref<640x128xf32, #tpu.memory_space<hbm>>) dst(%dma_wait3A_257 : memref<640x128xf32, #tpu.memory_space<vmem_shared>>)
      tpu.yield
    }) : () -> ()
    "tpu.region"() ({
      %run_scoped3A = tpu.sem_alloc : memref<!tpu.dma_semaphore, #tpu.memory_space<semaphore_mem>>
      %dma_start3A_254 = tpu.memref_slice %arg10[%mul3A_4] : memref<10240xf32, #tpu.memory_space<vmem_shared>> -> memref<640xf32, #tpu.memory_space<vmem_shared>>
      tpu.enqueue_dma source(%arg5 : memref<640xf32, #tpu.memory_space<hbm>>) target(%dma_start3A_254 : memref<640xf32, #tpu.memory_space<vmem_shared>>) target_semaphore(%run_scoped3A : memref<!tpu.dma_semaphore, #tpu.memory_space<semaphore_mem>>)
      %dma_wait3A_255 = tpu.memref_slice %arg10[%mul3A_4] : memref<10240xf32, #tpu.memory_space<vmem_shared>> -> memref<640xf32, #tpu.memory_space<vmem_shared>>
      tpu.wait_dma2 semaphore(%run_scoped3A : memref<!tpu.dma_semaphore, #tpu.memory_space<semaphore_mem>>) src(%arg5 : memref<640xf32, #tpu.memory_space<hbm>>) dst(%dma_wait3A_255 : memref<640xf32, #tpu.memory_space<vmem_shared>>)
      tpu.yield
    }) : () -> ()
    "tpu.region"() ({
      %run_scoped3A = tpu.sem_alloc : memref<!tpu.dma_semaphore, #tpu.memory_space<semaphore_mem>>
      tpu.enqueue_dma source(%arg6 : memref<128xf32, #tpu.memory_space<hbm>>) target(%arg17 : memref<128xf32, #tpu.memory_space<vmem>>) target_semaphore(%run_scoped3A : memref<!tpu.dma_semaphore, #tpu.memory_space<semaphore_mem>>)
      tpu.wait_dma2 semaphore(%run_scoped3A : memref<!tpu.dma_semaphore, #tpu.memory_space<semaphore_mem>>) src(%arg6 : memref<128xf32, #tpu.memory_space<hbm>>) dst(%arg17 : memref<128xf32, #tpu.memory_space<vmem>>)
      tpu.yield
    }) : () -> ()
    %barrier3A = arith.constant 0 : index
    tpu.barrier barrier_id(%barrier3A)
    %add3A_5 = arith.constant 0 : i32
    %add3A_6 = arith.addi %mul3A_2, %add3A_5 : i32
    %dma_start3A = arith.constant 0 : i32
    %dma_start3A_7 = arith.constant 0 : i32
    %dma_start3A_8 = tpu.memref_slice %arg3[%add3A_6, %dma_start3A, %dma_start3A_7] : memref<2560x2x128xi32, #tpu.memory_space<hbm>> -> memref<1x2x128xi32, #tpu.memory_space<hbm>>
    %dma_start3A_9 = tpu.memref_squeeze %dma_start3A_8 : memref<1x2x128xi32, #tpu.memory_space<hbm>> -> memref<2x128xi32, #tpu.memory_space<hbm>>
    %dma_start3A_10 = arith.constant 0 : i32
    %dma_start3A_11 = arith.constant 0 : i32
    %dma_start3A_12 = tpu.memref_slice %arg3[%add3A_6, %dma_start3A_10, %dma_start3A_11] : memref<2560x2x128xi32, #tpu.memory_space<hbm>> -> memref<1x2x128xi32, #tpu.memory_space<hbm>>
    %dma_start3A_13 = tpu.memref_squeeze %dma_start3A_12 : memref<1x2x128xi32, #tpu.memory_space<hbm>> -> memref<2x128xi32, #tpu.memory_space<hbm>>
    tpu.enqueue_dma source(%dma_start3A_13 : memref<2x128xi32, #tpu.memory_space<hbm>>) target(%arg13 : memref<2x128xi32, #tpu.memory_space<vmem>>) target_semaphore(%arg18 : memref<!tpu.dma_semaphore, #tpu.memory_space<semaphore_mem>>)
    %add3A_14 = arith.constant 1 : i32
    %add3A_15 = arith.addi %mul3A_2, %add3A_14 : i32
    %dma_start3A_16 = arith.constant 0 : i32
    %dma_start3A_17 = arith.constant 0 : i32
    %dma_start3A_18 = tpu.memref_slice %arg3[%add3A_15, %dma_start3A_16, %dma_start3A_17] : memref<2560x2x128xi32, #tpu.memory_space<hbm>> -> memref<1x2x128xi32, #tpu.memory_space<hbm>>
    %dma_start3A_19 = tpu.memref_squeeze %dma_start3A_18 : memref<1x2x128xi32, #tpu.memory_space<hbm>> -> memref<2x128xi32, #tpu.memory_space<hbm>>
    %dma_start3A_20 = arith.constant 0 : i32
    %dma_start3A_21 = arith.constant 0 : i32
    %dma_start3A_22 = tpu.memref_slice %arg3[%add3A_15, %dma_start3A_20, %dma_start3A_21] : memref<2560x2x128xi32, #tpu.memory_space<hbm>> -> memref<1x2x128xi32, #tpu.memory_space<hbm>>
    %dma_start3A_23 = tpu.memref_squeeze %dma_start3A_22 : memref<1x2x128xi32, #tpu.memory_space<hbm>> -> memref<2x128xi32, #tpu.memory_space<hbm>>
    tpu.enqueue_dma source(%dma_start3A_23 : memref<2x128xi32, #tpu.memory_space<hbm>>) target(%arg14 : memref<2x128xi32, #tpu.memory_space<vmem>>) target_semaphore(%arg19 : memref<!tpu.dma_semaphore, #tpu.memory_space<semaphore_mem>>)
    %add3A_24 = arith.constant 2 : i32
    %add3A_25 = arith.addi %mul3A_2, %add3A_24 : i32
    %dma_start3A_26 = arith.constant 0 : i32
    %dma_start3A_27 = arith.constant 0 : i32
    %dma_start3A_28 = tpu.memref_slice %arg3[%add3A_25, %dma_start3A_26, %dma_start3A_27] : memref<2560x2x128xi32, #tpu.memory_space<hbm>> -> memref<1x2x128xi32, #tpu.memory_space<hbm>>
    %dma_start3A_29 = tpu.memref_squeeze %dma_start3A_28 : memref<1x2x128xi32, #tpu.memory_space<hbm>> -> memref<2x128xi32, #tpu.memory_space<hbm>>
    %dma_start3A_30 = arith.constant 0 : i32
    %dma_start3A_31 = arith.constant 0 : i32
    %dma_start3A_32 = tpu.memref_slice %arg3[%add3A_25, %dma_start3A_30, %dma_start3A_31] : memref<2560x2x128xi32, #tpu.memory_space<hbm>> -> memref<1x2x128xi32, #tpu.memory_space<hbm>>
    %dma_start3A_33 = tpu.memref_squeeze %dma_start3A_32 : memref<1x2x128xi32, #tpu.memory_space<hbm>> -> memref<2x128xi32, #tpu.memory_space<hbm>>
    tpu.enqueue_dma source(%dma_start3A_33 : memref<2x128xi32, #tpu.memory_space<hbm>>) target(%arg15 : memref<2x128xi32, #tpu.memory_space<vmem>>) target_semaphore(%arg20 : memref<!tpu.dma_semaphore, #tpu.memory_space<semaphore_mem>>)
    %add3A_34 = arith.constant 0 : i32
    %add3A_35 = arith.addi %mul3A_2, %add3A_34 : i32
    %dma_wait3A = arith.constant 0 : i32
    %dma_wait3A_36 = arith.constant 0 : i32
    %dma_wait3A_37 = tpu.memref_slice %arg3[%add3A_35, %dma_wait3A, %dma_wait3A_36] : memref<2560x2x128xi32, #tpu.memory_space<hbm>> -> memref<1x2x128xi32, #tpu.memory_space<hbm>>
    %dma_wait3A_38 = tpu.memref_squeeze %dma_wait3A_37 : memref<1x2x128xi32, #tpu.memory_space<hbm>> -> memref<2x128xi32, #tpu.memory_space<hbm>>
    %dma_wait3A_39 = arith.constant 0 : i32
    %dma_wait3A_40 = arith.constant 0 : i32
    %dma_wait3A_41 = tpu.memref_slice %arg3[%add3A_35, %dma_wait3A_39, %dma_wait3A_40] : memref<2560x2x128xi32, #tpu.memory_space<hbm>> -> memref<1x2x128xi32, #tpu.memory_space<hbm>>
    %dma_wait3A_42 = tpu.memref_squeeze %dma_wait3A_41 : memref<1x2x128xi32, #tpu.memory_space<hbm>> -> memref<2x128xi32, #tpu.memory_space<hbm>>
    tpu.wait_dma2 semaphore(%arg18 : memref<!tpu.dma_semaphore, #tpu.memory_space<semaphore_mem>>) src(%dma_wait3A_42 : memref<2x128xi32, #tpu.memory_space<hbm>>) dst(%arg13 : memref<2x128xi32, #tpu.memory_space<vmem>>)
    %dma_start3A_43 = arith.constant 0 : i32
    %dma_start3A_44 = arith.constant 0 : i32
    %dma_start3A_45 = tpu.memref_slice %arg13[%dma_start3A_43, %dma_start3A_44] : memref<2x128xi32, #tpu.memory_space<vmem>> -> memref<1x128xi32, #tpu.memory_space<vmem>>
    %dma_start3A_46 = tpu.memref_squeeze %dma_start3A_45 : memref<1x128xi32, #tpu.memory_space<vmem>> -> memref<128xi32, #tpu.memory_space<vmem>>
    %dma_start3A_47 = arith.constant 0 : i32
    %dma_start3A_48 = arith.constant 0 : i32
    %dma_start3A_49 = tpu.memref_slice %arg2[%dma_start3A_47, %dma_start3A_48] : memref<10240x128xf32, #tpu.memory_space<hbm>> -> memref<10240x128xf32, #tpu.memory_space<hbm>>
    tpu.enqueue_indirect_dma source(%dma_start3A_49 : memref<10240x128xf32, #tpu.memory_space<hbm>>) target(%arg11 : memref<128x128xf32, #tpu.memory_space<vmem>>) offsets(%dma_start3A_46 : memref<128xi32, #tpu.memory_space<vmem>>) semaphore(%arg22 : memref<!tpu.dma_semaphore, #tpu.memory_space<semaphore_mem>>)
    %add3A_50 = arith.constant 3 : i32
    %add3A_51 = arith.addi %mul3A_2, %add3A_50 : i32
    %dma_start3A_52 = arith.constant 0 : i32
    %dma_start3A_53 = arith.constant 0 : i32
    %dma_start3A_54 = tpu.memref_slice %arg3[%add3A_51, %dma_start3A_52, %dma_start3A_53] : memref<2560x2x128xi32, #tpu.memory_space<hbm>> -> memref<1x2x128xi32, #tpu.memory_space<hbm>>
    %dma_start3A_55 = tpu.memref_squeeze %dma_start3A_54 : memref<1x2x128xi32, #tpu.memory_space<hbm>> -> memref<2x128xi32, #tpu.memory_space<hbm>>
    %dma_start3A_56 = arith.constant 0 : i32
    %dma_start3A_57 = arith.constant 0 : i32
    %dma_start3A_58 = tpu.memref_slice %arg3[%add3A_51, %dma_start3A_56, %dma_start3A_57] : memref<2560x2x128xi32, #tpu.memory_space<hbm>> -> memref<1x2x128xi32, #tpu.memory_space<hbm>>
    %dma_start3A_59 = tpu.memref_squeeze %dma_start3A_58 : memref<1x2x128xi32, #tpu.memory_space<hbm>> -> memref<2x128xi32, #tpu.memory_space<hbm>>
    tpu.enqueue_dma source(%dma_start3A_59 : memref<2x128xi32, #tpu.memory_space<hbm>>) target(%arg16 : memref<2x128xi32, #tpu.memory_space<vmem>>) target_semaphore(%arg21 : memref<!tpu.dma_semaphore, #tpu.memory_space<semaphore_mem>>)
    %add3A_60 = arith.constant 1 : i32
    %add3A_61 = arith.addi %mul3A_2, %add3A_60 : i32
    %dma_wait3A_62 = arith.constant 0 : i32
    %dma_wait3A_63 = arith.constant 0 : i32
    %dma_wait3A_64 = tpu.memref_slice %arg3[%add3A_61, %dma_wait3A_62, %dma_wait3A_63] : memref<2560x2x128xi32, #tpu.memory_space<hbm>> -> memref<1x2x128xi32, #tpu.memory_space<hbm>>
    %dma_wait3A_65 = tpu.memref_squeeze %dma_wait3A_64 : memref<1x2x128xi32, #tpu.memory_space<hbm>> -> memref<2x128xi32, #tpu.memory_space<hbm>>
    %dma_wait3A_66 = arith.constant 0 : i32
    %dma_wait3A_67 = arith.constant 0 : i32
    %dma_wait3A_68 = tpu.memref_slice %arg3[%add3A_61, %dma_wait3A_66, %dma_wait3A_67] : memref<2560x2x128xi32, #tpu.memory_space<hbm>> -> memref<1x2x128xi32, #tpu.memory_space<hbm>>
    %dma_wait3A_69 = tpu.memref_squeeze %dma_wait3A_68 : memref<1x2x128xi32, #tpu.memory_space<hbm>> -> memref<2x128xi32, #tpu.memory_space<hbm>>
    tpu.wait_dma2 semaphore(%arg19 : memref<!tpu.dma_semaphore, #tpu.memory_space<semaphore_mem>>) src(%dma_wait3A_69 : memref<2x128xi32, #tpu.memory_space<hbm>>) dst(%arg14 : memref<2x128xi32, #tpu.memory_space<vmem>>)
    %dma_start3A_70 = arith.constant 0 : i32
    %dma_start3A_71 = arith.constant 0 : i32
    %dma_start3A_72 = tpu.memref_slice %arg14[%dma_start3A_70, %dma_start3A_71] : memref<2x128xi32, #tpu.memory_space<vmem>> -> memref<1x128xi32, #tpu.memory_space<vmem>>
    %dma_start3A_73 = tpu.memref_squeeze %dma_start3A_72 : memref<1x128xi32, #tpu.memory_space<vmem>> -> memref<128xi32, #tpu.memory_space<vmem>>
    %dma_start3A_74 = arith.constant 0 : i32
    %dma_start3A_75 = arith.constant 0 : i32
    %dma_start3A_76 = tpu.memref_slice %arg2[%dma_start3A_74, %dma_start3A_75] : memref<10240x128xf32, #tpu.memory_space<hbm>> -> memref<10240x128xf32, #tpu.memory_space<hbm>>
    tpu.enqueue_indirect_dma source(%dma_start3A_76 : memref<10240x128xf32, #tpu.memory_space<hbm>>) target(%arg12 : memref<128x128xf32, #tpu.memory_space<vmem>>) offsets(%dma_start3A_73 : memref<128xi32, #tpu.memory_space<vmem>>) semaphore(%arg23 : memref<!tpu.dma_semaphore, #tpu.memory_space<semaphore_mem>>)
    %dma_wait3A_77 = arith.constant 0 : i32
    %dma_wait3A_78 = arith.constant 0 : i32
    %dma_wait3A_79 = tpu.memref_slice %arg13[%dma_wait3A_77, %dma_wait3A_78] : memref<2x128xi32, #tpu.memory_space<vmem>> -> memref<1x128xi32, #tpu.memory_space<vmem>>
    %dma_wait3A_80 = tpu.memref_squeeze %dma_wait3A_79 : memref<1x128xi32, #tpu.memory_space<vmem>> -> memref<128xi32, #tpu.memory_space<vmem>>
    %dma_wait3A_81 = arith.constant 0 : i32
    %dma_wait3A_82 = arith.constant 0 : i32
    %dma_wait3A_83 = tpu.memref_slice %arg2[%dma_wait3A_81, %dma_wait3A_82] : memref<10240x128xf32, #tpu.memory_space<hbm>> -> memref<10240x128xf32, #tpu.memory_space<hbm>>
    tpu.wait_indirect_dma semaphore(%arg22 : memref<!tpu.dma_semaphore, #tpu.memory_space<semaphore_mem>>) src(%dma_wait3A_83 : memref<10240x128xf32, #tpu.memory_space<hbm>>) dst(%arg11 : memref<128x128xf32, #tpu.memory_space<vmem>>)
    %dma_start3A_84 = arith.constant 1 : i32
    %dma_start3A_85 = arith.constant 0 : i32
    %dma_start3A_86 = tpu.memref_slice %arg13[%dma_start3A_84, %dma_start3A_85] : memref<2x128xi32, #tpu.memory_space<vmem>> -> memref<1x128xi32, #tpu.memory_space<vmem>>
    %dma_start3A_87 = tpu.memref_squeeze %dma_start3A_86 : memref<1x128xi32, #tpu.memory_space<vmem>> -> memref<128xi32, #tpu.memory_space<vmem>>
    %dma_start3A_88 = arith.constant 0 : i32
    %dma_start3A_89 = arith.constant 0 : i32
    %dma_start3A_90 = tpu.memref_slice %arg9[%dma_start3A_88, %dma_start3A_89] : memref<10240x128xf32, #tpu.memory_space<vmem_shared>> -> memref<10240x128xf32, #tpu.memory_space<vmem_shared>>
    tpu.enqueue_indirect_dma source(%arg11 : memref<128x128xf32, #tpu.memory_space<vmem>>) target(%dma_start3A_90 : memref<10240x128xf32, #tpu.memory_space<vmem_shared>>) offsets(%dma_start3A_87 : memref<128xi32, #tpu.memory_space<vmem>>) semaphore(%arg24 : memref<!tpu.dma_semaphore, #tpu.memory_space<semaphore_mem>>) {add = true}
    %dma_start3A_91 = arith.constant 1 : i32
    %dma_start3A_92 = arith.constant 0 : i32
    %dma_start3A_93 = tpu.memref_slice %arg13[%dma_start3A_91, %dma_start3A_92] : memref<2x128xi32, #tpu.memory_space<vmem>> -> memref<1x128xi32, #tpu.memory_space<vmem>>
    %dma_start3A_94 = tpu.memref_squeeze %dma_start3A_93 : memref<1x128xi32, #tpu.memory_space<vmem>> -> memref<128xi32, #tpu.memory_space<vmem>>
    %dma_start3A_95 = arith.constant 0 : i32
    %dma_start3A_96 = tpu.memref_slice %arg10[%dma_start3A_95] : memref<10240xf32, #tpu.memory_space<vmem_shared>> -> memref<10240xf32, #tpu.memory_space<vmem_shared>>
    tpu.enqueue_indirect_dma source(%arg17 : memref<128xf32, #tpu.memory_space<vmem>>) target(%dma_start3A_96 : memref<10240xf32, #tpu.memory_space<vmem_shared>>) offsets(%dma_start3A_94 : memref<128xi32, #tpu.memory_space<vmem>>) semaphore(%arg26 : memref<!tpu.dma_semaphore, #tpu.memory_space<semaphore_mem>>) {add = true}
    %scan3A = arith.constant 0 : i32
    %scan3A_97 = arith.constant 0 : i32
    %scan3A_98 = arith.constant 19 : i32
    %scan3A_99 = arith.addi %scan3A_97, %scan3A_98 : i32
    %scan3A_100 = arith.constant 1 : i32
    scf.for %scan3A_254 = %scan3A_97 to %scan3A_99 step %scan3A_100  : i32 {
      %mul3A_255 = arith.constant 4 : i32
      %mul3A_256 = arith.muli %mul3A_255, %scan3A_254 : i32
      %add3A_257 = arith.constant 2 : i32
      %add3A_258 = arith.addi %add3A_257, %mul3A_256 : i32
      %add3A_259 = arith.constant 0 : i32
      %add3A_260 = arith.addi %add3A_258, %add3A_259 : i32
      %dma_wait3A_261 = arith.constant 1 : i32
      %dma_wait3A_262 = arith.constant 0 : i32
      %dma_wait3A_263 = tpu.memref_slice %arg13[%dma_wait3A_261, %dma_wait3A_262] : memref<2x128xi32, #tpu.memory_space<vmem>> -> memref<1x128xi32, #tpu.memory_space<vmem>>
      %dma_wait3A_264 = tpu.memref_squeeze %dma_wait3A_263 : memref<1x128xi32, #tpu.memory_space<vmem>> -> memref<128xi32, #tpu.memory_space<vmem>>
      %dma_wait3A_265 = arith.constant 0 : i32
      %dma_wait3A_266 = arith.constant 0 : i32
      %dma_wait3A_267 = tpu.memref_slice %arg9[%dma_wait3A_265, %dma_wait3A_266] : memref<10240x128xf32, #tpu.memory_space<vmem_shared>> -> memref<10240x128xf32, #tpu.memory_space<vmem_shared>>
      tpu.wait_indirect_dma semaphore(%arg24 : memref<!tpu.dma_semaphore, #tpu.memory_space<semaphore_mem>>) src(%arg11 : memref<128x128xf32, #tpu.memory_space<vmem>>) dst(%dma_wait3A_267 : memref<10240x128xf32, #tpu.memory_space<vmem_shared>>)
      %dma_wait3A_268 = arith.constant 1 : i32
      %dma_wait3A_269 = arith.constant 0 : i32
      %dma_wait3A_270 = tpu.memref_slice %arg13[%dma_wait3A_268, %dma_wait3A_269] : memref<2x128xi32, #tpu.memory_space<vmem>> -> memref<1x128xi32, #tpu.memory_space<vmem>>
      %dma_wait3A_271 = tpu.memref_squeeze %dma_wait3A_270 : memref<1x128xi32, #tpu.memory_space<vmem>> -> memref<128xi32, #tpu.memory_space<vmem>>
      %dma_wait3A_272 = arith.constant 0 : i32
      %dma_wait3A_273 = tpu.memref_slice %arg10[%dma_wait3A_272] : memref<10240xf32, #tpu.memory_space<vmem_shared>> -> memref<10240xf32, #tpu.memory_space<vmem_shared>>
      tpu.wait_indirect_dma semaphore(%arg26 : memref<!tpu.dma_semaphore, #tpu.memory_space<semaphore_mem>>) src(%arg17 : memref<128xf32, #tpu.memory_space<vmem>>) dst(%dma_wait3A_273 : memref<10240xf32, #tpu.memory_space<vmem_shared>>)
      %add3A_274 = arith.constant 2 : i32
      %add3A_275 = arith.addi %add3A_260, %add3A_274 : i32
      %add3A_276 = arith.addi %mul3A_2, %add3A_275 : i32
      %dma_start3A_277 = arith.constant 0 : i32
      %dma_start3A_278 = arith.constant 0 : i32
      %dma_start3A_279 = tpu.memref_slice %arg3[%add3A_276, %dma_start3A_277, %dma_start3A_278] : memref<2560x2x128xi32, #tpu.memory_space<hbm>> -> memref<1x2x128xi32, #tpu.memory_space<hbm>>
      %dma_start3A_280 = tpu.memref_squeeze %dma_start3A_279 : memref<1x2x128xi32, #tpu.memory_space<hbm>> -> memref<2x128xi32, #tpu.memory_space<hbm>>
      %dma_start3A_281 = arith.constant 0 : i32
      %dma_start3A_282 = arith.constant 0 : i32
      %dma_start3A_283 = tpu.memref_slice %arg3[%add3A_276, %dma_start3A_281, %dma_start3A_282] : memref<2560x2x128xi32, #tpu.memory_space<hbm>> -> memref<1x2x128xi32, #tpu.memory_space<hbm>>
      %dma_start3A_284 = tpu.memref_squeeze %dma_start3A_283 : memref<1x2x128xi32, #tpu.memory_space<hbm>> -> memref<2x128xi32, #tpu.memory_space<hbm>>
      tpu.enqueue_dma source(%dma_start3A_284 : memref<2x128xi32, #tpu.memory_space<hbm>>) target(%arg13 : memref<2x128xi32, #tpu.memory_space<vmem>>) target_semaphore(%arg18 : memref<!tpu.dma_semaphore, #tpu.memory_space<semaphore_mem>>)
      %add3A_285 = arith.addi %mul3A_2, %add3A_260 : i32
      %dma_wait3A_286 = arith.constant 0 : i32
      %dma_wait3A_287 = arith.constant 0 : i32
      %dma_wait3A_288 = tpu.memref_slice %arg3[%add3A_285, %dma_wait3A_286, %dma_wait3A_287] : memref<2560x2x128xi32, #tpu.memory_space<hbm>> -> memref<1x2x128xi32, #tpu.memory_space<hbm>>
      %dma_wait3A_289 = tpu.memref_squeeze %dma_wait3A_288 : memref<1x2x128xi32, #tpu.memory_space<hbm>> -> memref<2x128xi32, #tpu.memory_space<hbm>>
      %dma_wait3A_290 = arith.constant 0 : i32
      %dma_wait3A_291 = arith.constant 0 : i32
      %dma_wait3A_292 = tpu.memref_slice %arg3[%add3A_285, %dma_wait3A_290, %dma_wait3A_291] : memref<2560x2x128xi32, #tpu.memory_space<hbm>> -> memref<1x2x128xi32, #tpu.memory_space<hbm>>
      %dma_wait3A_293 = tpu.memref_squeeze %dma_wait3A_292 : memref<1x2x128xi32, #tpu.memory_space<hbm>> -> memref<2x128xi32, #tpu.memory_space<hbm>>
      tpu.wait_dma2 semaphore(%arg20 : memref<!tpu.dma_semaphore, #tpu.memory_space<semaphore_mem>>) src(%dma_wait3A_293 : memref<2x128xi32, #tpu.memory_space<hbm>>) dst(%arg15 : memref<2x128xi32, #tpu.memory_space<vmem>>)
      %dma_start3A_294 = arith.constant 0 : i32
      %dma_start3A_295 = arith.constant 0 : i32
      %dma_start3A_296 = tpu.memref_slice %arg15[%dma_start3A_294, %dma_start3A_295] : memref<2x128xi32, #tpu.memory_space<vmem>> -> memref<1x128xi32, #tpu.memory_space<vmem>>
      %dma_start3A_297 = tpu.memref_squeeze %dma_start3A_296 : memref<1x128xi32, #tpu.memory_space<vmem>> -> memref<128xi32, #tpu.memory_space<vmem>>
      %dma_start3A_298 = arith.constant 0 : i32
      %dma_start3A_299 = arith.constant 0 : i32
      %dma_start3A_300 = tpu.memref_slice %arg2[%dma_start3A_298, %dma_start3A_299] : memref<10240x128xf32, #tpu.memory_space<hbm>> -> memref<10240x128xf32, #tpu.memory_space<hbm>>
      tpu.enqueue_indirect_dma source(%dma_start3A_300 : memref<10240x128xf32, #tpu.memory_space<hbm>>) target(%arg11 : memref<128x128xf32, #tpu.memory_space<vmem>>) offsets(%dma_start3A_297 : memref<128xi32, #tpu.memory_space<vmem>>) semaphore(%arg22 : memref<!tpu.dma_semaphore, #tpu.memory_space<semaphore_mem>>)
      %dma_wait3A_301 = arith.constant 0 : i32
      %dma_wait3A_302 = arith.constant 0 : i32
      %dma_wait3A_303 = tpu.memref_slice %arg14[%dma_wait3A_301, %dma_wait3A_302] : memref<2x128xi32, #tpu.memory_space<vmem>> -> memref<1x128xi32, #tpu.memory_space<vmem>>
      %dma_wait3A_304 = tpu.memref_squeeze %dma_wait3A_303 : memref<1x128xi32, #tpu.memory_space<vmem>> -> memref<128xi32, #tpu.memory_space<vmem>>
      %dma_wait3A_305 = arith.constant 0 : i32
      %dma_wait3A_306 = arith.constant 0 : i32
      %dma_wait3A_307 = tpu.memref_slice %arg2[%dma_wait3A_305, %dma_wait3A_306] : memref<10240x128xf32, #tpu.memory_space<hbm>> -> memref<10240x128xf32, #tpu.memory_space<hbm>>
      tpu.wait_indirect_dma semaphore(%arg23 : memref<!tpu.dma_semaphore, #tpu.memory_space<semaphore_mem>>) src(%dma_wait3A_307 : memref<10240x128xf32, #tpu.memory_space<hbm>>) dst(%arg12 : memref<128x128xf32, #tpu.memory_space<vmem>>)
      %dma_start3A_308 = arith.constant 1 : i32
      %dma_start3A_309 = arith.constant 0 : i32
      %dma_start3A_310 = tpu.memref_slice %arg14[%dma_start3A_308, %dma_start3A_309] : memref<2x128xi32, #tpu.memory_space<vmem>> -> memref<1x128xi32, #tpu.memory_space<vmem>>
      %dma_start3A_311 = tpu.memref_squeeze %dma_start3A_310 : memref<1x128xi32, #tpu.memory_space<vmem>> -> memref<128xi32, #tpu.memory_space<vmem>>
      %dma_start3A_312 = arith.constant 0 : i32
      %dma_start3A_313 = arith.constant 0 : i32
      %dma_start3A_314 = tpu.memref_slice %arg9[%dma_start3A_312, %dma_start3A_313] : memref<10240x128xf32, #tpu.memory_space<vmem_shared>> -> memref<10240x128xf32, #tpu.memory_space<vmem_shared>>
      tpu.enqueue_indirect_dma source(%arg12 : memref<128x128xf32, #tpu.memory_space<vmem>>) target(%dma_start3A_314 : memref<10240x128xf32, #tpu.memory_space<vmem_shared>>) offsets(%dma_start3A_311 : memref<128xi32, #tpu.memory_space<vmem>>) semaphore(%arg25 : memref<!tpu.dma_semaphore, #tpu.memory_space<semaphore_mem>>) {add = true}
      %dma_start3A_315 = arith.constant 1 : i32
      %dma_start3A_316 = arith.constant 0 : i32
      %dma_start3A_317 = tpu.memref_slice %arg14[%dma_start3A_315, %dma_start3A_316] : memref<2x128xi32, #tpu.memory_space<vmem>> -> memref<1x128xi32, #tpu.memory_space<vmem>>
      %dma_start3A_318 = tpu.memref_squeeze %dma_start3A_317 : memref<1x128xi32, #tpu.memory_space<vmem>> -> memref<128xi32, #tpu.memory_space<vmem>>
      %dma_start3A_319 = arith.constant 0 : i32
      %dma_start3A_320 = tpu.memref_slice %arg10[%dma_start3A_319] : memref<10240xf32, #tpu.memory_space<vmem_shared>> -> memref<10240xf32, #tpu.memory_space<vmem_shared>>
      tpu.enqueue_indirect_dma source(%arg17 : memref<128xf32, #tpu.memory_space<vmem>>) target(%dma_start3A_320 : memref<10240xf32, #tpu.memory_space<vmem_shared>>) offsets(%dma_start3A_318 : memref<128xi32, #tpu.memory_space<vmem>>) semaphore(%arg27 : memref<!tpu.dma_semaphore, #tpu.memory_space<semaphore_mem>>) {add = true}
      %add3A_321 = arith.constant 1 : i32
      %add3A_322 = arith.addi %add3A_258, %add3A_321 : i32
      %dma_wait3A_323 = arith.constant 1 : i32
      %dma_wait3A_324 = arith.constant 0 : i32
      %dma_wait3A_325 = tpu.memref_slice %arg14[%dma_wait3A_323, %dma_wait3A_324] : memref<2x128xi32, #tpu.memory_space<vmem>> -> memref<1x128xi32, #tpu.memory_space<vmem>>
      %dma_wait3A_326 = tpu.memref_squeeze %dma_wait3A_325 : memref<1x128xi32, #tpu.memory_space<vmem>> -> memref<128xi32, #tpu.memory_space<vmem>>
      %dma_wait3A_327 = arith.constant 0 : i32
      %dma_wait3A_328 = arith.constant 0 : i32
      %dma_wait3A_329 = tpu.memref_slice %arg9[%dma_wait3A_327, %dma_wait3A_328] : memref<10240x128xf32, #tpu.memory_space<vmem_shared>> -> memref<10240x128xf32, #tpu.memory_space<vmem_shared>>
      tpu.wait_indirect_dma semaphore(%arg25 : memref<!tpu.dma_semaphore, #tpu.memory_space<semaphore_mem>>) src(%arg12 : memref<128x128xf32, #tpu.memory_space<vmem>>) dst(%dma_wait3A_329 : memref<10240x128xf32, #tpu.memory_space<vmem_shared>>)
      %dma_wait3A_330 = arith.constant 1 : i32
      %dma_wait3A_331 = arith.constant 0 : i32
      %dma_wait3A_332 = tpu.memref_slice %arg14[%dma_wait3A_330, %dma_wait3A_331] : memref<2x128xi32, #tpu.memory_space<vmem>> -> memref<1x128xi32, #tpu.memory_space<vmem>>
      %dma_wait3A_333 = tpu.memref_squeeze %dma_wait3A_332 : memref<1x128xi32, #tpu.memory_space<vmem>> -> memref<128xi32, #tpu.memory_space<vmem>>
      %dma_wait3A_334 = arith.constant 0 : i32
      %dma_wait3A_335 = tpu.memref_slice %arg10[%dma_wait3A_334] : memref<10240xf32, #tpu.memory_space<vmem_shared>> -> memref<10240xf32, #tpu.memory_space<vmem_shared>>
      tpu.wait_indirect_dma semaphore(%arg27 : memref<!tpu.dma_semaphore, #tpu.memory_space<semaphore_mem>>) src(%arg17 : memref<128xf32, #tpu.memory_space<vmem>>) dst(%dma_wait3A_335 : memref<10240xf32, #tpu.memory_space<vmem_shared>>)
      %add3A_336 = arith.constant 2 : i32
      %add3A_337 = arith.addi %add3A_322, %add3A_336 : i32
      %add3A_338 = arith.addi %mul3A_2, %add3A_337 : i32
      %dma_start3A_339 = arith.constant 0 : i32
      %dma_start3A_340 = arith.constant 0 : i32
      %dma_start3A_341 = tpu.memref_slice %arg3[%add3A_338, %dma_start3A_339, %dma_start3A_340] : memref<2560x2x128xi32, #tpu.memory_space<hbm>> -> memref<1x2x128xi32, #tpu.memory_space<hbm>>
      %dma_start3A_342 = tpu.memref_squeeze %dma_start3A_341 : memref<1x2x128xi32, #tpu.memory_space<hbm>> -> memref<2x128xi32, #tpu.memory_space<hbm>>
      %dma_start3A_343 = arith.constant 0 : i32
      %dma_start3A_344 = arith.constant 0 : i32
      %dma_start3A_345 = tpu.memref_slice %arg3[%add3A_338, %dma_start3A_343, %dma_start3A_344] : memref<2560x2x128xi32, #tpu.memory_space<hbm>> -> memref<1x2x128xi32, #tpu.memory_space<hbm>>
      %dma_start3A_346 = tpu.memref_squeeze %dma_start3A_345 : memref<1x2x128xi32, #tpu.memory_space<hbm>> -> memref<2x128xi32, #tpu.memory_space<hbm>>
      tpu.enqueue_dma source(%dma_start3A_346 : memref<2x128xi32, #tpu.memory_space<hbm>>) target(%arg14 : memref<2x128xi32, #tpu.memory_space<vmem>>) target_semaphore(%arg19 : memref<!tpu.dma_semaphore, #tpu.memory_space<semaphore_mem>>)
      %add3A_347 = arith.addi %mul3A_2, %add3A_322 : i32
      %dma_wait3A_348 = arith.constant 0 : i32
      %dma_wait3A_349 = arith.constant 0 : i32
      %dma_wait3A_350 = tpu.memref_slice %arg3[%add3A_347, %dma_wait3A_348, %dma_wait3A_349] : memref<2560x2x128xi32, #tpu.memory_space<hbm>> -> memref<1x2x128xi32, #tpu.memory_space<hbm>>
      %dma_wait3A_351 = tpu.memref_squeeze %dma_wait3A_350 : memref<1x2x128xi32, #tpu.memory_space<hbm>> -> memref<2x128xi32, #tpu.memory_space<hbm>>
      %dma_wait3A_352 = arith.constant 0 : i32
      %dma_wait3A_353 = arith.constant 0 : i32
      %dma_wait3A_354 = tpu.memref_slice %arg3[%add3A_347, %dma_wait3A_352, %dma_wait3A_353] : memref<2560x2x128xi32, #tpu.memory_space<hbm>> -> memref<1x2x128xi32, #tpu.memory_space<hbm>>
      %dma_wait3A_355 = tpu.memref_squeeze %dma_wait3A_354 : memref<1x2x128xi32, #tpu.memory_space<hbm>> -> memref<2x128xi32, #tpu.memory_space<hbm>>
      tpu.wait_dma2 semaphore(%arg21 : memref<!tpu.dma_semaphore, #tpu.memory_space<semaphore_mem>>) src(%dma_wait3A_355 : memref<2x128xi32, #tpu.memory_space<hbm>>) dst(%arg16 : memref<2x128xi32, #tpu.memory_space<vmem>>)
      %dma_start3A_356 = arith.constant 0 : i32
      %dma_start3A_357 = arith.constant 0 : i32
      %dma_start3A_358 = tpu.memref_slice %arg16[%dma_start3A_356, %dma_start3A_357] : memref<2x128xi32, #tpu.memory_space<vmem>> -> memref<1x128xi32, #tpu.memory_space<vmem>>
      %dma_start3A_359 = tpu.memref_squeeze %dma_start3A_358 : memref<1x128xi32, #tpu.memory_space<vmem>> -> memref<128xi32, #tpu.memory_space<vmem>>
      %dma_start3A_360 = arith.constant 0 : i32
      %dma_start3A_361 = arith.constant 0 : i32
      %dma_start3A_362 = tpu.memref_slice %arg2[%dma_start3A_360, %dma_start3A_361] : memref<10240x128xf32, #tpu.memory_space<hbm>> -> memref<10240x128xf32, #tpu.memory_space<hbm>>
      tpu.enqueue_indirect_dma source(%dma_start3A_362 : memref<10240x128xf32, #tpu.memory_space<hbm>>) target(%arg12 : memref<128x128xf32, #tpu.memory_space<vmem>>) offsets(%dma_start3A_359 : memref<128xi32, #tpu.memory_space<vmem>>) semaphore(%arg23 : memref<!tpu.dma_semaphore, #tpu.memory_space<semaphore_mem>>)
      %dma_wait3A_363 = arith.constant 0 : i32
      %dma_wait3A_364 = arith.constant 0 : i32
      %dma_wait3A_365 = tpu.memref_slice %arg15[%dma_wait3A_363, %dma_wait3A_364] : memref<2x128xi32, #tpu.memory_space<vmem>> -> memref<1x128xi32, #tpu.memory_space<vmem>>
      %dma_wait3A_366 = tpu.memref_squeeze %dma_wait3A_365 : memref<1x128xi32, #tpu.memory_space<vmem>> -> memref<128xi32, #tpu.memory_space<vmem>>
      %dma_wait3A_367 = arith.constant 0 : i32
      %dma_wait3A_368 = arith.constant 0 : i32
      %dma_wait3A_369 = tpu.memref_slice %arg2[%dma_wait3A_367, %dma_wait3A_368] : memref<10240x128xf32, #tpu.memory_space<hbm>> -> memref<10240x128xf32, #tpu.memory_space<hbm>>
      tpu.wait_indirect_dma semaphore(%arg22 : memref<!tpu.dma_semaphore, #tpu.memory_space<semaphore_mem>>) src(%dma_wait3A_369 : memref<10240x128xf32, #tpu.memory_space<hbm>>) dst(%arg11 : memref<128x128xf32, #tpu.memory_space<vmem>>)
      %dma_start3A_370 = arith.constant 1 : i32
      %dma_start3A_371 = arith.constant 0 : i32
      %dma_start3A_372 = tpu.memref_slice %arg15[%dma_start3A_370, %dma_start3A_371] : memref<2x128xi32, #tpu.memory_space<vmem>> -> memref<1x128xi32, #tpu.memory_space<vmem>>
      %dma_start3A_373 = tpu.memref_squeeze %dma_start3A_372 : memref<1x128xi32, #tpu.memory_space<vmem>> -> memref<128xi32, #tpu.memory_space<vmem>>
      %dma_start3A_374 = arith.constant 0 : i32
      %dma_start3A_375 = arith.constant 0 : i32
      %dma_start3A_376 = tpu.memref_slice %arg9[%dma_start3A_374, %dma_start3A_375] : memref<10240x128xf32, #tpu.memory_space<vmem_shared>> -> memref<10240x128xf32, #tpu.memory_space<vmem_shared>>
      tpu.enqueue_indirect_dma source(%arg11 : memref<128x128xf32, #tpu.memory_space<vmem>>) target(%dma_start3A_376 : memref<10240x128xf32, #tpu.memory_space<vmem_shared>>) offsets(%dma_start3A_373 : memref<128xi32, #tpu.memory_space<vmem>>) semaphore(%arg24 : memref<!tpu.dma_semaphore, #tpu.memory_space<semaphore_mem>>) {add = true}
      %dma_start3A_377 = arith.constant 1 : i32
      %dma_start3A_378 = arith.constant 0 : i32
      %dma_start3A_379 = tpu.memref_slice %arg15[%dma_start3A_377, %dma_start3A_378] : memref<2x128xi32, #tpu.memory_space<vmem>> -> memref<1x128xi32, #tpu.memory_space<vmem>>
      %dma_start3A_380 = tpu.memref_squeeze %dma_start3A_379 : memref<1x128xi32, #tpu.memory_space<vmem>> -> memref<128xi32, #tpu.memory_space<vmem>>
      %dma_start3A_381 = arith.constant 0 : i32
      %dma_start3A_382 = tpu.memref_slice %arg10[%dma_start3A_381] : memref<10240xf32, #tpu.memory_space<vmem_shared>> -> memref<10240xf32, #tpu.memory_space<vmem_shared>>
      tpu.enqueue_indirect_dma source(%arg17 : memref<128xf32, #tpu.memory_space<vmem>>) target(%dma_start3A_382 : memref<10240xf32, #tpu.memory_space<vmem_shared>>) offsets(%dma_start3A_380 : memref<128xi32, #tpu.memory_space<vmem>>) semaphore(%arg26 : memref<!tpu.dma_semaphore, #tpu.memory_space<semaphore_mem>>) {add = true}
      %add3A_383 = arith.constant 2 : i32
      %add3A_384 = arith.addi %add3A_258, %add3A_383 : i32
      %dma_wait3A_385 = arith.constant 1 : i32
      %dma_wait3A_386 = arith.constant 0 : i32
      %dma_wait3A_387 = tpu.memref_slice %arg15[%dma_wait3A_385, %dma_wait3A_386] : memref<2x128xi32, #tpu.memory_space<vmem>> -> memref<1x128xi32, #tpu.memory_space<vmem>>
      %dma_wait3A_388 = tpu.memref_squeeze %dma_wait3A_387 : memref<1x128xi32, #tpu.memory_space<vmem>> -> memref<128xi32, #tpu.memory_space<vmem>>
      %dma_wait3A_389 = arith.constant 0 : i32
      %dma_wait3A_390 = arith.constant 0 : i32
      %dma_wait3A_391 = tpu.memref_slice %arg9[%dma_wait3A_389, %dma_wait3A_390] : memref<10240x128xf32, #tpu.memory_space<vmem_shared>> -> memref<10240x128xf32, #tpu.memory_space<vmem_shared>>
      tpu.wait_indirect_dma semaphore(%arg24 : memref<!tpu.dma_semaphore, #tpu.memory_space<semaphore_mem>>) src(%arg11 : memref<128x128xf32, #tpu.memory_space<vmem>>) dst(%dma_wait3A_391 : memref<10240x128xf32, #tpu.memory_space<vmem_shared>>)
      %dma_wait3A_392 = arith.constant 1 : i32
      %dma_wait3A_393 = arith.constant 0 : i32
      %dma_wait3A_394 = tpu.memref_slice %arg15[%dma_wait3A_392, %dma_wait3A_393] : memref<2x128xi32, #tpu.memory_space<vmem>> -> memref<1x128xi32, #tpu.memory_space<vmem>>
      %dma_wait3A_395 = tpu.memref_squeeze %dma_wait3A_394 : memref<1x128xi32, #tpu.memory_space<vmem>> -> memref<128xi32, #tpu.memory_space<vmem>>
      %dma_wait3A_396 = arith.constant 0 : i32
      %dma_wait3A_397 = tpu.memref_slice %arg10[%dma_wait3A_396] : memref<10240xf32, #tpu.memory_space<vmem_shared>> -> memref<10240xf32, #tpu.memory_space<vmem_shared>>
      tpu.wait_indirect_dma semaphore(%arg26 : memref<!tpu.dma_semaphore, #tpu.memory_space<semaphore_mem>>) src(%arg17 : memref<128xf32, #tpu.memory_space<vmem>>) dst(%dma_wait3A_397 : memref<10240xf32, #tpu.memory_space<vmem_shared>>)
      %add3A_398 = arith.constant 2 : i32
      %add3A_399 = arith.addi %add3A_384, %add3A_398 : i32
      %add3A_400 = arith.addi %mul3A_2, %add3A_399 : i32
      %dma_start3A_401 = arith.constant 0 : i32
      %dma_start3A_402 = arith.constant 0 : i32
      %dma_start3A_403 = tpu.memref_slice %arg3[%add3A_400, %dma_start3A_401, %dma_start3A_402] : memref<2560x2x128xi32, #tpu.memory_space<hbm>> -> memref<1x2x128xi32, #tpu.memory_space<hbm>>
      %dma_start3A_404 = tpu.memref_squeeze %dma_start3A_403 : memref<1x2x128xi32, #tpu.memory_space<hbm>> -> memref<2x128xi32, #tpu.memory_space<hbm>>
      %dma_start3A_405 = arith.constant 0 : i32
      %dma_start3A_406 = arith.constant 0 : i32
      %dma_start3A_407 = tpu.memref_slice %arg3[%add3A_400, %dma_start3A_405, %dma_start3A_406] : memref<2560x2x128xi32, #tpu.memory_space<hbm>> -> memref<1x2x128xi32, #tpu.memory_space<hbm>>
      %dma_start3A_408 = tpu.memref_squeeze %dma_start3A_407 : memref<1x2x128xi32, #tpu.memory_space<hbm>> -> memref<2x128xi32, #tpu.memory_space<hbm>>
      tpu.enqueue_dma source(%dma_start3A_408 : memref<2x128xi32, #tpu.memory_space<hbm>>) target(%arg15 : memref<2x128xi32, #tpu.memory_space<vmem>>) target_semaphore(%arg20 : memref<!tpu.dma_semaphore, #tpu.memory_space<semaphore_mem>>)
      %add3A_409 = arith.addi %mul3A_2, %add3A_384 : i32
      %dma_wait3A_410 = arith.constant 0 : i32
      %dma_wait3A_411 = arith.constant 0 : i32
      %dma_wait3A_412 = tpu.memref_slice %arg3[%add3A_409, %dma_wait3A_410, %dma_wait3A_411] : memref<2560x2x128xi32, #tpu.memory_space<hbm>> -> memref<1x2x128xi32, #tpu.memory_space<hbm>>
      %dma_wait3A_413 = tpu.memref_squeeze %dma_wait3A_412 : memref<1x2x128xi32, #tpu.memory_space<hbm>> -> memref<2x128xi32, #tpu.memory_space<hbm>>
      %dma_wait3A_414 = arith.constant 0 : i32
      %dma_wait3A_415 = arith.constant 0 : i32
      %dma_wait3A_416 = tpu.memref_slice %arg3[%add3A_409, %dma_wait3A_414, %dma_wait3A_415] : memref<2560x2x128xi32, #tpu.memory_space<hbm>> -> memref<1x2x128xi32, #tpu.memory_space<hbm>>
      %dma_wait3A_417 = tpu.memref_squeeze %dma_wait3A_416 : memref<1x2x128xi32, #tpu.memory_space<hbm>> -> memref<2x128xi32, #tpu.memory_space<hbm>>
      tpu.wait_dma2 semaphore(%arg18 : memref<!tpu.dma_semaphore, #tpu.memory_space<semaphore_mem>>) src(%dma_wait3A_417 : memref<2x128xi32, #tpu.memory_space<hbm>>) dst(%arg13 : memref<2x128xi32, #tpu.memory_space<vmem>>)
      %dma_start3A_418 = arith.constant 0 : i32
      %dma_start3A_419 = arith.constant 0 : i32
      %dma_start3A_420 = tpu.memref_slice %arg13[%dma_start3A_418, %dma_start3A_419] : memref<2x128xi32, #tpu.memory_space<vmem>> -> memref<1x128xi32, #tpu.memory_space<vmem>>
      %dma_start3A_421 = tpu.memref_squeeze %dma_start3A_420 : memref<1x128xi32, #tpu.memory_space<vmem>> -> memref<128xi32, #tpu.memory_space<vmem>>
      %dma_start3A_422 = arith.constant 0 : i32
      %dma_start3A_423 = arith.constant 0 : i32
      %dma_start3A_424 = tpu.memref_slice %arg2[%dma_start3A_422, %dma_start3A_423] : memref<10240x128xf32, #tpu.memory_space<hbm>> -> memref<10240x128xf32, #tpu.memory_space<hbm>>
      tpu.enqueue_indirect_dma source(%dma_start3A_424 : memref<10240x128xf32, #tpu.memory_space<hbm>>) target(%arg11 : memref<128x128xf32, #tpu.memory_space<vmem>>) offsets(%dma_start3A_421 : memref<128xi32, #tpu.memory_space<vmem>>) semaphore(%arg22 : memref<!tpu.dma_semaphore, #tpu.memory_space<semaphore_mem>>)
      %dma_wait3A_425 = arith.constant 0 : i32
      %dma_wait3A_426 = arith.constant 0 : i32
      %dma_wait3A_427 = tpu.memref_slice %arg16[%dma_wait3A_425, %dma_wait3A_426] : memref<2x128xi32, #tpu.memory_space<vmem>> -> memref<1x128xi32, #tpu.memory_space<vmem>>
      %dma_wait3A_428 = tpu.memref_squeeze %dma_wait3A_427 : memref<1x128xi32, #tpu.memory_space<vmem>> -> memref<128xi32, #tpu.memory_space<vmem>>
      %dma_wait3A_429 = arith.constant 0 : i32
      %dma_wait3A_430 = arith.constant 0 : i32
      %dma_wait3A_431 = tpu.memref_slice %arg2[%dma_wait3A_429, %dma_wait3A_430] : memref<10240x128xf32, #tpu.memory_space<hbm>> -> memref<10240x128xf32, #tpu.memory_space<hbm>>
      tpu.wait_indirect_dma semaphore(%arg23 : memref<!tpu.dma_semaphore, #tpu.memory_space<semaphore_mem>>) src(%dma_wait3A_431 : memref<10240x128xf32, #tpu.memory_space<hbm>>) dst(%arg12 : memref<128x128xf32, #tpu.memory_space<vmem>>)
      %dma_start3A_432 = arith.constant 1 : i32
      %dma_start3A_433 = arith.constant 0 : i32
      %dma_start3A_434 = tpu.memref_slice %arg16[%dma_start3A_432, %dma_start3A_433] : memref<2x128xi32, #tpu.memory_space<vmem>> -> memref<1x128xi32, #tpu.memory_space<vmem>>
      %dma_start3A_435 = tpu.memref_squeeze %dma_start3A_434 : memref<1x128xi32, #tpu.memory_space<vmem>> -> memref<128xi32, #tpu.memory_space<vmem>>
      %dma_start3A_436 = arith.constant 0 : i32
      %dma_start3A_437 = arith.constant 0 : i32
      %dma_start3A_438 = tpu.memref_slice %arg9[%dma_start3A_436, %dma_start3A_437] : memref<10240x128xf32, #tpu.memory_space<vmem_shared>> -> memref<10240x128xf32, #tpu.memory_space<vmem_shared>>
      tpu.enqueue_indirect_dma source(%arg12 : memref<128x128xf32, #tpu.memory_space<vmem>>) target(%dma_start3A_438 : memref<10240x128xf32, #tpu.memory_space<vmem_shared>>) offsets(%dma_start3A_435 : memref<128xi32, #tpu.memory_space<vmem>>) semaphore(%arg25 : memref<!tpu.dma_semaphore, #tpu.memory_space<semaphore_mem>>) {add = true}
      %dma_start3A_439 = arith.constant 1 : i32
      %dma_start3A_440 = arith.constant 0 : i32
      %dma_start3A_441 = tpu.memref_slice %arg16[%dma_start3A_439, %dma_start3A_440] : memref<2x128xi32, #tpu.memory_space<vmem>> -> memref<1x128xi32, #tpu.memory_space<vmem>>
      %dma_start3A_442 = tpu.memref_squeeze %dma_start3A_441 : memref<1x128xi32, #tpu.memory_space<vmem>> -> memref<128xi32, #tpu.memory_space<vmem>>
      %dma_start3A_443 = arith.constant 0 : i32
      %dma_start3A_444 = tpu.memref_slice %arg10[%dma_start3A_443] : memref<10240xf32, #tpu.memory_space<vmem_shared>> -> memref<10240xf32, #tpu.memory_space<vmem_shared>>
      tpu.enqueue_indirect_dma source(%arg17 : memref<128xf32, #tpu.memory_space<vmem>>) target(%dma_start3A_444 : memref<10240xf32, #tpu.memory_space<vmem_shared>>) offsets(%dma_start3A_442 : memref<128xi32, #tpu.memory_space<vmem>>) semaphore(%arg27 : memref<!tpu.dma_semaphore, #tpu.memory_space<semaphore_mem>>) {add = true}
      %add3A_445 = arith.constant 3 : i32
      %add3A_446 = arith.addi %add3A_258, %add3A_445 : i32
      %dma_wait3A_447 = arith.constant 1 : i32
      %dma_wait3A_448 = arith.constant 0 : i32
      %dma_wait3A_449 = tpu.memref_slice %arg16[%dma_wait3A_447, %dma_wait3A_448] : memref<2x128xi32, #tpu.memory_space<vmem>> -> memref<1x128xi32, #tpu.memory_space<vmem>>
      %dma_wait3A_450 = tpu.memref_squeeze %dma_wait3A_449 : memref<1x128xi32, #tpu.memory_space<vmem>> -> memref<128xi32, #tpu.memory_space<vmem>>
      %dma_wait3A_451 = arith.constant 0 : i32
      %dma_wait3A_452 = arith.constant 0 : i32
      %dma_wait3A_453 = tpu.memref_slice %arg9[%dma_wait3A_451, %dma_wait3A_452] : memref<10240x128xf32, #tpu.memory_space<vmem_shared>> -> memref<10240x128xf32, #tpu.memory_space<vmem_shared>>
      tpu.wait_indirect_dma semaphore(%arg25 : memref<!tpu.dma_semaphore, #tpu.memory_space<semaphore_mem>>) src(%arg12 : memref<128x128xf32, #tpu.memory_space<vmem>>) dst(%dma_wait3A_453 : memref<10240x128xf32, #tpu.memory_space<vmem_shared>>)
      %dma_wait3A_454 = arith.constant 1 : i32
      %dma_wait3A_455 = arith.constant 0 : i32
      %dma_wait3A_456 = tpu.memref_slice %arg16[%dma_wait3A_454, %dma_wait3A_455] : memref<2x128xi32, #tpu.memory_space<vmem>> -> memref<1x128xi32, #tpu.memory_space<vmem>>
      %dma_wait3A_457 = tpu.memref_squeeze %dma_wait3A_456 : memref<1x128xi32, #tpu.memory_space<vmem>> -> memref<128xi32, #tpu.memory_space<vmem>>
      %dma_wait3A_458 = arith.constant 0 : i32
      %dma_wait3A_459 = tpu.memref_slice %arg10[%dma_wait3A_458] : memref<10240xf32, #tpu.memory_space<vmem_shared>> -> memref<10240xf32, #tpu.memory_space<vmem_shared>>
      tpu.wait_indirect_dma semaphore(%arg27 : memref<!tpu.dma_semaphore, #tpu.memory_space<semaphore_mem>>) src(%arg17 : memref<128xf32, #tpu.memory_space<vmem>>) dst(%dma_wait3A_459 : memref<10240xf32, #tpu.memory_space<vmem_shared>>)
      %add3A_460 = arith.constant 2 : i32
      %add3A_461 = arith.addi %add3A_446, %add3A_460 : i32
      %add3A_462 = arith.addi %mul3A_2, %add3A_461 : i32
      %dma_start3A_463 = arith.constant 0 : i32
      %dma_start3A_464 = arith.constant 0 : i32
      %dma_start3A_465 = tpu.memref_slice %arg3[%add3A_462, %dma_start3A_463, %dma_start3A_464] : memref<2560x2x128xi32, #tpu.memory_space<hbm>> -> memref<1x2x128xi32, #tpu.memory_space<hbm>>
      %dma_start3A_466 = tpu.memref_squeeze %dma_start3A_465 : memref<1x2x128xi32, #tpu.memory_space<hbm>> -> memref<2x128xi32, #tpu.memory_space<hbm>>
      %dma_start3A_467 = arith.constant 0 : i32
      %dma_start3A_468 = arith.constant 0 : i32
      %dma_start3A_469 = tpu.memref_slice %arg3[%add3A_462, %dma_start3A_467, %dma_start3A_468] : memref<2560x2x128xi32, #tpu.memory_space<hbm>> -> memref<1x2x128xi32, #tpu.memory_space<hbm>>
      %dma_start3A_470 = tpu.memref_squeeze %dma_start3A_469 : memref<1x2x128xi32, #tpu.memory_space<hbm>> -> memref<2x128xi32, #tpu.memory_space<hbm>>
      tpu.enqueue_dma source(%dma_start3A_470 : memref<2x128xi32, #tpu.memory_space<hbm>>) target(%arg16 : memref<2x128xi32, #tpu.memory_space<vmem>>) target_semaphore(%arg21 : memref<!tpu.dma_semaphore, #tpu.memory_space<semaphore_mem>>)
      %add3A_471 = arith.addi %mul3A_2, %add3A_446 : i32
      %dma_wait3A_472 = arith.constant 0 : i32
      %dma_wait3A_473 = arith.constant 0 : i32
      %dma_wait3A_474 = tpu.memref_slice %arg3[%add3A_471, %dma_wait3A_472, %dma_wait3A_473] : memref<2560x2x128xi32, #tpu.memory_space<hbm>> -> memref<1x2x128xi32, #tpu.memory_space<hbm>>
      %dma_wait3A_475 = tpu.memref_squeeze %dma_wait3A_474 : memref<1x2x128xi32, #tpu.memory_space<hbm>> -> memref<2x128xi32, #tpu.memory_space<hbm>>
      %dma_wait3A_476 = arith.constant 0 : i32
      %dma_wait3A_477 = arith.constant 0 : i32
      %dma_wait3A_478 = tpu.memref_slice %arg3[%add3A_471, %dma_wait3A_476, %dma_wait3A_477] : memref<2560x2x128xi32, #tpu.memory_space<hbm>> -> memref<1x2x128xi32, #tpu.memory_space<hbm>>
      %dma_wait3A_479 = tpu.memref_squeeze %dma_wait3A_478 : memref<1x2x128xi32, #tpu.memory_space<hbm>> -> memref<2x128xi32, #tpu.memory_space<hbm>>
      tpu.wait_dma2 semaphore(%arg19 : memref<!tpu.dma_semaphore, #tpu.memory_space<semaphore_mem>>) src(%dma_wait3A_479 : memref<2x128xi32, #tpu.memory_space<hbm>>) dst(%arg14 : memref<2x128xi32, #tpu.memory_space<vmem>>)
      %dma_start3A_480 = arith.constant 0 : i32
      %dma_start3A_481 = arith.constant 0 : i32
      %dma_start3A_482 = tpu.memref_slice %arg14[%dma_start3A_480, %dma_start3A_481] : memref<2x128xi32, #tpu.memory_space<vmem>> -> memref<1x128xi32, #tpu.memory_space<vmem>>
      %dma_start3A_483 = tpu.memref_squeeze %dma_start3A_482 : memref<1x128xi32, #tpu.memory_space<vmem>> -> memref<128xi32, #tpu.memory_space<vmem>>
      %dma_start3A_484 = arith.constant 0 : i32
      %dma_start3A_485 = arith.constant 0 : i32
      %dma_start3A_486 = tpu.memref_slice %arg2[%dma_start3A_484, %dma_start3A_485] : memref<10240x128xf32, #tpu.memory_space<hbm>> -> memref<10240x128xf32, #tpu.memory_space<hbm>>
      tpu.enqueue_indirect_dma source(%dma_start3A_486 : memref<10240x128xf32, #tpu.memory_space<hbm>>) target(%arg12 : memref<128x128xf32, #tpu.memory_space<vmem>>) offsets(%dma_start3A_483 : memref<128xi32, #tpu.memory_space<vmem>>) semaphore(%arg23 : memref<!tpu.dma_semaphore, #tpu.memory_space<semaphore_mem>>)
      %dma_wait3A_487 = arith.constant 0 : i32
      %dma_wait3A_488 = arith.constant 0 : i32
      %dma_wait3A_489 = tpu.memref_slice %arg13[%dma_wait3A_487, %dma_wait3A_488] : memref<2x128xi32, #tpu.memory_space<vmem>> -> memref<1x128xi32, #tpu.memory_space<vmem>>
      %dma_wait3A_490 = tpu.memref_squeeze %dma_wait3A_489 : memref<1x128xi32, #tpu.memory_space<vmem>> -> memref<128xi32, #tpu.memory_space<vmem>>
      %dma_wait3A_491 = arith.constant 0 : i32
      %dma_wait3A_492 = arith.constant 0 : i32
      %dma_wait3A_493 = tpu.memref_slice %arg2[%dma_wait3A_491, %dma_wait3A_492] : memref<10240x128xf32, #tpu.memory_space<hbm>> -> memref<10240x128xf32, #tpu.memory_space<hbm>>
      tpu.wait_indirect_dma semaphore(%arg22 : memref<!tpu.dma_semaphore, #tpu.memory_space<semaphore_mem>>) src(%dma_wait3A_493 : memref<10240x128xf32, #tpu.memory_space<hbm>>) dst(%arg11 : memref<128x128xf32, #tpu.memory_space<vmem>>)
      %dma_start3A_494 = arith.constant 1 : i32
      %dma_start3A_495 = arith.constant 0 : i32
      %dma_start3A_496 = tpu.memref_slice %arg13[%dma_start3A_494, %dma_start3A_495] : memref<2x128xi32, #tpu.memory_space<vmem>> -> memref<1x128xi32, #tpu.memory_space<vmem>>
      %dma_start3A_497 = tpu.memref_squeeze %dma_start3A_496 : memref<1x128xi32, #tpu.memory_space<vmem>> -> memref<128xi32, #tpu.memory_space<vmem>>
      %dma_start3A_498 = arith.constant 0 : i32
      %dma_start3A_499 = arith.constant 0 : i32
      %dma_start3A_500 = tpu.memref_slice %arg9[%dma_start3A_498, %dma_start3A_499] : memref<10240x128xf32, #tpu.memory_space<vmem_shared>> -> memref<10240x128xf32, #tpu.memory_space<vmem_shared>>
      tpu.enqueue_indirect_dma source(%arg11 : memref<128x128xf32, #tpu.memory_space<vmem>>) target(%dma_start3A_500 : memref<10240x128xf32, #tpu.memory_space<vmem_shared>>) offsets(%dma_start3A_497 : memref<128xi32, #tpu.memory_space<vmem>>) semaphore(%arg24 : memref<!tpu.dma_semaphore, #tpu.memory_space<semaphore_mem>>) {add = true}
      %dma_start3A_501 = arith.constant 1 : i32
      %dma_start3A_502 = arith.constant 0 : i32
      %dma_start3A_503 = tpu.memref_slice %arg13[%dma_start3A_501, %dma_start3A_502] : memref<2x128xi32, #tpu.memory_space<vmem>> -> memref<1x128xi32, #tpu.memory_space<vmem>>
      %dma_start3A_504 = tpu.memref_squeeze %dma_start3A_503 : memref<1x128xi32, #tpu.memory_space<vmem>> -> memref<128xi32, #tpu.memory_space<vmem>>
      %dma_start3A_505 = arith.constant 0 : i32
      %dma_start3A_506 = tpu.memref_slice %arg10[%dma_start3A_505] : memref<10240xf32, #tpu.memory_space<vmem_shared>> -> memref<10240xf32, #tpu.memory_space<vmem_shared>>
      tpu.enqueue_indirect_dma source(%arg17 : memref<128xf32, #tpu.memory_space<vmem>>) target(%dma_start3A_506 : memref<10240xf32, #tpu.memory_space<vmem_shared>>) offsets(%dma_start3A_504 : memref<128xi32, #tpu.memory_space<vmem>>) semaphore(%arg26 : memref<!tpu.dma_semaphore, #tpu.memory_space<semaphore_mem>>) {add = true}
    }
    %scan3A_101 = arith.constant 19 : i32
    %dma_wait3A_102 = arith.constant 1 : i32
    %dma_wait3A_103 = arith.constant 0 : i32
    %dma_wait3A_104 = tpu.memref_slice %arg13[%dma_wait3A_102, %dma_wait3A_103] : memref<2x128xi32, #tpu.memory_space<vmem>> -> memref<1x128xi32, #tpu.memory_space<vmem>>
    %dma_wait3A_105 = tpu.memref_squeeze %dma_wait3A_104 : memref<1x128xi32, #tpu.memory_space<vmem>> -> memref<128xi32, #tpu.memory_space<vmem>>
    %dma_wait3A_106 = arith.constant 0 : i32
    %dma_wait3A_107 = arith.constant 0 : i32
    %dma_wait3A_108 = tpu.memref_slice %arg9[%dma_wait3A_106, %dma_wait3A_107] : memref<10240x128xf32, #tpu.memory_space<vmem_shared>> -> memref<10240x128xf32, #tpu.memory_space<vmem_shared>>
    tpu.wait_indirect_dma semaphore(%arg24 : memref<!tpu.dma_semaphore, #tpu.memory_space<semaphore_mem>>) src(%arg11 : memref<128x128xf32, #tpu.memory_space<vmem>>) dst(%dma_wait3A_108 : memref<10240x128xf32, #tpu.memory_space<vmem_shared>>)
    %dma_wait3A_109 = arith.constant 1 : i32
    %dma_wait3A_110 = arith.constant 0 : i32
    %dma_wait3A_111 = tpu.memref_slice %arg13[%dma_wait3A_109, %dma_wait3A_110] : memref<2x128xi32, #tpu.memory_space<vmem>> -> memref<1x128xi32, #tpu.memory_space<vmem>>
    %dma_wait3A_112 = tpu.memref_squeeze %dma_wait3A_111 : memref<1x128xi32, #tpu.memory_space<vmem>> -> memref<128xi32, #tpu.memory_space<vmem>>
    %dma_wait3A_113 = arith.constant 0 : i32
    %dma_wait3A_114 = tpu.memref_slice %arg10[%dma_wait3A_113] : memref<10240xf32, #tpu.memory_space<vmem_shared>> -> memref<10240xf32, #tpu.memory_space<vmem_shared>>
    tpu.wait_indirect_dma semaphore(%arg26 : memref<!tpu.dma_semaphore, #tpu.memory_space<semaphore_mem>>) src(%arg17 : memref<128xf32, #tpu.memory_space<vmem>>) dst(%dma_wait3A_114 : memref<10240xf32, #tpu.memory_space<vmem_shared>>)
    %add3A_115 = arith.constant 78 : i32
    %add3A_116 = arith.addi %mul3A_2, %add3A_115 : i32
    %dma_wait3A_117 = arith.constant 0 : i32
    %dma_wait3A_118 = arith.constant 0 : i32
    %dma_wait3A_119 = tpu.memref_slice %arg3[%add3A_116, %dma_wait3A_117, %dma_wait3A_118] : memref<2560x2x128xi32, #tpu.memory_space<hbm>> -> memref<1x2x128xi32, #tpu.memory_space<hbm>>
    %dma_wait3A_120 = tpu.memref_squeeze %dma_wait3A_119 : memref<1x2x128xi32, #tpu.memory_space<hbm>> -> memref<2x128xi32, #tpu.memory_space<hbm>>
    %dma_wait3A_121 = arith.constant 0 : i32
    %dma_wait3A_122 = arith.constant 0 : i32
    %dma_wait3A_123 = tpu.memref_slice %arg3[%add3A_116, %dma_wait3A_121, %dma_wait3A_122] : memref<2560x2x128xi32, #tpu.memory_space<hbm>> -> memref<1x2x128xi32, #tpu.memory_space<hbm>>
    %dma_wait3A_124 = tpu.memref_squeeze %dma_wait3A_123 : memref<1x2x128xi32, #tpu.memory_space<hbm>> -> memref<2x128xi32, #tpu.memory_space<hbm>>
    tpu.wait_dma2 semaphore(%arg20 : memref<!tpu.dma_semaphore, #tpu.memory_space<semaphore_mem>>) src(%dma_wait3A_124 : memref<2x128xi32, #tpu.memory_space<hbm>>) dst(%arg15 : memref<2x128xi32, #tpu.memory_space<vmem>>)
    %dma_start3A_125 = arith.constant 0 : i32
    %dma_start3A_126 = arith.constant 0 : i32
    %dma_start3A_127 = tpu.memref_slice %arg15[%dma_start3A_125, %dma_start3A_126] : memref<2x128xi32, #tpu.memory_space<vmem>> -> memref<1x128xi32, #tpu.memory_space<vmem>>
    %dma_start3A_128 = tpu.memref_squeeze %dma_start3A_127 : memref<1x128xi32, #tpu.memory_space<vmem>> -> memref<128xi32, #tpu.memory_space<vmem>>
    %dma_start3A_129 = arith.constant 0 : i32
    %dma_start3A_130 = arith.constant 0 : i32
    %dma_start3A_131 = tpu.memref_slice %arg2[%dma_start3A_129, %dma_start3A_130] : memref<10240x128xf32, #tpu.memory_space<hbm>> -> memref<10240x128xf32, #tpu.memory_space<hbm>>
    tpu.enqueue_indirect_dma source(%dma_start3A_131 : memref<10240x128xf32, #tpu.memory_space<hbm>>) target(%arg11 : memref<128x128xf32, #tpu.memory_space<vmem>>) offsets(%dma_start3A_128 : memref<128xi32, #tpu.memory_space<vmem>>) semaphore(%arg22 : memref<!tpu.dma_semaphore, #tpu.memory_space<semaphore_mem>>)
    %dma_wait3A_132 = arith.constant 0 : i32
    %dma_wait3A_133 = arith.constant 0 : i32
    %dma_wait3A_134 = tpu.memref_slice %arg14[%dma_wait3A_132, %dma_wait3A_133] : memref<2x128xi32, #tpu.memory_space<vmem>> -> memref<1x128xi32, #tpu.memory_space<vmem>>
    %dma_wait3A_135 = tpu.memref_squeeze %dma_wait3A_134 : memref<1x128xi32, #tpu.memory_space<vmem>> -> memref<128xi32, #tpu.memory_space<vmem>>
    %dma_wait3A_136 = arith.constant 0 : i32
    %dma_wait3A_137 = arith.constant 0 : i32
    %dma_wait3A_138 = tpu.memref_slice %arg2[%dma_wait3A_136, %dma_wait3A_137] : memref<10240x128xf32, #tpu.memory_space<hbm>> -> memref<10240x128xf32, #tpu.memory_space<hbm>>
    tpu.wait_indirect_dma semaphore(%arg23 : memref<!tpu.dma_semaphore, #tpu.memory_space<semaphore_mem>>) src(%dma_wait3A_138 : memref<10240x128xf32, #tpu.memory_space<hbm>>) dst(%arg12 : memref<128x128xf32, #tpu.memory_space<vmem>>)
    %dma_start3A_139 = arith.constant 1 : i32
    %dma_start3A_140 = arith.constant 0 : i32
    %dma_start3A_141 = tpu.memref_slice %arg14[%dma_start3A_139, %dma_start3A_140] : memref<2x128xi32, #tpu.memory_space<vmem>> -> memref<1x128xi32, #tpu.memory_space<vmem>>
    %dma_start3A_142 = tpu.memref_squeeze %dma_start3A_141 : memref<1x128xi32, #tpu.memory_space<vmem>> -> memref<128xi32, #tpu.memory_space<vmem>>
    %dma_start3A_143 = arith.constant 0 : i32
    %dma_start3A_144 = arith.constant 0 : i32
    %dma_start3A_145 = tpu.memref_slice %arg9[%dma_start3A_143, %dma_start3A_144] : memref<10240x128xf32, #tpu.memory_space<vmem_shared>> -> memref<10240x128xf32, #tpu.memory_space<vmem_shared>>
    tpu.enqueue_indirect_dma source(%arg12 : memref<128x128xf32, #tpu.memory_space<vmem>>) target(%dma_start3A_145 : memref<10240x128xf32, #tpu.memory_space<vmem_shared>>) offsets(%dma_start3A_142 : memref<128xi32, #tpu.memory_space<vmem>>) semaphore(%arg25 : memref<!tpu.dma_semaphore, #tpu.memory_space<semaphore_mem>>) {add = true}
    %dma_start3A_146 = arith.constant 1 : i32
    %dma_start3A_147 = arith.constant 0 : i32
    %dma_start3A_148 = tpu.memref_slice %arg14[%dma_start3A_146, %dma_start3A_147] : memref<2x128xi32, #tpu.memory_space<vmem>> -> memref<1x128xi32, #tpu.memory_space<vmem>>
    %dma_start3A_149 = tpu.memref_squeeze %dma_start3A_148 : memref<1x128xi32, #tpu.memory_space<vmem>> -> memref<128xi32, #tpu.memory_space<vmem>>
    %dma_start3A_150 = arith.constant 0 : i32
    %dma_start3A_151 = tpu.memref_slice %arg10[%dma_start3A_150] : memref<10240xf32, #tpu.memory_space<vmem_shared>> -> memref<10240xf32, #tpu.memory_space<vmem_shared>>
    tpu.enqueue_indirect_dma source(%arg17 : memref<128xf32, #tpu.memory_space<vmem>>) target(%dma_start3A_151 : memref<10240xf32, #tpu.memory_space<vmem_shared>>) offsets(%dma_start3A_149 : memref<128xi32, #tpu.memory_space<vmem>>) semaphore(%arg27 : memref<!tpu.dma_semaphore, #tpu.memory_space<semaphore_mem>>) {add = true}
    %dma_wait3A_152 = arith.constant 1 : i32
    %dma_wait3A_153 = arith.constant 0 : i32
    %dma_wait3A_154 = tpu.memref_slice %arg14[%dma_wait3A_152, %dma_wait3A_153] : memref<2x128xi32, #tpu.memory_space<vmem>> -> memref<1x128xi32, #tpu.memory_space<vmem>>
    %dma_wait3A_155 = tpu.memref_squeeze %dma_wait3A_154 : memref<1x128xi32, #tpu.memory_space<vmem>> -> memref<128xi32, #tpu.memory_space<vmem>>
    %dma_wait3A_156 = arith.constant 0 : i32
    %dma_wait3A_157 = arith.constant 0 : i32
    %dma_wait3A_158 = tpu.memref_slice %arg9[%dma_wait3A_156, %dma_wait3A_157] : memref<10240x128xf32, #tpu.memory_space<vmem_shared>> -> memref<10240x128xf32, #tpu.memory_space<vmem_shared>>
    tpu.wait_indirect_dma semaphore(%arg25 : memref<!tpu.dma_semaphore, #tpu.memory_space<semaphore_mem>>) src(%arg12 : memref<128x128xf32, #tpu.memory_space<vmem>>) dst(%dma_wait3A_158 : memref<10240x128xf32, #tpu.memory_space<vmem_shared>>)
    %dma_wait3A_159 = arith.constant 1 : i32
    %dma_wait3A_160 = arith.constant 0 : i32
    %dma_wait3A_161 = tpu.memref_slice %arg14[%dma_wait3A_159, %dma_wait3A_160] : memref<2x128xi32, #tpu.memory_space<vmem>> -> memref<1x128xi32, #tpu.memory_space<vmem>>
    %dma_wait3A_162 = tpu.memref_squeeze %dma_wait3A_161 : memref<1x128xi32, #tpu.memory_space<vmem>> -> memref<128xi32, #tpu.memory_space<vmem>>
    %dma_wait3A_163 = arith.constant 0 : i32
    %dma_wait3A_164 = tpu.memref_slice %arg10[%dma_wait3A_163] : memref<10240xf32, #tpu.memory_space<vmem_shared>> -> memref<10240xf32, #tpu.memory_space<vmem_shared>>
    tpu.wait_indirect_dma semaphore(%arg27 : memref<!tpu.dma_semaphore, #tpu.memory_space<semaphore_mem>>) src(%arg17 : memref<128xf32, #tpu.memory_space<vmem>>) dst(%dma_wait3A_164 : memref<10240xf32, #tpu.memory_space<vmem_shared>>)
    %add3A_165 = arith.constant 79 : i32
    %add3A_166 = arith.addi %mul3A_2, %add3A_165 : i32
    %dma_wait3A_167 = arith.constant 0 : i32
    %dma_wait3A_168 = arith.constant 0 : i32
    %dma_wait3A_169 = tpu.memref_slice %arg3[%add3A_166, %dma_wait3A_167, %dma_wait3A_168] : memref<2560x2x128xi32, #tpu.memory_space<hbm>> -> memref<1x2x128xi32, #tpu.memory_space<hbm>>
    %dma_wait3A_170 = tpu.memref_squeeze %dma_wait3A_169 : memref<1x2x128xi32, #tpu.memory_space<hbm>> -> memref<2x128xi32, #tpu.memory_space<hbm>>
    %dma_wait3A_171 = arith.constant 0 : i32
    %dma_wait3A_172 = arith.constant 0 : i32
    %dma_wait3A_173 = tpu.memref_slice %arg3[%add3A_166, %dma_wait3A_171, %dma_wait3A_172] : memref<2560x2x128xi32, #tpu.memory_space<hbm>> -> memref<1x2x128xi32, #tpu.memory_space<hbm>>
    %dma_wait3A_174 = tpu.memref_squeeze %dma_wait3A_173 : memref<1x2x128xi32, #tpu.memory_space<hbm>> -> memref<2x128xi32, #tpu.memory_space<hbm>>
    tpu.wait_dma2 semaphore(%arg21 : memref<!tpu.dma_semaphore, #tpu.memory_space<semaphore_mem>>) src(%dma_wait3A_174 : memref<2x128xi32, #tpu.memory_space<hbm>>) dst(%arg16 : memref<2x128xi32, #tpu.memory_space<vmem>>)
    %dma_start3A_175 = arith.constant 0 : i32
    %dma_start3A_176 = arith.constant 0 : i32
    %dma_start3A_177 = tpu.memref_slice %arg16[%dma_start3A_175, %dma_start3A_176] : memref<2x128xi32, #tpu.memory_space<vmem>> -> memref<1x128xi32, #tpu.memory_space<vmem>>
    %dma_start3A_178 = tpu.memref_squeeze %dma_start3A_177 : memref<1x128xi32, #tpu.memory_space<vmem>> -> memref<128xi32, #tpu.memory_space<vmem>>
    %dma_start3A_179 = arith.constant 0 : i32
    %dma_start3A_180 = arith.constant 0 : i32
    %dma_start3A_181 = tpu.memref_slice %arg2[%dma_start3A_179, %dma_start3A_180] : memref<10240x128xf32, #tpu.memory_space<hbm>> -> memref<10240x128xf32, #tpu.memory_space<hbm>>
    tpu.enqueue_indirect_dma source(%dma_start3A_181 : memref<10240x128xf32, #tpu.memory_space<hbm>>) target(%arg12 : memref<128x128xf32, #tpu.memory_space<vmem>>) offsets(%dma_start3A_178 : memref<128xi32, #tpu.memory_space<vmem>>) semaphore(%arg23 : memref<!tpu.dma_semaphore, #tpu.memory_space<semaphore_mem>>)
    %dma_wait3A_182 = arith.constant 0 : i32
    %dma_wait3A_183 = arith.constant 0 : i32
    %dma_wait3A_184 = tpu.memref_slice %arg15[%dma_wait3A_182, %dma_wait3A_183] : memref<2x128xi32, #tpu.memory_space<vmem>> -> memref<1x128xi32, #tpu.memory_space<vmem>>
    %dma_wait3A_185 = tpu.memref_squeeze %dma_wait3A_184 : memref<1x128xi32, #tpu.memory_space<vmem>> -> memref<128xi32, #tpu.memory_space<vmem>>
    %dma_wait3A_186 = arith.constant 0 : i32
    %dma_wait3A_187 = arith.constant 0 : i32
    %dma_wait3A_188 = tpu.memref_slice %arg2[%dma_wait3A_186, %dma_wait3A_187] : memref<10240x128xf32, #tpu.memory_space<hbm>> -> memref<10240x128xf32, #tpu.memory_space<hbm>>
    tpu.wait_indirect_dma semaphore(%arg22 : memref<!tpu.dma_semaphore, #tpu.memory_space<semaphore_mem>>) src(%dma_wait3A_188 : memref<10240x128xf32, #tpu.memory_space<hbm>>) dst(%arg11 : memref<128x128xf32, #tpu.memory_space<vmem>>)
    %dma_start3A_189 = arith.constant 1 : i32
    %dma_start3A_190 = arith.constant 0 : i32
    %dma_start3A_191 = tpu.memref_slice %arg15[%dma_start3A_189, %dma_start3A_190] : memref<2x128xi32, #tpu.memory_space<vmem>> -> memref<1x128xi32, #tpu.memory_space<vmem>>
    %dma_start3A_192 = tpu.memref_squeeze %dma_start3A_191 : memref<1x128xi32, #tpu.memory_space<vmem>> -> memref<128xi32, #tpu.memory_space<vmem>>
    %dma_start3A_193 = arith.constant 0 : i32
    %dma_start3A_194 = arith.constant 0 : i32
    %dma_start3A_195 = tpu.memref_slice %arg9[%dma_start3A_193, %dma_start3A_194] : memref<10240x128xf32, #tpu.memory_space<vmem_shared>> -> memref<10240x128xf32, #tpu.memory_space<vmem_shared>>
    tpu.enqueue_indirect_dma source(%arg11 : memref<128x128xf32, #tpu.memory_space<vmem>>) target(%dma_start3A_195 : memref<10240x128xf32, #tpu.memory_space<vmem_shared>>) offsets(%dma_start3A_192 : memref<128xi32, #tpu.memory_space<vmem>>) semaphore(%arg24 : memref<!tpu.dma_semaphore, #tpu.memory_space<semaphore_mem>>) {add = true}
    %dma_start3A_196 = arith.constant 1 : i32
    %dma_start3A_197 = arith.constant 0 : i32
    %dma_start3A_198 = tpu.memref_slice %arg15[%dma_start3A_196, %dma_start3A_197] : memref<2x128xi32, #tpu.memory_space<vmem>> -> memref<1x128xi32, #tpu.memory_space<vmem>>
    %dma_start3A_199 = tpu.memref_squeeze %dma_start3A_198 : memref<1x128xi32, #tpu.memory_space<vmem>> -> memref<128xi32, #tpu.memory_space<vmem>>
    %dma_start3A_200 = arith.constant 0 : i32
    %dma_start3A_201 = tpu.memref_slice %arg10[%dma_start3A_200] : memref<10240xf32, #tpu.memory_space<vmem_shared>> -> memref<10240xf32, #tpu.memory_space<vmem_shared>>
    tpu.enqueue_indirect_dma source(%arg17 : memref<128xf32, #tpu.memory_space<vmem>>) target(%dma_start3A_201 : memref<10240xf32, #tpu.memory_space<vmem_shared>>) offsets(%dma_start3A_199 : memref<128xi32, #tpu.memory_space<vmem>>) semaphore(%arg26 : memref<!tpu.dma_semaphore, #tpu.memory_space<semaphore_mem>>) {add = true}
    %dma_wait3A_202 = arith.constant 0 : i32
    %dma_wait3A_203 = arith.constant 0 : i32
    %dma_wait3A_204 = tpu.memref_slice %arg16[%dma_wait3A_202, %dma_wait3A_203] : memref<2x128xi32, #tpu.memory_space<vmem>> -> memref<1x128xi32, #tpu.memory_space<vmem>>
    %dma_wait3A_205 = tpu.memref_squeeze %dma_wait3A_204 : memref<1x128xi32, #tpu.memory_space<vmem>> -> memref<128xi32, #tpu.memory_space<vmem>>
    %dma_wait3A_206 = arith.constant 0 : i32
    %dma_wait3A_207 = arith.constant 0 : i32
    %dma_wait3A_208 = tpu.memref_slice %arg2[%dma_wait3A_206, %dma_wait3A_207] : memref<10240x128xf32, #tpu.memory_space<hbm>> -> memref<10240x128xf32, #tpu.memory_space<hbm>>
    tpu.wait_indirect_dma semaphore(%arg23 : memref<!tpu.dma_semaphore, #tpu.memory_space<semaphore_mem>>) src(%dma_wait3A_208 : memref<10240x128xf32, #tpu.memory_space<hbm>>) dst(%arg12 : memref<128x128xf32, #tpu.memory_space<vmem>>)
    %dma_start3A_209 = arith.constant 1 : i32
    %dma_start3A_210 = arith.constant 0 : i32
    %dma_start3A_211 = tpu.memref_slice %arg16[%dma_start3A_209, %dma_start3A_210] : memref<2x128xi32, #tpu.memory_space<vmem>> -> memref<1x128xi32, #tpu.memory_space<vmem>>
    %dma_start3A_212 = tpu.memref_squeeze %dma_start3A_211 : memref<1x128xi32, #tpu.memory_space<vmem>> -> memref<128xi32, #tpu.memory_space<vmem>>
    %dma_start3A_213 = arith.constant 0 : i32
    %dma_start3A_214 = arith.constant 0 : i32
    %dma_start3A_215 = tpu.memref_slice %arg9[%dma_start3A_213, %dma_start3A_214] : memref<10240x128xf32, #tpu.memory_space<vmem_shared>> -> memref<10240x128xf32, #tpu.memory_space<vmem_shared>>
    tpu.enqueue_indirect_dma source(%arg12 : memref<128x128xf32, #tpu.memory_space<vmem>>) target(%dma_start3A_215 : memref<10240x128xf32, #tpu.memory_space<vmem_shared>>) offsets(%dma_start3A_212 : memref<128xi32, #tpu.memory_space<vmem>>) semaphore(%arg25 : memref<!tpu.dma_semaphore, #tpu.memory_space<semaphore_mem>>) {add = true}
    %dma_start3A_216 = arith.constant 1 : i32
    %dma_start3A_217 = arith.constant 0 : i32
    %dma_start3A_218 = tpu.memref_slice %arg16[%dma_start3A_216, %dma_start3A_217] : memref<2x128xi32, #tpu.memory_space<vmem>> -> memref<1x128xi32, #tpu.memory_space<vmem>>
    %dma_start3A_219 = tpu.memref_squeeze %dma_start3A_218 : memref<1x128xi32, #tpu.memory_space<vmem>> -> memref<128xi32, #tpu.memory_space<vmem>>
    %dma_start3A_220 = arith.constant 0 : i32
    %dma_start3A_221 = tpu.memref_slice %arg10[%dma_start3A_220] : memref<10240xf32, #tpu.memory_space<vmem_shared>> -> memref<10240xf32, #tpu.memory_space<vmem_shared>>
    tpu.enqueue_indirect_dma source(%arg17 : memref<128xf32, #tpu.memory_space<vmem>>) target(%dma_start3A_221 : memref<10240xf32, #tpu.memory_space<vmem_shared>>) offsets(%dma_start3A_219 : memref<128xi32, #tpu.memory_space<vmem>>) semaphore(%arg27 : memref<!tpu.dma_semaphore, #tpu.memory_space<semaphore_mem>>) {add = true}
    %dma_wait3A_222 = arith.constant 1 : i32
    %dma_wait3A_223 = arith.constant 0 : i32
    %dma_wait3A_224 = tpu.memref_slice %arg15[%dma_wait3A_222, %dma_wait3A_223] : memref<2x128xi32, #tpu.memory_space<vmem>> -> memref<1x128xi32, #tpu.memory_space<vmem>>
    %dma_wait3A_225 = tpu.memref_squeeze %dma_wait3A_224 : memref<1x128xi32, #tpu.memory_space<vmem>> -> memref<128xi32, #tpu.memory_space<vmem>>
    %dma_wait3A_226 = arith.constant 0 : i32
    %dma_wait3A_227 = arith.constant 0 : i32
    %dma_wait3A_228 = tpu.memref_slice %arg9[%dma_wait3A_226, %dma_wait3A_227] : memref<10240x128xf32, #tpu.memory_space<vmem_shared>> -> memref<10240x128xf32, #tpu.memory_space<vmem_shared>>
    tpu.wait_indirect_dma semaphore(%arg24 : memref<!tpu.dma_semaphore, #tpu.memory_space<semaphore_mem>>) src(%arg11 : memref<128x128xf32, #tpu.memory_space<vmem>>) dst(%dma_wait3A_228 : memref<10240x128xf32, #tpu.memory_space<vmem_shared>>)
    %dma_wait3A_229 = arith.constant 1 : i32
    %dma_wait3A_230 = arith.constant 0 : i32
    %dma_wait3A_231 = tpu.memref_slice %arg15[%dma_wait3A_229, %dma_wait3A_230] : memref<2x128xi32, #tpu.memory_space<vmem>> -> memref<1x128xi32, #tpu.memory_space<vmem>>
    %dma_wait3A_232 = tpu.memref_squeeze %dma_wait3A_231 : memref<1x128xi32, #tpu.memory_space<vmem>> -> memref<128xi32, #tpu.memory_space<vmem>>
    %dma_wait3A_233 = arith.constant 0 : i32
    %dma_wait3A_234 = tpu.memref_slice %arg10[%dma_wait3A_233] : memref<10240xf32, #tpu.memory_space<vmem_shared>> -> memref<10240xf32, #tpu.memory_space<vmem_shared>>
    tpu.wait_indirect_dma semaphore(%arg26 : memref<!tpu.dma_semaphore, #tpu.memory_space<semaphore_mem>>) src(%arg17 : memref<128xf32, #tpu.memory_space<vmem>>) dst(%dma_wait3A_234 : memref<10240xf32, #tpu.memory_space<vmem_shared>>)
    %dma_wait3A_235 = arith.constant 1 : i32
    %dma_wait3A_236 = arith.constant 0 : i32
    %dma_wait3A_237 = tpu.memref_slice %arg16[%dma_wait3A_235, %dma_wait3A_236] : memref<2x128xi32, #tpu.memory_space<vmem>> -> memref<1x128xi32, #tpu.memory_space<vmem>>
    %dma_wait3A_238 = tpu.memref_squeeze %dma_wait3A_237 : memref<1x128xi32, #tpu.memory_space<vmem>> -> memref<128xi32, #tpu.memory_space<vmem>>
    %dma_wait3A_239 = arith.constant 0 : i32
    %dma_wait3A_240 = arith.constant 0 : i32
    %dma_wait3A_241 = tpu.memref_slice %arg9[%dma_wait3A_239, %dma_wait3A_240] : memref<10240x128xf32, #tpu.memory_space<vmem_shared>> -> memref<10240x128xf32, #tpu.memory_space<vmem_shared>>
    tpu.wait_indirect_dma semaphore(%arg25 : memref<!tpu.dma_semaphore, #tpu.memory_space<semaphore_mem>>) src(%arg12 : memref<128x128xf32, #tpu.memory_space<vmem>>) dst(%dma_wait3A_241 : memref<10240x128xf32, #tpu.memory_space<vmem_shared>>)
    %dma_wait3A_242 = arith.constant 1 : i32
    %dma_wait3A_243 = arith.constant 0 : i32
    %dma_wait3A_244 = tpu.memref_slice %arg16[%dma_wait3A_242, %dma_wait3A_243] : memref<2x128xi32, #tpu.memory_space<vmem>> -> memref<1x128xi32, #tpu.memory_space<vmem>>
    %dma_wait3A_245 = tpu.memref_squeeze %dma_wait3A_244 : memref<1x128xi32, #tpu.memory_space<vmem>> -> memref<128xi32, #tpu.memory_space<vmem>>
    %dma_wait3A_246 = arith.constant 0 : i32
    %dma_wait3A_247 = tpu.memref_slice %arg10[%dma_wait3A_246] : memref<10240xf32, #tpu.memory_space<vmem_shared>> -> memref<10240xf32, #tpu.memory_space<vmem_shared>>
    tpu.wait_indirect_dma semaphore(%arg27 : memref<!tpu.dma_semaphore, #tpu.memory_space<semaphore_mem>>) src(%arg17 : memref<128xf32, #tpu.memory_space<vmem>>) dst(%dma_wait3A_247 : memref<10240xf32, #tpu.memory_space<vmem_shared>>)
    %barrier3A_248 = arith.constant 0 : index
    tpu.barrier barrier_id(%barrier3A_248)
    %mul3A_249 = arith.constant 10240 : i32
    %mul3A_250 = arith.muli %arg0, %mul3A_249 : i32
    %mul3A_251 = arith.constant 640 : i32
    %mul3A_252 = arith.muli %arg1, %mul3A_251 : i32
    %add3A_253 = arith.addi %mul3A_250, %mul3A_252 : i32
    "tpu.region"() ({
      %run_scoped3A = tpu.sem_alloc : memref<!tpu.dma_semaphore, #tpu.memory_space<semaphore_mem>>
      %dma_start3A_254 = arith.constant 0 : i32
      %dma_start3A_255 = tpu.memref_slice %arg7[%add3A_253, %dma_start3A_254] : memref<20480x128xf32, #tpu.memory_space<hbm>> -> memref<640x128xf32, #tpu.memory_space<hbm>>
      %dma_start3A_256 = arith.constant 0 : i32
      %dma_start3A_257 = tpu.memref_slice %arg9[%mul3A_4, %dma_start3A_256] : memref<10240x128xf32, #tpu.memory_space<vmem_shared>> -> memref<640x128xf32, #tpu.memory_space<vmem_shared>>
      tpu.enqueue_dma source(%dma_start3A_257 : memref<640x128xf32, #tpu.memory_space<vmem_shared>>) target(%dma_start3A_255 : memref<640x128xf32, #tpu.memory_space<hbm>>) target_semaphore(%run_scoped3A : memref<!tpu.dma_semaphore, #tpu.memory_space<semaphore_mem>>)
      %dma_wait3A_258 = arith.constant 0 : i32
      %dma_wait3A_259 = tpu.memref_slice %arg7[%add3A_253, %dma_wait3A_258] : memref<20480x128xf32, #tpu.memory_space<hbm>> -> memref<640x128xf32, #tpu.memory_space<hbm>>
      %dma_wait3A_260 = arith.constant 0 : i32
      %dma_wait3A_261 = tpu.memref_slice %arg9[%mul3A_4, %dma_wait3A_260] : memref<10240x128xf32, #tpu.memory_space<vmem_shared>> -> memref<640x128xf32, #tpu.memory_space<vmem_shared>>
      tpu.wait_dma2 semaphore(%run_scoped3A : memref<!tpu.dma_semaphore, #tpu.memory_space<semaphore_mem>>) src(%dma_wait3A_261 : memref<640x128xf32, #tpu.memory_space<vmem_shared>>) dst(%dma_wait3A_259 : memref<640x128xf32, #tpu.memory_space<hbm>>)
      tpu.yield
    }) : () -> ()
    "tpu.region"() ({
      %run_scoped3A = tpu.sem_alloc : memref<!tpu.dma_semaphore, #tpu.memory_space<semaphore_mem>>
      %dma_start3A_254 = tpu.memref_slice %arg8[%add3A_253] : memref<20480xf32, #tpu.memory_space<hbm>> -> memref<640xf32, #tpu.memory_space<hbm>>
      %dma_start3A_255 = tpu.memref_slice %arg10[%mul3A_4] : memref<10240xf32, #tpu.memory_space<vmem_shared>> -> memref<640xf32, #tpu.memory_space<vmem_shared>>
      tpu.enqueue_dma source(%dma_start3A_255 : memref<640xf32, #tpu.memory_space<vmem_shared>>) target(%dma_start3A_254 : memref<640xf32, #tpu.memory_space<hbm>>) target_semaphore(%run_scoped3A : memref<!tpu.dma_semaphore, #tpu.memory_space<semaphore_mem>>)
      %dma_wait3A_256 = tpu.memref_slice %arg8[%add3A_253] : memref<20480xf32, #tpu.memory_space<hbm>> -> memref<640xf32, #tpu.memory_space<hbm>>
      %dma_wait3A_257 = tpu.memref_slice %arg10[%mul3A_4] : memref<10240xf32, #tpu.memory_space<vmem_shared>> -> memref<640xf32, #tpu.memory_space<vmem_shared>>
      tpu.wait_dma2 semaphore(%run_scoped3A : memref<!tpu.dma_semaphore, #tpu.memory_space<semaphore_mem>>) src(%dma_wait3A_257 : memref<640xf32, #tpu.memory_space<vmem_shared>>) dst(%dma_wait3A_256 : memref<640xf32, #tpu.memory_space<hbm>>)
      tpu.yield
    }) : () -> ()
    return
  }
}

#map = affine_map<(d0, d1) -> (0, 0)>
#map1 = affine_map<(d0, d1) -> (0, 0, 0)>
#map2 = affine_map<(d0, d1) -> (0)>
module attributes {stable_mosaic.version = 14 : i64} {
  func.func @sc_agg(%arg0: i32, %arg1: i32, %arg2: memref<10240x128xf32, #tpu.memory_space<hbm>>, %arg3: memref<2560x2x128xi32, #tpu.memory_space<hbm>>, %arg4: memref<640x128xf32, #tpu.memory_space<hbm>>, %arg5: memref<640xf32, #tpu.memory_space<hbm>>, %arg6: memref<128xf32, #tpu.memory_space<hbm>>, %arg7: memref<20480x128xf32, #tpu.memory_space<hbm>>, %arg8: memref<10240x128xf32, #tpu.memory_space<vmem_shared>>, %arg9: memref<10240xf32, #tpu.memory_space<vmem_shared>>, %arg10: memref<128x128xf32, #tpu.memory_space<vmem>>, %arg11: memref<128x128xf32, #tpu.memory_space<vmem>>, %arg12: memref<2x128xi32, #tpu.memory_space<vmem>>, %arg13: memref<2x128xi32, #tpu.memory_space<vmem>>, %arg14: memref<2x128xi32, #tpu.memory_space<vmem>>, %arg15: memref<2x128xi32, #tpu.memory_space<vmem>>, %arg16: memref<128xf32, #tpu.memory_space<vmem>>, %arg17: memref<!tpu.dma_semaphore, #tpu.memory_space<semaphore_mem>>, %arg18: memref<!tpu.dma_semaphore, #tpu.memory_space<semaphore_mem>>, %arg19: memref<!tpu.dma_semaphore, #tpu.memory_space<semaphore_mem>>, %arg20: memref<!tpu.dma_semaphore, #tpu.memory_space<semaphore_mem>>, %arg21: memref<!tpu.dma_semaphore, #tpu.memory_space<semaphore_mem>>, %arg22: memref<!tpu.dma_semaphore, #tpu.memory_space<semaphore_mem>>, %arg23: memref<!tpu.dma_semaphore, #tpu.memory_space<semaphore_mem>>, %arg24: memref<!tpu.dma_semaphore, #tpu.memory_space<semaphore_mem>>, %arg25: memref<!tpu.dma_semaphore, #tpu.memory_space<semaphore_mem>>, %arg26: memref<!tpu.dma_semaphore, #tpu.memory_space<semaphore_mem>>) attributes {dimension_semantics = [#tpu.dimension_semantics<core_parallel>, #tpu.dimension_semantics<subcore_parallel>], iteration_bounds = array<i64: 2, 16>, scalar_prefetch = 0 : i64, scratch_operands = 19 : i64, tpu.core_type = #tpu.core_type<sc_vector_subcore>, window_params = [{transform_indices = #map}, {transform_indices = #map1}, {transform_indices = #map}, {transform_indices = #map2}, {transform_indices = #map2}, {transform_indices = #map}]} {
    %mul3A = arith.constant 16 : i32
    %mul3A_0 = arith.muli %arg0, %mul3A : i32
    %add3A = arith.addi %mul3A_0, %arg1 : i32
    %mul3A_1 = arith.constant 80 : i32
    %mul3A_2 = arith.muli %add3A, %mul3A_1 : i32
    %mul3A_3 = arith.constant 640 : i32
    %mul3A_4 = arith.muli %arg1, %mul3A_3 : i32
    "tpu.region"() ({
      %run_scoped3A = tpu.sem_alloc : memref<!tpu.dma_semaphore, #tpu.memory_space<semaphore_mem>>
      %dma_start3A_206 = arith.constant 0 : i32
      %dma_start3A_207 = tpu.memref_slice %arg8[%mul3A_4, %dma_start3A_206] : memref<10240x128xf32, #tpu.memory_space<vmem_shared>> -> memref<640x128xf32, #tpu.memory_space<vmem_shared>>
      tpu.enqueue_dma source(%arg4 : memref<640x128xf32, #tpu.memory_space<hbm>>) target(%dma_start3A_207 : memref<640x128xf32, #tpu.memory_space<vmem_shared>>) target_semaphore(%run_scoped3A : memref<!tpu.dma_semaphore, #tpu.memory_space<semaphore_mem>>)
      %dma_wait3A_208 = arith.constant 0 : i32
      %dma_wait3A_209 = tpu.memref_slice %arg8[%mul3A_4, %dma_wait3A_208] : memref<10240x128xf32, #tpu.memory_space<vmem_shared>> -> memref<640x128xf32, #tpu.memory_space<vmem_shared>>
      tpu.wait_dma2 semaphore(%run_scoped3A : memref<!tpu.dma_semaphore, #tpu.memory_space<semaphore_mem>>) src(%arg4 : memref<640x128xf32, #tpu.memory_space<hbm>>) dst(%dma_wait3A_209 : memref<640x128xf32, #tpu.memory_space<vmem_shared>>)
      tpu.yield
    }) : () -> ()
    "tpu.region"() ({
      %run_scoped3A = tpu.sem_alloc : memref<!tpu.dma_semaphore, #tpu.memory_space<semaphore_mem>>
      tpu.enqueue_dma source(%arg6 : memref<128xf32, #tpu.memory_space<hbm>>) target(%arg16 : memref<128xf32, #tpu.memory_space<vmem>>) target_semaphore(%run_scoped3A : memref<!tpu.dma_semaphore, #tpu.memory_space<semaphore_mem>>)
      tpu.wait_dma2 semaphore(%run_scoped3A : memref<!tpu.dma_semaphore, #tpu.memory_space<semaphore_mem>>) src(%arg6 : memref<128xf32, #tpu.memory_space<hbm>>) dst(%arg16 : memref<128xf32, #tpu.memory_space<vmem>>)
      tpu.yield
    }) : () -> ()
    %barrier3A = arith.constant 0 : index
    tpu.barrier barrier_id(%barrier3A)
    %add3A_5 = arith.constant 0 : i32
    %add3A_6 = arith.addi %mul3A_2, %add3A_5 : i32
    %dma_start3A = arith.constant 0 : i32
    %dma_start3A_7 = arith.constant 0 : i32
    %dma_start3A_8 = tpu.memref_slice %arg3[%add3A_6, %dma_start3A, %dma_start3A_7] : memref<2560x2x128xi32, #tpu.memory_space<hbm>> -> memref<1x2x128xi32, #tpu.memory_space<hbm>>
    %dma_start3A_9 = tpu.memref_squeeze %dma_start3A_8 : memref<1x2x128xi32, #tpu.memory_space<hbm>> -> memref<2x128xi32, #tpu.memory_space<hbm>>
    %dma_start3A_10 = arith.constant 0 : i32
    %dma_start3A_11 = arith.constant 0 : i32
    %dma_start3A_12 = tpu.memref_slice %arg3[%add3A_6, %dma_start3A_10, %dma_start3A_11] : memref<2560x2x128xi32, #tpu.memory_space<hbm>> -> memref<1x2x128xi32, #tpu.memory_space<hbm>>
    %dma_start3A_13 = tpu.memref_squeeze %dma_start3A_12 : memref<1x2x128xi32, #tpu.memory_space<hbm>> -> memref<2x128xi32, #tpu.memory_space<hbm>>
    tpu.enqueue_dma source(%dma_start3A_13 : memref<2x128xi32, #tpu.memory_space<hbm>>) target(%arg12 : memref<2x128xi32, #tpu.memory_space<vmem>>) target_semaphore(%arg17 : memref<!tpu.dma_semaphore, #tpu.memory_space<semaphore_mem>>)
    %add3A_14 = arith.constant 1 : i32
    %add3A_15 = arith.addi %mul3A_2, %add3A_14 : i32
    %dma_start3A_16 = arith.constant 0 : i32
    %dma_start3A_17 = arith.constant 0 : i32
    %dma_start3A_18 = tpu.memref_slice %arg3[%add3A_15, %dma_start3A_16, %dma_start3A_17] : memref<2560x2x128xi32, #tpu.memory_space<hbm>> -> memref<1x2x128xi32, #tpu.memory_space<hbm>>
    %dma_start3A_19 = tpu.memref_squeeze %dma_start3A_18 : memref<1x2x128xi32, #tpu.memory_space<hbm>> -> memref<2x128xi32, #tpu.memory_space<hbm>>
    %dma_start3A_20 = arith.constant 0 : i32
    %dma_start3A_21 = arith.constant 0 : i32
    %dma_start3A_22 = tpu.memref_slice %arg3[%add3A_15, %dma_start3A_20, %dma_start3A_21] : memref<2560x2x128xi32, #tpu.memory_space<hbm>> -> memref<1x2x128xi32, #tpu.memory_space<hbm>>
    %dma_start3A_23 = tpu.memref_squeeze %dma_start3A_22 : memref<1x2x128xi32, #tpu.memory_space<hbm>> -> memref<2x128xi32, #tpu.memory_space<hbm>>
    tpu.enqueue_dma source(%dma_start3A_23 : memref<2x128xi32, #tpu.memory_space<hbm>>) target(%arg13 : memref<2x128xi32, #tpu.memory_space<vmem>>) target_semaphore(%arg18 : memref<!tpu.dma_semaphore, #tpu.memory_space<semaphore_mem>>)
    %add3A_24 = arith.constant 2 : i32
    %add3A_25 = arith.addi %mul3A_2, %add3A_24 : i32
    %dma_start3A_26 = arith.constant 0 : i32
    %dma_start3A_27 = arith.constant 0 : i32
    %dma_start3A_28 = tpu.memref_slice %arg3[%add3A_25, %dma_start3A_26, %dma_start3A_27] : memref<2560x2x128xi32, #tpu.memory_space<hbm>> -> memref<1x2x128xi32, #tpu.memory_space<hbm>>
    %dma_start3A_29 = tpu.memref_squeeze %dma_start3A_28 : memref<1x2x128xi32, #tpu.memory_space<hbm>> -> memref<2x128xi32, #tpu.memory_space<hbm>>
    %dma_start3A_30 = arith.constant 0 : i32
    %dma_start3A_31 = arith.constant 0 : i32
    %dma_start3A_32 = tpu.memref_slice %arg3[%add3A_25, %dma_start3A_30, %dma_start3A_31] : memref<2560x2x128xi32, #tpu.memory_space<hbm>> -> memref<1x2x128xi32, #tpu.memory_space<hbm>>
    %dma_start3A_33 = tpu.memref_squeeze %dma_start3A_32 : memref<1x2x128xi32, #tpu.memory_space<hbm>> -> memref<2x128xi32, #tpu.memory_space<hbm>>
    tpu.enqueue_dma source(%dma_start3A_33 : memref<2x128xi32, #tpu.memory_space<hbm>>) target(%arg14 : memref<2x128xi32, #tpu.memory_space<vmem>>) target_semaphore(%arg19 : memref<!tpu.dma_semaphore, #tpu.memory_space<semaphore_mem>>)
    %add3A_34 = arith.constant 0 : i32
    %add3A_35 = arith.addi %mul3A_2, %add3A_34 : i32
    %dma_wait3A = arith.constant 0 : i32
    %dma_wait3A_36 = arith.constant 0 : i32
    %dma_wait3A_37 = tpu.memref_slice %arg3[%add3A_35, %dma_wait3A, %dma_wait3A_36] : memref<2560x2x128xi32, #tpu.memory_space<hbm>> -> memref<1x2x128xi32, #tpu.memory_space<hbm>>
    %dma_wait3A_38 = tpu.memref_squeeze %dma_wait3A_37 : memref<1x2x128xi32, #tpu.memory_space<hbm>> -> memref<2x128xi32, #tpu.memory_space<hbm>>
    %dma_wait3A_39 = arith.constant 0 : i32
    %dma_wait3A_40 = arith.constant 0 : i32
    %dma_wait3A_41 = tpu.memref_slice %arg3[%add3A_35, %dma_wait3A_39, %dma_wait3A_40] : memref<2560x2x128xi32, #tpu.memory_space<hbm>> -> memref<1x2x128xi32, #tpu.memory_space<hbm>>
    %dma_wait3A_42 = tpu.memref_squeeze %dma_wait3A_41 : memref<1x2x128xi32, #tpu.memory_space<hbm>> -> memref<2x128xi32, #tpu.memory_space<hbm>>
    tpu.wait_dma2 semaphore(%arg17 : memref<!tpu.dma_semaphore, #tpu.memory_space<semaphore_mem>>) src(%dma_wait3A_42 : memref<2x128xi32, #tpu.memory_space<hbm>>) dst(%arg12 : memref<2x128xi32, #tpu.memory_space<vmem>>)
    %dma_start3A_43 = arith.constant 0 : i32
    %dma_start3A_44 = arith.constant 0 : i32
    %dma_start3A_45 = tpu.memref_slice %arg12[%dma_start3A_43, %dma_start3A_44] : memref<2x128xi32, #tpu.memory_space<vmem>> -> memref<1x128xi32, #tpu.memory_space<vmem>>
    %dma_start3A_46 = tpu.memref_squeeze %dma_start3A_45 : memref<1x128xi32, #tpu.memory_space<vmem>> -> memref<128xi32, #tpu.memory_space<vmem>>
    %dma_start3A_47 = arith.constant 0 : i32
    %dma_start3A_48 = arith.constant 0 : i32
    %dma_start3A_49 = tpu.memref_slice %arg2[%dma_start3A_47, %dma_start3A_48] : memref<10240x128xf32, #tpu.memory_space<hbm>> -> memref<10240x128xf32, #tpu.memory_space<hbm>>
    tpu.enqueue_indirect_dma source(%dma_start3A_49 : memref<10240x128xf32, #tpu.memory_space<hbm>>) target(%arg10 : memref<128x128xf32, #tpu.memory_space<vmem>>) offsets(%dma_start3A_46 : memref<128xi32, #tpu.memory_space<vmem>>) semaphore(%arg21 : memref<!tpu.dma_semaphore, #tpu.memory_space<semaphore_mem>>)
    %add3A_50 = arith.constant 3 : i32
    %add3A_51 = arith.addi %mul3A_2, %add3A_50 : i32
    %dma_start3A_52 = arith.constant 0 : i32
    %dma_start3A_53 = arith.constant 0 : i32
    %dma_start3A_54 = tpu.memref_slice %arg3[%add3A_51, %dma_start3A_52, %dma_start3A_53] : memref<2560x2x128xi32, #tpu.memory_space<hbm>> -> memref<1x2x128xi32, #tpu.memory_space<hbm>>
    %dma_start3A_55 = tpu.memref_squeeze %dma_start3A_54 : memref<1x2x128xi32, #tpu.memory_space<hbm>> -> memref<2x128xi32, #tpu.memory_space<hbm>>
    %dma_start3A_56 = arith.constant 0 : i32
    %dma_start3A_57 = arith.constant 0 : i32
    %dma_start3A_58 = tpu.memref_slice %arg3[%add3A_51, %dma_start3A_56, %dma_start3A_57] : memref<2560x2x128xi32, #tpu.memory_space<hbm>> -> memref<1x2x128xi32, #tpu.memory_space<hbm>>
    %dma_start3A_59 = tpu.memref_squeeze %dma_start3A_58 : memref<1x2x128xi32, #tpu.memory_space<hbm>> -> memref<2x128xi32, #tpu.memory_space<hbm>>
    tpu.enqueue_dma source(%dma_start3A_59 : memref<2x128xi32, #tpu.memory_space<hbm>>) target(%arg15 : memref<2x128xi32, #tpu.memory_space<vmem>>) target_semaphore(%arg20 : memref<!tpu.dma_semaphore, #tpu.memory_space<semaphore_mem>>)
    %add3A_60 = arith.constant 1 : i32
    %add3A_61 = arith.addi %mul3A_2, %add3A_60 : i32
    %dma_wait3A_62 = arith.constant 0 : i32
    %dma_wait3A_63 = arith.constant 0 : i32
    %dma_wait3A_64 = tpu.memref_slice %arg3[%add3A_61, %dma_wait3A_62, %dma_wait3A_63] : memref<2560x2x128xi32, #tpu.memory_space<hbm>> -> memref<1x2x128xi32, #tpu.memory_space<hbm>>
    %dma_wait3A_65 = tpu.memref_squeeze %dma_wait3A_64 : memref<1x2x128xi32, #tpu.memory_space<hbm>> -> memref<2x128xi32, #tpu.memory_space<hbm>>
    %dma_wait3A_66 = arith.constant 0 : i32
    %dma_wait3A_67 = arith.constant 0 : i32
    %dma_wait3A_68 = tpu.memref_slice %arg3[%add3A_61, %dma_wait3A_66, %dma_wait3A_67] : memref<2560x2x128xi32, #tpu.memory_space<hbm>> -> memref<1x2x128xi32, #tpu.memory_space<hbm>>
    %dma_wait3A_69 = tpu.memref_squeeze %dma_wait3A_68 : memref<1x2x128xi32, #tpu.memory_space<hbm>> -> memref<2x128xi32, #tpu.memory_space<hbm>>
    tpu.wait_dma2 semaphore(%arg18 : memref<!tpu.dma_semaphore, #tpu.memory_space<semaphore_mem>>) src(%dma_wait3A_69 : memref<2x128xi32, #tpu.memory_space<hbm>>) dst(%arg13 : memref<2x128xi32, #tpu.memory_space<vmem>>)
    %dma_start3A_70 = arith.constant 0 : i32
    %dma_start3A_71 = arith.constant 0 : i32
    %dma_start3A_72 = tpu.memref_slice %arg13[%dma_start3A_70, %dma_start3A_71] : memref<2x128xi32, #tpu.memory_space<vmem>> -> memref<1x128xi32, #tpu.memory_space<vmem>>
    %dma_start3A_73 = tpu.memref_squeeze %dma_start3A_72 : memref<1x128xi32, #tpu.memory_space<vmem>> -> memref<128xi32, #tpu.memory_space<vmem>>
    %dma_start3A_74 = arith.constant 0 : i32
    %dma_start3A_75 = arith.constant 0 : i32
    %dma_start3A_76 = tpu.memref_slice %arg2[%dma_start3A_74, %dma_start3A_75] : memref<10240x128xf32, #tpu.memory_space<hbm>> -> memref<10240x128xf32, #tpu.memory_space<hbm>>
    tpu.enqueue_indirect_dma source(%dma_start3A_76 : memref<10240x128xf32, #tpu.memory_space<hbm>>) target(%arg11 : memref<128x128xf32, #tpu.memory_space<vmem>>) offsets(%dma_start3A_73 : memref<128xi32, #tpu.memory_space<vmem>>) semaphore(%arg22 : memref<!tpu.dma_semaphore, #tpu.memory_space<semaphore_mem>>)
    %dma_wait3A_77 = arith.constant 0 : i32
    %dma_wait3A_78 = arith.constant 0 : i32
    %dma_wait3A_79 = tpu.memref_slice %arg12[%dma_wait3A_77, %dma_wait3A_78] : memref<2x128xi32, #tpu.memory_space<vmem>> -> memref<1x128xi32, #tpu.memory_space<vmem>>
    %dma_wait3A_80 = tpu.memref_squeeze %dma_wait3A_79 : memref<1x128xi32, #tpu.memory_space<vmem>> -> memref<128xi32, #tpu.memory_space<vmem>>
    %dma_wait3A_81 = arith.constant 0 : i32
    %dma_wait3A_82 = arith.constant 0 : i32
    %dma_wait3A_83 = tpu.memref_slice %arg2[%dma_wait3A_81, %dma_wait3A_82] : memref<10240x128xf32, #tpu.memory_space<hbm>> -> memref<10240x128xf32, #tpu.memory_space<hbm>>
    tpu.wait_indirect_dma semaphore(%arg21 : memref<!tpu.dma_semaphore, #tpu.memory_space<semaphore_mem>>) src(%dma_wait3A_83 : memref<10240x128xf32, #tpu.memory_space<hbm>>) dst(%arg10 : memref<128x128xf32, #tpu.memory_space<vmem>>)
    %dma_start3A_84 = arith.constant 1 : i32
    %dma_start3A_85 = arith.constant 0 : i32
    %dma_start3A_86 = tpu.memref_slice %arg12[%dma_start3A_84, %dma_start3A_85] : memref<2x128xi32, #tpu.memory_space<vmem>> -> memref<1x128xi32, #tpu.memory_space<vmem>>
    %dma_start3A_87 = tpu.memref_squeeze %dma_start3A_86 : memref<1x128xi32, #tpu.memory_space<vmem>> -> memref<128xi32, #tpu.memory_space<vmem>>
    %dma_start3A_88 = arith.constant 0 : i32
    %dma_start3A_89 = arith.constant 0 : i32
    %dma_start3A_90 = tpu.memref_slice %arg8[%dma_start3A_88, %dma_start3A_89] : memref<10240x128xf32, #tpu.memory_space<vmem_shared>> -> memref<10240x128xf32, #tpu.memory_space<vmem_shared>>
    tpu.enqueue_indirect_dma source(%arg10 : memref<128x128xf32, #tpu.memory_space<vmem>>) target(%dma_start3A_90 : memref<10240x128xf32, #tpu.memory_space<vmem_shared>>) offsets(%dma_start3A_87 : memref<128xi32, #tpu.memory_space<vmem>>) semaphore(%arg23 : memref<!tpu.dma_semaphore, #tpu.memory_space<semaphore_mem>>) {add = true}
    %scan3A = arith.constant 0 : i32
    %scan3A_91 = arith.constant 0 : i32
    %scan3A_92 = arith.constant 19 : i32
    %scan3A_93 = arith.addi %scan3A_91, %scan3A_92 : i32
    %scan3A_94 = arith.constant 1 : i32
    scf.for %scan3A_206 = %scan3A_91 to %scan3A_93 step %scan3A_94  : i32 {
      %mul3A_207 = arith.constant 4 : i32
      %mul3A_208 = arith.muli %mul3A_207, %scan3A_206 : i32
      %add3A_209 = arith.constant 2 : i32
      %add3A_210 = arith.addi %add3A_209, %mul3A_208 : i32
      %add3A_211 = arith.constant 0 : i32
      %add3A_212 = arith.addi %add3A_210, %add3A_211 : i32
      %dma_wait3A_213 = arith.constant 1 : i32
      %dma_wait3A_214 = arith.constant 0 : i32
      %dma_wait3A_215 = tpu.memref_slice %arg12[%dma_wait3A_213, %dma_wait3A_214] : memref<2x128xi32, #tpu.memory_space<vmem>> -> memref<1x128xi32, #tpu.memory_space<vmem>>
      %dma_wait3A_216 = tpu.memref_squeeze %dma_wait3A_215 : memref<1x128xi32, #tpu.memory_space<vmem>> -> memref<128xi32, #tpu.memory_space<vmem>>
      %dma_wait3A_217 = arith.constant 0 : i32
      %dma_wait3A_218 = arith.constant 0 : i32
      %dma_wait3A_219 = tpu.memref_slice %arg8[%dma_wait3A_217, %dma_wait3A_218] : memref<10240x128xf32, #tpu.memory_space<vmem_shared>> -> memref<10240x128xf32, #tpu.memory_space<vmem_shared>>
      tpu.wait_indirect_dma semaphore(%arg23 : memref<!tpu.dma_semaphore, #tpu.memory_space<semaphore_mem>>) src(%arg10 : memref<128x128xf32, #tpu.memory_space<vmem>>) dst(%dma_wait3A_219 : memref<10240x128xf32, #tpu.memory_space<vmem_shared>>)
      %add3A_220 = arith.constant 2 : i32
      %add3A_221 = arith.addi %add3A_212, %add3A_220 : i32
      %add3A_222 = arith.addi %mul3A_2, %add3A_221 : i32
      %dma_start3A_223 = arith.constant 0 : i32
      %dma_start3A_224 = arith.constant 0 : i32
      %dma_start3A_225 = tpu.memref_slice %arg3[%add3A_222, %dma_start3A_223, %dma_start3A_224] : memref<2560x2x128xi32, #tpu.memory_space<hbm>> -> memref<1x2x128xi32, #tpu.memory_space<hbm>>
      %dma_start3A_226 = tpu.memref_squeeze %dma_start3A_225 : memref<1x2x128xi32, #tpu.memory_space<hbm>> -> memref<2x128xi32, #tpu.memory_space<hbm>>
      %dma_start3A_227 = arith.constant 0 : i32
      %dma_start3A_228 = arith.constant 0 : i32
      %dma_start3A_229 = tpu.memref_slice %arg3[%add3A_222, %dma_start3A_227, %dma_start3A_228] : memref<2560x2x128xi32, #tpu.memory_space<hbm>> -> memref<1x2x128xi32, #tpu.memory_space<hbm>>
      %dma_start3A_230 = tpu.memref_squeeze %dma_start3A_229 : memref<1x2x128xi32, #tpu.memory_space<hbm>> -> memref<2x128xi32, #tpu.memory_space<hbm>>
      tpu.enqueue_dma source(%dma_start3A_230 : memref<2x128xi32, #tpu.memory_space<hbm>>) target(%arg12 : memref<2x128xi32, #tpu.memory_space<vmem>>) target_semaphore(%arg17 : memref<!tpu.dma_semaphore, #tpu.memory_space<semaphore_mem>>)
      %add3A_231 = arith.addi %mul3A_2, %add3A_212 : i32
      %dma_wait3A_232 = arith.constant 0 : i32
      %dma_wait3A_233 = arith.constant 0 : i32
      %dma_wait3A_234 = tpu.memref_slice %arg3[%add3A_231, %dma_wait3A_232, %dma_wait3A_233] : memref<2560x2x128xi32, #tpu.memory_space<hbm>> -> memref<1x2x128xi32, #tpu.memory_space<hbm>>
      %dma_wait3A_235 = tpu.memref_squeeze %dma_wait3A_234 : memref<1x2x128xi32, #tpu.memory_space<hbm>> -> memref<2x128xi32, #tpu.memory_space<hbm>>
      %dma_wait3A_236 = arith.constant 0 : i32
      %dma_wait3A_237 = arith.constant 0 : i32
      %dma_wait3A_238 = tpu.memref_slice %arg3[%add3A_231, %dma_wait3A_236, %dma_wait3A_237] : memref<2560x2x128xi32, #tpu.memory_space<hbm>> -> memref<1x2x128xi32, #tpu.memory_space<hbm>>
      %dma_wait3A_239 = tpu.memref_squeeze %dma_wait3A_238 : memref<1x2x128xi32, #tpu.memory_space<hbm>> -> memref<2x128xi32, #tpu.memory_space<hbm>>
      tpu.wait_dma2 semaphore(%arg19 : memref<!tpu.dma_semaphore, #tpu.memory_space<semaphore_mem>>) src(%dma_wait3A_239 : memref<2x128xi32, #tpu.memory_space<hbm>>) dst(%arg14 : memref<2x128xi32, #tpu.memory_space<vmem>>)
      %dma_start3A_240 = arith.constant 0 : i32
      %dma_start3A_241 = arith.constant 0 : i32
      %dma_start3A_242 = tpu.memref_slice %arg14[%dma_start3A_240, %dma_start3A_241] : memref<2x128xi32, #tpu.memory_space<vmem>> -> memref<1x128xi32, #tpu.memory_space<vmem>>
      %dma_start3A_243 = tpu.memref_squeeze %dma_start3A_242 : memref<1x128xi32, #tpu.memory_space<vmem>> -> memref<128xi32, #tpu.memory_space<vmem>>
      %dma_start3A_244 = arith.constant 0 : i32
      %dma_start3A_245 = arith.constant 0 : i32
      %dma_start3A_246 = tpu.memref_slice %arg2[%dma_start3A_244, %dma_start3A_245] : memref<10240x128xf32, #tpu.memory_space<hbm>> -> memref<10240x128xf32, #tpu.memory_space<hbm>>
      tpu.enqueue_indirect_dma source(%dma_start3A_246 : memref<10240x128xf32, #tpu.memory_space<hbm>>) target(%arg10 : memref<128x128xf32, #tpu.memory_space<vmem>>) offsets(%dma_start3A_243 : memref<128xi32, #tpu.memory_space<vmem>>) semaphore(%arg21 : memref<!tpu.dma_semaphore, #tpu.memory_space<semaphore_mem>>)
      %dma_wait3A_247 = arith.constant 0 : i32
      %dma_wait3A_248 = arith.constant 0 : i32
      %dma_wait3A_249 = tpu.memref_slice %arg13[%dma_wait3A_247, %dma_wait3A_248] : memref<2x128xi32, #tpu.memory_space<vmem>> -> memref<1x128xi32, #tpu.memory_space<vmem>>
      %dma_wait3A_250 = tpu.memref_squeeze %dma_wait3A_249 : memref<1x128xi32, #tpu.memory_space<vmem>> -> memref<128xi32, #tpu.memory_space<vmem>>
      %dma_wait3A_251 = arith.constant 0 : i32
      %dma_wait3A_252 = arith.constant 0 : i32
      %dma_wait3A_253 = tpu.memref_slice %arg2[%dma_wait3A_251, %dma_wait3A_252] : memref<10240x128xf32, #tpu.memory_space<hbm>> -> memref<10240x128xf32, #tpu.memory_space<hbm>>
      tpu.wait_indirect_dma semaphore(%arg22 : memref<!tpu.dma_semaphore, #tpu.memory_space<semaphore_mem>>) src(%dma_wait3A_253 : memref<10240x128xf32, #tpu.memory_space<hbm>>) dst(%arg11 : memref<128x128xf32, #tpu.memory_space<vmem>>)
      %dma_start3A_254 = arith.constant 1 : i32
      %dma_start3A_255 = arith.constant 0 : i32
      %dma_start3A_256 = tpu.memref_slice %arg13[%dma_start3A_254, %dma_start3A_255] : memref<2x128xi32, #tpu.memory_space<vmem>> -> memref<1x128xi32, #tpu.memory_space<vmem>>
      %dma_start3A_257 = tpu.memref_squeeze %dma_start3A_256 : memref<1x128xi32, #tpu.memory_space<vmem>> -> memref<128xi32, #tpu.memory_space<vmem>>
      %dma_start3A_258 = arith.constant 0 : i32
      %dma_start3A_259 = arith.constant 0 : i32
      %dma_start3A_260 = tpu.memref_slice %arg8[%dma_start3A_258, %dma_start3A_259] : memref<10240x128xf32, #tpu.memory_space<vmem_shared>> -> memref<10240x128xf32, #tpu.memory_space<vmem_shared>>
      tpu.enqueue_indirect_dma source(%arg11 : memref<128x128xf32, #tpu.memory_space<vmem>>) target(%dma_start3A_260 : memref<10240x128xf32, #tpu.memory_space<vmem_shared>>) offsets(%dma_start3A_257 : memref<128xi32, #tpu.memory_space<vmem>>) semaphore(%arg24 : memref<!tpu.dma_semaphore, #tpu.memory_space<semaphore_mem>>) {add = true}
      %add3A_261 = arith.constant 1 : i32
      %add3A_262 = arith.addi %add3A_210, %add3A_261 : i32
      %dma_wait3A_263 = arith.constant 1 : i32
      %dma_wait3A_264 = arith.constant 0 : i32
      %dma_wait3A_265 = tpu.memref_slice %arg13[%dma_wait3A_263, %dma_wait3A_264] : memref<2x128xi32, #tpu.memory_space<vmem>> -> memref<1x128xi32, #tpu.memory_space<vmem>>
      %dma_wait3A_266 = tpu.memref_squeeze %dma_wait3A_265 : memref<1x128xi32, #tpu.memory_space<vmem>> -> memref<128xi32, #tpu.memory_space<vmem>>
      %dma_wait3A_267 = arith.constant 0 : i32
      %dma_wait3A_268 = arith.constant 0 : i32
      %dma_wait3A_269 = tpu.memref_slice %arg8[%dma_wait3A_267, %dma_wait3A_268] : memref<10240x128xf32, #tpu.memory_space<vmem_shared>> -> memref<10240x128xf32, #tpu.memory_space<vmem_shared>>
      tpu.wait_indirect_dma semaphore(%arg24 : memref<!tpu.dma_semaphore, #tpu.memory_space<semaphore_mem>>) src(%arg11 : memref<128x128xf32, #tpu.memory_space<vmem>>) dst(%dma_wait3A_269 : memref<10240x128xf32, #tpu.memory_space<vmem_shared>>)
      %add3A_270 = arith.constant 2 : i32
      %add3A_271 = arith.addi %add3A_262, %add3A_270 : i32
      %add3A_272 = arith.addi %mul3A_2, %add3A_271 : i32
      %dma_start3A_273 = arith.constant 0 : i32
      %dma_start3A_274 = arith.constant 0 : i32
      %dma_start3A_275 = tpu.memref_slice %arg3[%add3A_272, %dma_start3A_273, %dma_start3A_274] : memref<2560x2x128xi32, #tpu.memory_space<hbm>> -> memref<1x2x128xi32, #tpu.memory_space<hbm>>
      %dma_start3A_276 = tpu.memref_squeeze %dma_start3A_275 : memref<1x2x128xi32, #tpu.memory_space<hbm>> -> memref<2x128xi32, #tpu.memory_space<hbm>>
      %dma_start3A_277 = arith.constant 0 : i32
      %dma_start3A_278 = arith.constant 0 : i32
      %dma_start3A_279 = tpu.memref_slice %arg3[%add3A_272, %dma_start3A_277, %dma_start3A_278] : memref<2560x2x128xi32, #tpu.memory_space<hbm>> -> memref<1x2x128xi32, #tpu.memory_space<hbm>>
      %dma_start3A_280 = tpu.memref_squeeze %dma_start3A_279 : memref<1x2x128xi32, #tpu.memory_space<hbm>> -> memref<2x128xi32, #tpu.memory_space<hbm>>
      tpu.enqueue_dma source(%dma_start3A_280 : memref<2x128xi32, #tpu.memory_space<hbm>>) target(%arg13 : memref<2x128xi32, #tpu.memory_space<vmem>>) target_semaphore(%arg18 : memref<!tpu.dma_semaphore, #tpu.memory_space<semaphore_mem>>)
      %add3A_281 = arith.addi %mul3A_2, %add3A_262 : i32
      %dma_wait3A_282 = arith.constant 0 : i32
      %dma_wait3A_283 = arith.constant 0 : i32
      %dma_wait3A_284 = tpu.memref_slice %arg3[%add3A_281, %dma_wait3A_282, %dma_wait3A_283] : memref<2560x2x128xi32, #tpu.memory_space<hbm>> -> memref<1x2x128xi32, #tpu.memory_space<hbm>>
      %dma_wait3A_285 = tpu.memref_squeeze %dma_wait3A_284 : memref<1x2x128xi32, #tpu.memory_space<hbm>> -> memref<2x128xi32, #tpu.memory_space<hbm>>
      %dma_wait3A_286 = arith.constant 0 : i32
      %dma_wait3A_287 = arith.constant 0 : i32
      %dma_wait3A_288 = tpu.memref_slice %arg3[%add3A_281, %dma_wait3A_286, %dma_wait3A_287] : memref<2560x2x128xi32, #tpu.memory_space<hbm>> -> memref<1x2x128xi32, #tpu.memory_space<hbm>>
      %dma_wait3A_289 = tpu.memref_squeeze %dma_wait3A_288 : memref<1x2x128xi32, #tpu.memory_space<hbm>> -> memref<2x128xi32, #tpu.memory_space<hbm>>
      tpu.wait_dma2 semaphore(%arg20 : memref<!tpu.dma_semaphore, #tpu.memory_space<semaphore_mem>>) src(%dma_wait3A_289 : memref<2x128xi32, #tpu.memory_space<hbm>>) dst(%arg15 : memref<2x128xi32, #tpu.memory_space<vmem>>)
      %dma_start3A_290 = arith.constant 0 : i32
      %dma_start3A_291 = arith.constant 0 : i32
      %dma_start3A_292 = tpu.memref_slice %arg15[%dma_start3A_290, %dma_start3A_291] : memref<2x128xi32, #tpu.memory_space<vmem>> -> memref<1x128xi32, #tpu.memory_space<vmem>>
      %dma_start3A_293 = tpu.memref_squeeze %dma_start3A_292 : memref<1x128xi32, #tpu.memory_space<vmem>> -> memref<128xi32, #tpu.memory_space<vmem>>
      %dma_start3A_294 = arith.constant 0 : i32
      %dma_start3A_295 = arith.constant 0 : i32
      %dma_start3A_296 = tpu.memref_slice %arg2[%dma_start3A_294, %dma_start3A_295] : memref<10240x128xf32, #tpu.memory_space<hbm>> -> memref<10240x128xf32, #tpu.memory_space<hbm>>
      tpu.enqueue_indirect_dma source(%dma_start3A_296 : memref<10240x128xf32, #tpu.memory_space<hbm>>) target(%arg11 : memref<128x128xf32, #tpu.memory_space<vmem>>) offsets(%dma_start3A_293 : memref<128xi32, #tpu.memory_space<vmem>>) semaphore(%arg22 : memref<!tpu.dma_semaphore, #tpu.memory_space<semaphore_mem>>)
      %dma_wait3A_297 = arith.constant 0 : i32
      %dma_wait3A_298 = arith.constant 0 : i32
      %dma_wait3A_299 = tpu.memref_slice %arg14[%dma_wait3A_297, %dma_wait3A_298] : memref<2x128xi32, #tpu.memory_space<vmem>> -> memref<1x128xi32, #tpu.memory_space<vmem>>
      %dma_wait3A_300 = tpu.memref_squeeze %dma_wait3A_299 : memref<1x128xi32, #tpu.memory_space<vmem>> -> memref<128xi32, #tpu.memory_space<vmem>>
      %dma_wait3A_301 = arith.constant 0 : i32
      %dma_wait3A_302 = arith.constant 0 : i32
      %dma_wait3A_303 = tpu.memref_slice %arg2[%dma_wait3A_301, %dma_wait3A_302] : memref<10240x128xf32, #tpu.memory_space<hbm>> -> memref<10240x128xf32, #tpu.memory_space<hbm>>
      tpu.wait_indirect_dma semaphore(%arg21 : memref<!tpu.dma_semaphore, #tpu.memory_space<semaphore_mem>>) src(%dma_wait3A_303 : memref<10240x128xf32, #tpu.memory_space<hbm>>) dst(%arg10 : memref<128x128xf32, #tpu.memory_space<vmem>>)
      %dma_start3A_304 = arith.constant 1 : i32
      %dma_start3A_305 = arith.constant 0 : i32
      %dma_start3A_306 = tpu.memref_slice %arg14[%dma_start3A_304, %dma_start3A_305] : memref<2x128xi32, #tpu.memory_space<vmem>> -> memref<1x128xi32, #tpu.memory_space<vmem>>
      %dma_start3A_307 = tpu.memref_squeeze %dma_start3A_306 : memref<1x128xi32, #tpu.memory_space<vmem>> -> memref<128xi32, #tpu.memory_space<vmem>>
      %dma_start3A_308 = arith.constant 0 : i32
      %dma_start3A_309 = arith.constant 0 : i32
      %dma_start3A_310 = tpu.memref_slice %arg8[%dma_start3A_308, %dma_start3A_309] : memref<10240x128xf32, #tpu.memory_space<vmem_shared>> -> memref<10240x128xf32, #tpu.memory_space<vmem_shared>>
      tpu.enqueue_indirect_dma source(%arg10 : memref<128x128xf32, #tpu.memory_space<vmem>>) target(%dma_start3A_310 : memref<10240x128xf32, #tpu.memory_space<vmem_shared>>) offsets(%dma_start3A_307 : memref<128xi32, #tpu.memory_space<vmem>>) semaphore(%arg23 : memref<!tpu.dma_semaphore, #tpu.memory_space<semaphore_mem>>) {add = true}
      %add3A_311 = arith.constant 2 : i32
      %add3A_312 = arith.addi %add3A_210, %add3A_311 : i32
      %dma_wait3A_313 = arith.constant 1 : i32
      %dma_wait3A_314 = arith.constant 0 : i32
      %dma_wait3A_315 = tpu.memref_slice %arg14[%dma_wait3A_313, %dma_wait3A_314] : memref<2x128xi32, #tpu.memory_space<vmem>> -> memref<1x128xi32, #tpu.memory_space<vmem>>
      %dma_wait3A_316 = tpu.memref_squeeze %dma_wait3A_315 : memref<1x128xi32, #tpu.memory_space<vmem>> -> memref<128xi32, #tpu.memory_space<vmem>>
      %dma_wait3A_317 = arith.constant 0 : i32
      %dma_wait3A_318 = arith.constant 0 : i32
      %dma_wait3A_319 = tpu.memref_slice %arg8[%dma_wait3A_317, %dma_wait3A_318] : memref<10240x128xf32, #tpu.memory_space<vmem_shared>> -> memref<10240x128xf32, #tpu.memory_space<vmem_shared>>
      tpu.wait_indirect_dma semaphore(%arg23 : memref<!tpu.dma_semaphore, #tpu.memory_space<semaphore_mem>>) src(%arg10 : memref<128x128xf32, #tpu.memory_space<vmem>>) dst(%dma_wait3A_319 : memref<10240x128xf32, #tpu.memory_space<vmem_shared>>)
      %add3A_320 = arith.constant 2 : i32
      %add3A_321 = arith.addi %add3A_312, %add3A_320 : i32
      %add3A_322 = arith.addi %mul3A_2, %add3A_321 : i32
      %dma_start3A_323 = arith.constant 0 : i32
      %dma_start3A_324 = arith.constant 0 : i32
      %dma_start3A_325 = tpu.memref_slice %arg3[%add3A_322, %dma_start3A_323, %dma_start3A_324] : memref<2560x2x128xi32, #tpu.memory_space<hbm>> -> memref<1x2x128xi32, #tpu.memory_space<hbm>>
      %dma_start3A_326 = tpu.memref_squeeze %dma_start3A_325 : memref<1x2x128xi32, #tpu.memory_space<hbm>> -> memref<2x128xi32, #tpu.memory_space<hbm>>
      %dma_start3A_327 = arith.constant 0 : i32
      %dma_start3A_328 = arith.constant 0 : i32
      %dma_start3A_329 = tpu.memref_slice %arg3[%add3A_322, %dma_start3A_327, %dma_start3A_328] : memref<2560x2x128xi32, #tpu.memory_space<hbm>> -> memref<1x2x128xi32, #tpu.memory_space<hbm>>
      %dma_start3A_330 = tpu.memref_squeeze %dma_start3A_329 : memref<1x2x128xi32, #tpu.memory_space<hbm>> -> memref<2x128xi32, #tpu.memory_space<hbm>>
      tpu.enqueue_dma source(%dma_start3A_330 : memref<2x128xi32, #tpu.memory_space<hbm>>) target(%arg14 : memref<2x128xi32, #tpu.memory_space<vmem>>) target_semaphore(%arg19 : memref<!tpu.dma_semaphore, #tpu.memory_space<semaphore_mem>>)
      %add3A_331 = arith.addi %mul3A_2, %add3A_312 : i32
      %dma_wait3A_332 = arith.constant 0 : i32
      %dma_wait3A_333 = arith.constant 0 : i32
      %dma_wait3A_334 = tpu.memref_slice %arg3[%add3A_331, %dma_wait3A_332, %dma_wait3A_333] : memref<2560x2x128xi32, #tpu.memory_space<hbm>> -> memref<1x2x128xi32, #tpu.memory_space<hbm>>
      %dma_wait3A_335 = tpu.memref_squeeze %dma_wait3A_334 : memref<1x2x128xi32, #tpu.memory_space<hbm>> -> memref<2x128xi32, #tpu.memory_space<hbm>>
      %dma_wait3A_336 = arith.constant 0 : i32
      %dma_wait3A_337 = arith.constant 0 : i32
      %dma_wait3A_338 = tpu.memref_slice %arg3[%add3A_331, %dma_wait3A_336, %dma_wait3A_337] : memref<2560x2x128xi32, #tpu.memory_space<hbm>> -> memref<1x2x128xi32, #tpu.memory_space<hbm>>
      %dma_wait3A_339 = tpu.memref_squeeze %dma_wait3A_338 : memref<1x2x128xi32, #tpu.memory_space<hbm>> -> memref<2x128xi32, #tpu.memory_space<hbm>>
      tpu.wait_dma2 semaphore(%arg17 : memref<!tpu.dma_semaphore, #tpu.memory_space<semaphore_mem>>) src(%dma_wait3A_339 : memref<2x128xi32, #tpu.memory_space<hbm>>) dst(%arg12 : memref<2x128xi32, #tpu.memory_space<vmem>>)
      %dma_start3A_340 = arith.constant 0 : i32
      %dma_start3A_341 = arith.constant 0 : i32
      %dma_start3A_342 = tpu.memref_slice %arg12[%dma_start3A_340, %dma_start3A_341] : memref<2x128xi32, #tpu.memory_space<vmem>> -> memref<1x128xi32, #tpu.memory_space<vmem>>
      %dma_start3A_343 = tpu.memref_squeeze %dma_start3A_342 : memref<1x128xi32, #tpu.memory_space<vmem>> -> memref<128xi32, #tpu.memory_space<vmem>>
      %dma_start3A_344 = arith.constant 0 : i32
      %dma_start3A_345 = arith.constant 0 : i32
      %dma_start3A_346 = tpu.memref_slice %arg2[%dma_start3A_344, %dma_start3A_345] : memref<10240x128xf32, #tpu.memory_space<hbm>> -> memref<10240x128xf32, #tpu.memory_space<hbm>>
      tpu.enqueue_indirect_dma source(%dma_start3A_346 : memref<10240x128xf32, #tpu.memory_space<hbm>>) target(%arg10 : memref<128x128xf32, #tpu.memory_space<vmem>>) offsets(%dma_start3A_343 : memref<128xi32, #tpu.memory_space<vmem>>) semaphore(%arg21 : memref<!tpu.dma_semaphore, #tpu.memory_space<semaphore_mem>>)
      %dma_wait3A_347 = arith.constant 0 : i32
      %dma_wait3A_348 = arith.constant 0 : i32
      %dma_wait3A_349 = tpu.memref_slice %arg15[%dma_wait3A_347, %dma_wait3A_348] : memref<2x128xi32, #tpu.memory_space<vmem>> -> memref<1x128xi32, #tpu.memory_space<vmem>>
      %dma_wait3A_350 = tpu.memref_squeeze %dma_wait3A_349 : memref<1x128xi32, #tpu.memory_space<vmem>> -> memref<128xi32, #tpu.memory_space<vmem>>
      %dma_wait3A_351 = arith.constant 0 : i32
      %dma_wait3A_352 = arith.constant 0 : i32
      %dma_wait3A_353 = tpu.memref_slice %arg2[%dma_wait3A_351, %dma_wait3A_352] : memref<10240x128xf32, #tpu.memory_space<hbm>> -> memref<10240x128xf32, #tpu.memory_space<hbm>>
      tpu.wait_indirect_dma semaphore(%arg22 : memref<!tpu.dma_semaphore, #tpu.memory_space<semaphore_mem>>) src(%dma_wait3A_353 : memref<10240x128xf32, #tpu.memory_space<hbm>>) dst(%arg11 : memref<128x128xf32, #tpu.memory_space<vmem>>)
      %dma_start3A_354 = arith.constant 1 : i32
      %dma_start3A_355 = arith.constant 0 : i32
      %dma_start3A_356 = tpu.memref_slice %arg15[%dma_start3A_354, %dma_start3A_355] : memref<2x128xi32, #tpu.memory_space<vmem>> -> memref<1x128xi32, #tpu.memory_space<vmem>>
      %dma_start3A_357 = tpu.memref_squeeze %dma_start3A_356 : memref<1x128xi32, #tpu.memory_space<vmem>> -> memref<128xi32, #tpu.memory_space<vmem>>
      %dma_start3A_358 = arith.constant 0 : i32
      %dma_start3A_359 = arith.constant 0 : i32
      %dma_start3A_360 = tpu.memref_slice %arg8[%dma_start3A_358, %dma_start3A_359] : memref<10240x128xf32, #tpu.memory_space<vmem_shared>> -> memref<10240x128xf32, #tpu.memory_space<vmem_shared>>
      tpu.enqueue_indirect_dma source(%arg11 : memref<128x128xf32, #tpu.memory_space<vmem>>) target(%dma_start3A_360 : memref<10240x128xf32, #tpu.memory_space<vmem_shared>>) offsets(%dma_start3A_357 : memref<128xi32, #tpu.memory_space<vmem>>) semaphore(%arg24 : memref<!tpu.dma_semaphore, #tpu.memory_space<semaphore_mem>>) {add = true}
      %add3A_361 = arith.constant 3 : i32
      %add3A_362 = arith.addi %add3A_210, %add3A_361 : i32
      %dma_wait3A_363 = arith.constant 1 : i32
      %dma_wait3A_364 = arith.constant 0 : i32
      %dma_wait3A_365 = tpu.memref_slice %arg15[%dma_wait3A_363, %dma_wait3A_364] : memref<2x128xi32, #tpu.memory_space<vmem>> -> memref<1x128xi32, #tpu.memory_space<vmem>>
      %dma_wait3A_366 = tpu.memref_squeeze %dma_wait3A_365 : memref<1x128xi32, #tpu.memory_space<vmem>> -> memref<128xi32, #tpu.memory_space<vmem>>
      %dma_wait3A_367 = arith.constant 0 : i32
      %dma_wait3A_368 = arith.constant 0 : i32
      %dma_wait3A_369 = tpu.memref_slice %arg8[%dma_wait3A_367, %dma_wait3A_368] : memref<10240x128xf32, #tpu.memory_space<vmem_shared>> -> memref<10240x128xf32, #tpu.memory_space<vmem_shared>>
      tpu.wait_indirect_dma semaphore(%arg24 : memref<!tpu.dma_semaphore, #tpu.memory_space<semaphore_mem>>) src(%arg11 : memref<128x128xf32, #tpu.memory_space<vmem>>) dst(%dma_wait3A_369 : memref<10240x128xf32, #tpu.memory_space<vmem_shared>>)
      %add3A_370 = arith.constant 2 : i32
      %add3A_371 = arith.addi %add3A_362, %add3A_370 : i32
      %add3A_372 = arith.addi %mul3A_2, %add3A_371 : i32
      %dma_start3A_373 = arith.constant 0 : i32
      %dma_start3A_374 = arith.constant 0 : i32
      %dma_start3A_375 = tpu.memref_slice %arg3[%add3A_372, %dma_start3A_373, %dma_start3A_374] : memref<2560x2x128xi32, #tpu.memory_space<hbm>> -> memref<1x2x128xi32, #tpu.memory_space<hbm>>
      %dma_start3A_376 = tpu.memref_squeeze %dma_start3A_375 : memref<1x2x128xi32, #tpu.memory_space<hbm>> -> memref<2x128xi32, #tpu.memory_space<hbm>>
      %dma_start3A_377 = arith.constant 0 : i32
      %dma_start3A_378 = arith.constant 0 : i32
      %dma_start3A_379 = tpu.memref_slice %arg3[%add3A_372, %dma_start3A_377, %dma_start3A_378] : memref<2560x2x128xi32, #tpu.memory_space<hbm>> -> memref<1x2x128xi32, #tpu.memory_space<hbm>>
      %dma_start3A_380 = tpu.memref_squeeze %dma_start3A_379 : memref<1x2x128xi32, #tpu.memory_space<hbm>> -> memref<2x128xi32, #tpu.memory_space<hbm>>
      tpu.enqueue_dma source(%dma_start3A_380 : memref<2x128xi32, #tpu.memory_space<hbm>>) target(%arg15 : memref<2x128xi32, #tpu.memory_space<vmem>>) target_semaphore(%arg20 : memref<!tpu.dma_semaphore, #tpu.memory_space<semaphore_mem>>)
      %add3A_381 = arith.addi %mul3A_2, %add3A_362 : i32
      %dma_wait3A_382 = arith.constant 0 : i32
      %dma_wait3A_383 = arith.constant 0 : i32
      %dma_wait3A_384 = tpu.memref_slice %arg3[%add3A_381, %dma_wait3A_382, %dma_wait3A_383] : memref<2560x2x128xi32, #tpu.memory_space<hbm>> -> memref<1x2x128xi32, #tpu.memory_space<hbm>>
      %dma_wait3A_385 = tpu.memref_squeeze %dma_wait3A_384 : memref<1x2x128xi32, #tpu.memory_space<hbm>> -> memref<2x128xi32, #tpu.memory_space<hbm>>
      %dma_wait3A_386 = arith.constant 0 : i32
      %dma_wait3A_387 = arith.constant 0 : i32
      %dma_wait3A_388 = tpu.memref_slice %arg3[%add3A_381, %dma_wait3A_386, %dma_wait3A_387] : memref<2560x2x128xi32, #tpu.memory_space<hbm>> -> memref<1x2x128xi32, #tpu.memory_space<hbm>>
      %dma_wait3A_389 = tpu.memref_squeeze %dma_wait3A_388 : memref<1x2x128xi32, #tpu.memory_space<hbm>> -> memref<2x128xi32, #tpu.memory_space<hbm>>
      tpu.wait_dma2 semaphore(%arg18 : memref<!tpu.dma_semaphore, #tpu.memory_space<semaphore_mem>>) src(%dma_wait3A_389 : memref<2x128xi32, #tpu.memory_space<hbm>>) dst(%arg13 : memref<2x128xi32, #tpu.memory_space<vmem>>)
      %dma_start3A_390 = arith.constant 0 : i32
      %dma_start3A_391 = arith.constant 0 : i32
      %dma_start3A_392 = tpu.memref_slice %arg13[%dma_start3A_390, %dma_start3A_391] : memref<2x128xi32, #tpu.memory_space<vmem>> -> memref<1x128xi32, #tpu.memory_space<vmem>>
      %dma_start3A_393 = tpu.memref_squeeze %dma_start3A_392 : memref<1x128xi32, #tpu.memory_space<vmem>> -> memref<128xi32, #tpu.memory_space<vmem>>
      %dma_start3A_394 = arith.constant 0 : i32
      %dma_start3A_395 = arith.constant 0 : i32
      %dma_start3A_396 = tpu.memref_slice %arg2[%dma_start3A_394, %dma_start3A_395] : memref<10240x128xf32, #tpu.memory_space<hbm>> -> memref<10240x128xf32, #tpu.memory_space<hbm>>
      tpu.enqueue_indirect_dma source(%dma_start3A_396 : memref<10240x128xf32, #tpu.memory_space<hbm>>) target(%arg11 : memref<128x128xf32, #tpu.memory_space<vmem>>) offsets(%dma_start3A_393 : memref<128xi32, #tpu.memory_space<vmem>>) semaphore(%arg22 : memref<!tpu.dma_semaphore, #tpu.memory_space<semaphore_mem>>)
      %dma_wait3A_397 = arith.constant 0 : i32
      %dma_wait3A_398 = arith.constant 0 : i32
      %dma_wait3A_399 = tpu.memref_slice %arg12[%dma_wait3A_397, %dma_wait3A_398] : memref<2x128xi32, #tpu.memory_space<vmem>> -> memref<1x128xi32, #tpu.memory_space<vmem>>
      %dma_wait3A_400 = tpu.memref_squeeze %dma_wait3A_399 : memref<1x128xi32, #tpu.memory_space<vmem>> -> memref<128xi32, #tpu.memory_space<vmem>>
      %dma_wait3A_401 = arith.constant 0 : i32
      %dma_wait3A_402 = arith.constant 0 : i32
      %dma_wait3A_403 = tpu.memref_slice %arg2[%dma_wait3A_401, %dma_wait3A_402] : memref<10240x128xf32, #tpu.memory_space<hbm>> -> memref<10240x128xf32, #tpu.memory_space<hbm>>
      tpu.wait_indirect_dma semaphore(%arg21 : memref<!tpu.dma_semaphore, #tpu.memory_space<semaphore_mem>>) src(%dma_wait3A_403 : memref<10240x128xf32, #tpu.memory_space<hbm>>) dst(%arg10 : memref<128x128xf32, #tpu.memory_space<vmem>>)
      %dma_start3A_404 = arith.constant 1 : i32
      %dma_start3A_405 = arith.constant 0 : i32
      %dma_start3A_406 = tpu.memref_slice %arg12[%dma_start3A_404, %dma_start3A_405] : memref<2x128xi32, #tpu.memory_space<vmem>> -> memref<1x128xi32, #tpu.memory_space<vmem>>
      %dma_start3A_407 = tpu.memref_squeeze %dma_start3A_406 : memref<1x128xi32, #tpu.memory_space<vmem>> -> memref<128xi32, #tpu.memory_space<vmem>>
      %dma_start3A_408 = arith.constant 0 : i32
      %dma_start3A_409 = arith.constant 0 : i32
      %dma_start3A_410 = tpu.memref_slice %arg8[%dma_start3A_408, %dma_start3A_409] : memref<10240x128xf32, #tpu.memory_space<vmem_shared>> -> memref<10240x128xf32, #tpu.memory_space<vmem_shared>>
      tpu.enqueue_indirect_dma source(%arg10 : memref<128x128xf32, #tpu.memory_space<vmem>>) target(%dma_start3A_410 : memref<10240x128xf32, #tpu.memory_space<vmem_shared>>) offsets(%dma_start3A_407 : memref<128xi32, #tpu.memory_space<vmem>>) semaphore(%arg23 : memref<!tpu.dma_semaphore, #tpu.memory_space<semaphore_mem>>) {add = true}
    }
    %scan3A_95 = arith.constant 19 : i32
    %dma_wait3A_96 = arith.constant 1 : i32
    %dma_wait3A_97 = arith.constant 0 : i32
    %dma_wait3A_98 = tpu.memref_slice %arg12[%dma_wait3A_96, %dma_wait3A_97] : memref<2x128xi32, #tpu.memory_space<vmem>> -> memref<1x128xi32, #tpu.memory_space<vmem>>
    %dma_wait3A_99 = tpu.memref_squeeze %dma_wait3A_98 : memref<1x128xi32, #tpu.memory_space<vmem>> -> memref<128xi32, #tpu.memory_space<vmem>>
    %dma_wait3A_100 = arith.constant 0 : i32
    %dma_wait3A_101 = arith.constant 0 : i32
    %dma_wait3A_102 = tpu.memref_slice %arg8[%dma_wait3A_100, %dma_wait3A_101] : memref<10240x128xf32, #tpu.memory_space<vmem_shared>> -> memref<10240x128xf32, #tpu.memory_space<vmem_shared>>
    tpu.wait_indirect_dma semaphore(%arg23 : memref<!tpu.dma_semaphore, #tpu.memory_space<semaphore_mem>>) src(%arg10 : memref<128x128xf32, #tpu.memory_space<vmem>>) dst(%dma_wait3A_102 : memref<10240x128xf32, #tpu.memory_space<vmem_shared>>)
    %add3A_103 = arith.constant 78 : i32
    %add3A_104 = arith.addi %mul3A_2, %add3A_103 : i32
    %dma_wait3A_105 = arith.constant 0 : i32
    %dma_wait3A_106 = arith.constant 0 : i32
    %dma_wait3A_107 = tpu.memref_slice %arg3[%add3A_104, %dma_wait3A_105, %dma_wait3A_106] : memref<2560x2x128xi32, #tpu.memory_space<hbm>> -> memref<1x2x128xi32, #tpu.memory_space<hbm>>
    %dma_wait3A_108 = tpu.memref_squeeze %dma_wait3A_107 : memref<1x2x128xi32, #tpu.memory_space<hbm>> -> memref<2x128xi32, #tpu.memory_space<hbm>>
    %dma_wait3A_109 = arith.constant 0 : i32
    %dma_wait3A_110 = arith.constant 0 : i32
    %dma_wait3A_111 = tpu.memref_slice %arg3[%add3A_104, %dma_wait3A_109, %dma_wait3A_110] : memref<2560x2x128xi32, #tpu.memory_space<hbm>> -> memref<1x2x128xi32, #tpu.memory_space<hbm>>
    %dma_wait3A_112 = tpu.memref_squeeze %dma_wait3A_111 : memref<1x2x128xi32, #tpu.memory_space<hbm>> -> memref<2x128xi32, #tpu.memory_space<hbm>>
    tpu.wait_dma2 semaphore(%arg19 : memref<!tpu.dma_semaphore, #tpu.memory_space<semaphore_mem>>) src(%dma_wait3A_112 : memref<2x128xi32, #tpu.memory_space<hbm>>) dst(%arg14 : memref<2x128xi32, #tpu.memory_space<vmem>>)
    %dma_start3A_113 = arith.constant 0 : i32
    %dma_start3A_114 = arith.constant 0 : i32
    %dma_start3A_115 = tpu.memref_slice %arg14[%dma_start3A_113, %dma_start3A_114] : memref<2x128xi32, #tpu.memory_space<vmem>> -> memref<1x128xi32, #tpu.memory_space<vmem>>
    %dma_start3A_116 = tpu.memref_squeeze %dma_start3A_115 : memref<1x128xi32, #tpu.memory_space<vmem>> -> memref<128xi32, #tpu.memory_space<vmem>>
    %dma_start3A_117 = arith.constant 0 : i32
    %dma_start3A_118 = arith.constant 0 : i32
    %dma_start3A_119 = tpu.memref_slice %arg2[%dma_start3A_117, %dma_start3A_118] : memref<10240x128xf32, #tpu.memory_space<hbm>> -> memref<10240x128xf32, #tpu.memory_space<hbm>>
    tpu.enqueue_indirect_dma source(%dma_start3A_119 : memref<10240x128xf32, #tpu.memory_space<hbm>>) target(%arg10 : memref<128x128xf32, #tpu.memory_space<vmem>>) offsets(%dma_start3A_116 : memref<128xi32, #tpu.memory_space<vmem>>) semaphore(%arg21 : memref<!tpu.dma_semaphore, #tpu.memory_space<semaphore_mem>>)
    %dma_wait3A_120 = arith.constant 0 : i32
    %dma_wait3A_121 = arith.constant 0 : i32
    %dma_wait3A_122 = tpu.memref_slice %arg13[%dma_wait3A_120, %dma_wait3A_121] : memref<2x128xi32, #tpu.memory_space<vmem>> -> memref<1x128xi32, #tpu.memory_space<vmem>>
    %dma_wait3A_123 = tpu.memref_squeeze %dma_wait3A_122 : memref<1x128xi32, #tpu.memory_space<vmem>> -> memref<128xi32, #tpu.memory_space<vmem>>
    %dma_wait3A_124 = arith.constant 0 : i32
    %dma_wait3A_125 = arith.constant 0 : i32
    %dma_wait3A_126 = tpu.memref_slice %arg2[%dma_wait3A_124, %dma_wait3A_125] : memref<10240x128xf32, #tpu.memory_space<hbm>> -> memref<10240x128xf32, #tpu.memory_space<hbm>>
    tpu.wait_indirect_dma semaphore(%arg22 : memref<!tpu.dma_semaphore, #tpu.memory_space<semaphore_mem>>) src(%dma_wait3A_126 : memref<10240x128xf32, #tpu.memory_space<hbm>>) dst(%arg11 : memref<128x128xf32, #tpu.memory_space<vmem>>)
    %dma_start3A_127 = arith.constant 1 : i32
    %dma_start3A_128 = arith.constant 0 : i32
    %dma_start3A_129 = tpu.memref_slice %arg13[%dma_start3A_127, %dma_start3A_128] : memref<2x128xi32, #tpu.memory_space<vmem>> -> memref<1x128xi32, #tpu.memory_space<vmem>>
    %dma_start3A_130 = tpu.memref_squeeze %dma_start3A_129 : memref<1x128xi32, #tpu.memory_space<vmem>> -> memref<128xi32, #tpu.memory_space<vmem>>
    %dma_start3A_131 = arith.constant 0 : i32
    %dma_start3A_132 = arith.constant 0 : i32
    %dma_start3A_133 = tpu.memref_slice %arg8[%dma_start3A_131, %dma_start3A_132] : memref<10240x128xf32, #tpu.memory_space<vmem_shared>> -> memref<10240x128xf32, #tpu.memory_space<vmem_shared>>
    tpu.enqueue_indirect_dma source(%arg11 : memref<128x128xf32, #tpu.memory_space<vmem>>) target(%dma_start3A_133 : memref<10240x128xf32, #tpu.memory_space<vmem_shared>>) offsets(%dma_start3A_130 : memref<128xi32, #tpu.memory_space<vmem>>) semaphore(%arg24 : memref<!tpu.dma_semaphore, #tpu.memory_space<semaphore_mem>>) {add = true}
    %dma_wait3A_134 = arith.constant 1 : i32
    %dma_wait3A_135 = arith.constant 0 : i32
    %dma_wait3A_136 = tpu.memref_slice %arg13[%dma_wait3A_134, %dma_wait3A_135] : memref<2x128xi32, #tpu.memory_space<vmem>> -> memref<1x128xi32, #tpu.memory_space<vmem>>
    %dma_wait3A_137 = tpu.memref_squeeze %dma_wait3A_136 : memref<1x128xi32, #tpu.memory_space<vmem>> -> memref<128xi32, #tpu.memory_space<vmem>>
    %dma_wait3A_138 = arith.constant 0 : i32
    %dma_wait3A_139 = arith.constant 0 : i32
    %dma_wait3A_140 = tpu.memref_slice %arg8[%dma_wait3A_138, %dma_wait3A_139] : memref<10240x128xf32, #tpu.memory_space<vmem_shared>> -> memref<10240x128xf32, #tpu.memory_space<vmem_shared>>
    tpu.wait_indirect_dma semaphore(%arg24 : memref<!tpu.dma_semaphore, #tpu.memory_space<semaphore_mem>>) src(%arg11 : memref<128x128xf32, #tpu.memory_space<vmem>>) dst(%dma_wait3A_140 : memref<10240x128xf32, #tpu.memory_space<vmem_shared>>)
    %add3A_141 = arith.constant 79 : i32
    %add3A_142 = arith.addi %mul3A_2, %add3A_141 : i32
    %dma_wait3A_143 = arith.constant 0 : i32
    %dma_wait3A_144 = arith.constant 0 : i32
    %dma_wait3A_145 = tpu.memref_slice %arg3[%add3A_142, %dma_wait3A_143, %dma_wait3A_144] : memref<2560x2x128xi32, #tpu.memory_space<hbm>> -> memref<1x2x128xi32, #tpu.memory_space<hbm>>
    %dma_wait3A_146 = tpu.memref_squeeze %dma_wait3A_145 : memref<1x2x128xi32, #tpu.memory_space<hbm>> -> memref<2x128xi32, #tpu.memory_space<hbm>>
    %dma_wait3A_147 = arith.constant 0 : i32
    %dma_wait3A_148 = arith.constant 0 : i32
    %dma_wait3A_149 = tpu.memref_slice %arg3[%add3A_142, %dma_wait3A_147, %dma_wait3A_148] : memref<2560x2x128xi32, #tpu.memory_space<hbm>> -> memref<1x2x128xi32, #tpu.memory_space<hbm>>
    %dma_wait3A_150 = tpu.memref_squeeze %dma_wait3A_149 : memref<1x2x128xi32, #tpu.memory_space<hbm>> -> memref<2x128xi32, #tpu.memory_space<hbm>>
    tpu.wait_dma2 semaphore(%arg20 : memref<!tpu.dma_semaphore, #tpu.memory_space<semaphore_mem>>) src(%dma_wait3A_150 : memref<2x128xi32, #tpu.memory_space<hbm>>) dst(%arg15 : memref<2x128xi32, #tpu.memory_space<vmem>>)
    %dma_start3A_151 = arith.constant 0 : i32
    %dma_start3A_152 = arith.constant 0 : i32
    %dma_start3A_153 = tpu.memref_slice %arg15[%dma_start3A_151, %dma_start3A_152] : memref<2x128xi32, #tpu.memory_space<vmem>> -> memref<1x128xi32, #tpu.memory_space<vmem>>
    %dma_start3A_154 = tpu.memref_squeeze %dma_start3A_153 : memref<1x128xi32, #tpu.memory_space<vmem>> -> memref<128xi32, #tpu.memory_space<vmem>>
    %dma_start3A_155 = arith.constant 0 : i32
    %dma_start3A_156 = arith.constant 0 : i32
    %dma_start3A_157 = tpu.memref_slice %arg2[%dma_start3A_155, %dma_start3A_156] : memref<10240x128xf32, #tpu.memory_space<hbm>> -> memref<10240x128xf32, #tpu.memory_space<hbm>>
    tpu.enqueue_indirect_dma source(%dma_start3A_157 : memref<10240x128xf32, #tpu.memory_space<hbm>>) target(%arg11 : memref<128x128xf32, #tpu.memory_space<vmem>>) offsets(%dma_start3A_154 : memref<128xi32, #tpu.memory_space<vmem>>) semaphore(%arg22 : memref<!tpu.dma_semaphore, #tpu.memory_space<semaphore_mem>>)
    %dma_wait3A_158 = arith.constant 0 : i32
    %dma_wait3A_159 = arith.constant 0 : i32
    %dma_wait3A_160 = tpu.memref_slice %arg14[%dma_wait3A_158, %dma_wait3A_159] : memref<2x128xi32, #tpu.memory_space<vmem>> -> memref<1x128xi32, #tpu.memory_space<vmem>>
    %dma_wait3A_161 = tpu.memref_squeeze %dma_wait3A_160 : memref<1x128xi32, #tpu.memory_space<vmem>> -> memref<128xi32, #tpu.memory_space<vmem>>
    %dma_wait3A_162 = arith.constant 0 : i32
    %dma_wait3A_163 = arith.constant 0 : i32
    %dma_wait3A_164 = tpu.memref_slice %arg2[%dma_wait3A_162, %dma_wait3A_163] : memref<10240x128xf32, #tpu.memory_space<hbm>> -> memref<10240x128xf32, #tpu.memory_space<hbm>>
    tpu.wait_indirect_dma semaphore(%arg21 : memref<!tpu.dma_semaphore, #tpu.memory_space<semaphore_mem>>) src(%dma_wait3A_164 : memref<10240x128xf32, #tpu.memory_space<hbm>>) dst(%arg10 : memref<128x128xf32, #tpu.memory_space<vmem>>)
    %dma_start3A_165 = arith.constant 1 : i32
    %dma_start3A_166 = arith.constant 0 : i32
    %dma_start3A_167 = tpu.memref_slice %arg14[%dma_start3A_165, %dma_start3A_166] : memref<2x128xi32, #tpu.memory_space<vmem>> -> memref<1x128xi32, #tpu.memory_space<vmem>>
    %dma_start3A_168 = tpu.memref_squeeze %dma_start3A_167 : memref<1x128xi32, #tpu.memory_space<vmem>> -> memref<128xi32, #tpu.memory_space<vmem>>
    %dma_start3A_169 = arith.constant 0 : i32
    %dma_start3A_170 = arith.constant 0 : i32
    %dma_start3A_171 = tpu.memref_slice %arg8[%dma_start3A_169, %dma_start3A_170] : memref<10240x128xf32, #tpu.memory_space<vmem_shared>> -> memref<10240x128xf32, #tpu.memory_space<vmem_shared>>
    tpu.enqueue_indirect_dma source(%arg10 : memref<128x128xf32, #tpu.memory_space<vmem>>) target(%dma_start3A_171 : memref<10240x128xf32, #tpu.memory_space<vmem_shared>>) offsets(%dma_start3A_168 : memref<128xi32, #tpu.memory_space<vmem>>) semaphore(%arg23 : memref<!tpu.dma_semaphore, #tpu.memory_space<semaphore_mem>>) {add = true}
    %dma_wait3A_172 = arith.constant 0 : i32
    %dma_wait3A_173 = arith.constant 0 : i32
    %dma_wait3A_174 = tpu.memref_slice %arg15[%dma_wait3A_172, %dma_wait3A_173] : memref<2x128xi32, #tpu.memory_space<vmem>> -> memref<1x128xi32, #tpu.memory_space<vmem>>
    %dma_wait3A_175 = tpu.memref_squeeze %dma_wait3A_174 : memref<1x128xi32, #tpu.memory_space<vmem>> -> memref<128xi32, #tpu.memory_space<vmem>>
    %dma_wait3A_176 = arith.constant 0 : i32
    %dma_wait3A_177 = arith.constant 0 : i32
    %dma_wait3A_178 = tpu.memref_slice %arg2[%dma_wait3A_176, %dma_wait3A_177] : memref<10240x128xf32, #tpu.memory_space<hbm>> -> memref<10240x128xf32, #tpu.memory_space<hbm>>
    tpu.wait_indirect_dma semaphore(%arg22 : memref<!tpu.dma_semaphore, #tpu.memory_space<semaphore_mem>>) src(%dma_wait3A_178 : memref<10240x128xf32, #tpu.memory_space<hbm>>) dst(%arg11 : memref<128x128xf32, #tpu.memory_space<vmem>>)
    %dma_start3A_179 = arith.constant 1 : i32
    %dma_start3A_180 = arith.constant 0 : i32
    %dma_start3A_181 = tpu.memref_slice %arg15[%dma_start3A_179, %dma_start3A_180] : memref<2x128xi32, #tpu.memory_space<vmem>> -> memref<1x128xi32, #tpu.memory_space<vmem>>
    %dma_start3A_182 = tpu.memref_squeeze %dma_start3A_181 : memref<1x128xi32, #tpu.memory_space<vmem>> -> memref<128xi32, #tpu.memory_space<vmem>>
    %dma_start3A_183 = arith.constant 0 : i32
    %dma_start3A_184 = arith.constant 0 : i32
    %dma_start3A_185 = tpu.memref_slice %arg8[%dma_start3A_183, %dma_start3A_184] : memref<10240x128xf32, #tpu.memory_space<vmem_shared>> -> memref<10240x128xf32, #tpu.memory_space<vmem_shared>>
    tpu.enqueue_indirect_dma source(%arg11 : memref<128x128xf32, #tpu.memory_space<vmem>>) target(%dma_start3A_185 : memref<10240x128xf32, #tpu.memory_space<vmem_shared>>) offsets(%dma_start3A_182 : memref<128xi32, #tpu.memory_space<vmem>>) semaphore(%arg24 : memref<!tpu.dma_semaphore, #tpu.memory_space<semaphore_mem>>) {add = true}
    %dma_wait3A_186 = arith.constant 1 : i32
    %dma_wait3A_187 = arith.constant 0 : i32
    %dma_wait3A_188 = tpu.memref_slice %arg14[%dma_wait3A_186, %dma_wait3A_187] : memref<2x128xi32, #tpu.memory_space<vmem>> -> memref<1x128xi32, #tpu.memory_space<vmem>>
    %dma_wait3A_189 = tpu.memref_squeeze %dma_wait3A_188 : memref<1x128xi32, #tpu.memory_space<vmem>> -> memref<128xi32, #tpu.memory_space<vmem>>
    %dma_wait3A_190 = arith.constant 0 : i32
    %dma_wait3A_191 = arith.constant 0 : i32
    %dma_wait3A_192 = tpu.memref_slice %arg8[%dma_wait3A_190, %dma_wait3A_191] : memref<10240x128xf32, #tpu.memory_space<vmem_shared>> -> memref<10240x128xf32, #tpu.memory_space<vmem_shared>>
    tpu.wait_indirect_dma semaphore(%arg23 : memref<!tpu.dma_semaphore, #tpu.memory_space<semaphore_mem>>) src(%arg10 : memref<128x128xf32, #tpu.memory_space<vmem>>) dst(%dma_wait3A_192 : memref<10240x128xf32, #tpu.memory_space<vmem_shared>>)
    %dma_wait3A_193 = arith.constant 1 : i32
    %dma_wait3A_194 = arith.constant 0 : i32
    %dma_wait3A_195 = tpu.memref_slice %arg15[%dma_wait3A_193, %dma_wait3A_194] : memref<2x128xi32, #tpu.memory_space<vmem>> -> memref<1x128xi32, #tpu.memory_space<vmem>>
    %dma_wait3A_196 = tpu.memref_squeeze %dma_wait3A_195 : memref<1x128xi32, #tpu.memory_space<vmem>> -> memref<128xi32, #tpu.memory_space<vmem>>
    %dma_wait3A_197 = arith.constant 0 : i32
    %dma_wait3A_198 = arith.constant 0 : i32
    %dma_wait3A_199 = tpu.memref_slice %arg8[%dma_wait3A_197, %dma_wait3A_198] : memref<10240x128xf32, #tpu.memory_space<vmem_shared>> -> memref<10240x128xf32, #tpu.memory_space<vmem_shared>>
    tpu.wait_indirect_dma semaphore(%arg24 : memref<!tpu.dma_semaphore, #tpu.memory_space<semaphore_mem>>) src(%arg11 : memref<128x128xf32, #tpu.memory_space<vmem>>) dst(%dma_wait3A_199 : memref<10240x128xf32, #tpu.memory_space<vmem_shared>>)
    %barrier3A_200 = arith.constant 0 : index
    tpu.barrier barrier_id(%barrier3A_200)
    %mul3A_201 = arith.constant 10240 : i32
    %mul3A_202 = arith.muli %arg0, %mul3A_201 : i32
    %mul3A_203 = arith.constant 640 : i32
    %mul3A_204 = arith.muli %arg1, %mul3A_203 : i32
    %add3A_205 = arith.addi %mul3A_202, %mul3A_204 : i32
    "tpu.region"() ({
      %run_scoped3A = tpu.sem_alloc : memref<!tpu.dma_semaphore, #tpu.memory_space<semaphore_mem>>
      %dma_start3A_206 = arith.constant 0 : i32
      %dma_start3A_207 = tpu.memref_slice %arg7[%add3A_205, %dma_start3A_206] : memref<20480x128xf32, #tpu.memory_space<hbm>> -> memref<640x128xf32, #tpu.memory_space<hbm>>
      %dma_start3A_208 = arith.constant 0 : i32
      %dma_start3A_209 = tpu.memref_slice %arg8[%mul3A_4, %dma_start3A_208] : memref<10240x128xf32, #tpu.memory_space<vmem_shared>> -> memref<640x128xf32, #tpu.memory_space<vmem_shared>>
      tpu.enqueue_dma source(%dma_start3A_209 : memref<640x128xf32, #tpu.memory_space<vmem_shared>>) target(%dma_start3A_207 : memref<640x128xf32, #tpu.memory_space<hbm>>) target_semaphore(%run_scoped3A : memref<!tpu.dma_semaphore, #tpu.memory_space<semaphore_mem>>)
      %dma_wait3A_210 = arith.constant 0 : i32
      %dma_wait3A_211 = tpu.memref_slice %arg7[%add3A_205, %dma_wait3A_210] : memref<20480x128xf32, #tpu.memory_space<hbm>> -> memref<640x128xf32, #tpu.memory_space<hbm>>
      %dma_wait3A_212 = arith.constant 0 : i32
      %dma_wait3A_213 = tpu.memref_slice %arg8[%mul3A_4, %dma_wait3A_212] : memref<10240x128xf32, #tpu.memory_space<vmem_shared>> -> memref<640x128xf32, #tpu.memory_space<vmem_shared>>
      tpu.wait_dma2 semaphore(%run_scoped3A : memref<!tpu.dma_semaphore, #tpu.memory_space<semaphore_mem>>) src(%dma_wait3A_213 : memref<640x128xf32, #tpu.memory_space<vmem_shared>>) dst(%dma_wait3A_211 : memref<640x128xf32, #tpu.memory_space<hbm>>)
      tpu.yield
    }) : () -> ()
    return
  }
}

module attributes {stable_mosaic.version = 14 : i64} {
  func.func @_tc1_body(%arg0: i32, %arg1: memref<512x128xf32, #tpu.memory_space<vmem>>, %arg2: memref<512x128xf32, #tpu.memory_space<vmem>>, %arg3: memref<2x512xf32, #tpu.memory_space<vmem>>, %arg4: memref<512x128xf32, #tpu.memory_space<vmem>>, %arg5: memref<128x128xf32, #tpu.memory_space<vmem>>, %arg6: memref<1x128xf32, #tpu.memory_space<vmem>>, %arg7: memref<128x128xf32, #tpu.memory_space<vmem>>, %arg8: memref<512x128xf32, #tpu.memory_space<vmem>>) attributes {dimension_semantics = [#tpu.dimension_semantics<arbitrary>], iteration_bounds = array<i64: 20>, scalar_prefetch = 0 : i64, scratch_operands = 0 : i64, tpu.core_type = #tpu.core_type<tc>, window_params = [{transform_indices = @transform_0, window_bounds = array<i64: 512, 128>}, {transform_indices = @transform_1, window_bounds = array<i64: 512, 128>}, {transform_indices = @transform_2, window_bounds = array<i64: 2, 512>}, {transform_indices = @transform_3, window_bounds = array<i64: 512, 128>}, {pipeline_mode = #tpu.pipeline_mode<synchronous>, transform_indices = @transform_4, window_bounds = array<i64: 128, 128>}, {pipeline_mode = #tpu.pipeline_mode<synchronous>, transform_indices = @transform_5, window_bounds = array<i64: 1, 128>}, {pipeline_mode = #tpu.pipeline_mode<synchronous>, transform_indices = @transform_6, window_bounds = array<i64: 128, 128>}, {transform_indices = @transform_7, window_bounds = array<i64: 512, 128>}]} {
    %get3A = arith.constant 0 : index
    %get3A_0 = arith.constant 0 : index
    %get3A_1 = vector.load %arg3[%get3A, %get3A_0] : memref<2x512xf32, #tpu.memory_space<vmem>>, vector<1x512xf32>
    %get3A_2 = vector.shape_cast %get3A_1 : vector<1x512xf32> to vector<512xf32>
    %get3A_3 = arith.constant 1 : index
    %get3A_4 = arith.constant 0 : index
    %get3A_5 = vector.load %arg3[%get3A_3, %get3A_4] : memref<2x512xf32, #tpu.memory_space<vmem>>, vector<1x512xf32>
    %get3A_6 = vector.shape_cast %get3A_5 : vector<1x512xf32> to vector<512xf32>
    %add3A = arith.addf %get3A_2, %get3A_6 : vector<512xf32>
    %max3A = arith.constant 1.000000e+00 : f32
    %max3A_7 = vector.broadcast %max3A : f32 to vector<512xf32>
    %max3A_8 = arith.maximumf %add3A, %max3A_7 : vector<512xf32>
    %div3A = arith.constant 1.000000e+00 : f32
    %div3A_9 = vector.broadcast %div3A : f32 to vector<512xf32>
    %div3A_10 = arith.divf %div3A_9, %max3A_8 : vector<512xf32>
    %get3A_11 = arith.constant 0 : index
    %get3A_12 = arith.constant 0 : index
    %get3A_13 = vector.load %arg1[%get3A_11, %get3A_12] : memref<512x128xf32, #tpu.memory_space<vmem>>, vector<512x128xf32>
    %get3A_14 = arith.constant 0 : index
    %get3A_15 = arith.constant 0 : index
    %get3A_16 = vector.load %arg2[%get3A_14, %get3A_15] : memref<512x128xf32, #tpu.memory_space<vmem>>, vector<512x128xf32>
    %add3A_17 = arith.addf %get3A_13, %get3A_16 : vector<512x128xf32>
    %broadcast_in_dim3A = vector.shape_cast %div3A_10 : vector<512xf32> to vector<512x1xf32>
    %mul3A = vector.broadcast %broadcast_in_dim3A : vector<512x1xf32> to vector<512x128xf32>
    %mul3A_18 = arith.mulf %add3A_17, %mul3A : vector<512x128xf32>
    %get3A_19 = arith.constant 0 : index
    %get3A_20 = arith.constant 0 : index
    %get3A_21 = vector.load %arg5[%get3A_19, %get3A_20] : memref<128x128xf32, #tpu.memory_space<vmem>>, vector<128x128xf32>
    %dot_general3A = arith.constant dense<0.000000e+00> : vector<512x128xf32>
    %dot_general3A_22 = tpu.matmul %mul3A_18, %get3A_21, %dot_general3A {dimension_numbers = #tpu.dot_dimension_numbers<[1], [0], [0], [1], [0, 0, 1, 1], [], []>, transpose_lhs_hint = false} : vector<512x128xf32>, vector<128x128xf32>, vector<512x128xf32> -> vector<512x128xf32>
    %get3A_23 = arith.constant 0 : index
    %get3A_24 = arith.constant 0 : index
    %get3A_25 = vector.load %arg6[%get3A_23, %get3A_24] : memref<1x128xf32, #tpu.memory_space<vmem>>, vector<1x128xf32>
    %add3A_26 = vector.broadcast %get3A_25 : vector<1x128xf32> to vector<512x128xf32>
    %add3A_27 = arith.addf %dot_general3A_22, %add3A_26 : vector<512x128xf32>
    %get3A_28 = arith.constant 0 : index
    %get3A_29 = arith.constant 0 : index
    %get3A_30 = vector.load %arg4[%get3A_28, %get3A_29] : memref<512x128xf32, #tpu.memory_space<vmem>>, vector<512x128xf32>
    %get3A_31 = arith.constant 0 : index
    %get3A_32 = arith.constant 0 : index
    %get3A_33 = vector.load %arg7[%get3A_31, %get3A_32] : memref<128x128xf32, #tpu.memory_space<vmem>>, vector<128x128xf32>
    %dot_general3A_34 = arith.constant dense<0.000000e+00> : vector<512x128xf32>
    %dot_general3A_35 = tpu.matmul %get3A_30, %get3A_33, %dot_general3A_34 {dimension_numbers = #tpu.dot_dimension_numbers<[1], [0], [0], [1], [0, 0, 1, 1], [], []>, transpose_lhs_hint = false} : vector<512x128xf32>, vector<128x128xf32>, vector<512x128xf32> -> vector<512x128xf32>
    %add3A_36 = arith.addf %add3A_27, %dot_general3A_35 : vector<512x128xf32>
    %max3A_37 = arith.constant 0.000000e+00 : f32
    %max3A_38 = vector.broadcast %max3A_37 : f32 to vector<512x128xf32>
    %max3A_39 = arith.maximumf %add3A_36, %max3A_38 : vector<512x128xf32>
    %swap3A = arith.constant 0 : index
    %swap3A_40 = arith.constant 0 : index
    %swap3A_41 = vector.load %arg8[%swap3A, %swap3A_40] : memref<512x128xf32, #tpu.memory_space<vmem>>, vector<512x128xf32>
    tpu.vector_store %arg8[%swap3A, %swap3A_40], %max3A_39 {strides = array<i32>} : memref<512x128xf32, #tpu.memory_space<vmem>>, vector<512x128xf32>,
    return
  }
  func.func @transform_0(%arg0: i32) -> (i32, i32) {
    %c0_i32 = arith.constant 0 : i32
    %c0_i32_0 = arith.constant 0 : i32
    return %arg0, %c0_i32 : i32, i32
  }
  func.func @transform_1(%arg0: i32) -> (i32, i32) {
    %c0_i32 = arith.constant 0 : i32
    %c0_i32_0 = arith.constant 0 : i32
    return %arg0, %c0_i32 : i32, i32
  }
  func.func @transform_2(%arg0: i32) -> (i32, i32) {
    %c0_i32 = arith.constant 0 : i32
    %c0_i32_0 = arith.constant 0 : i32
    return %c0_i32, %arg0 : i32, i32
  }
  func.func @transform_3(%arg0: i32) -> (i32, i32) {
    %c0_i32 = arith.constant 0 : i32
    %c0_i32_0 = arith.constant 0 : i32
    return %arg0, %c0_i32 : i32, i32
  }
  func.func @transform_4(%arg0: i32) -> (i32, i32) {
    %c0_i32 = arith.constant 0 : i32
    %c0_i32_0 = arith.constant 0 : i32
    %c0_i32_1 = arith.constant 0 : i32
    return %c0_i32, %c0_i32_0 : i32, i32
  }
  func.func @transform_5(%arg0: i32) -> (i32, i32) {
    %c0_i32 = arith.constant 0 : i32
    %c0_i32_0 = arith.constant 0 : i32
    %c0_i32_1 = arith.constant 0 : i32
    return %c0_i32, %c0_i32_0 : i32, i32
  }
  func.func @transform_6(%arg0: i32) -> (i32, i32) {
    %c0_i32 = arith.constant 0 : i32
    %c0_i32_0 = arith.constant 0 : i32
    %c0_i32_1 = arith.constant 0 : i32
    return %c0_i32, %c0_i32_0 : i32, i32
  }
  func.func @transform_7(%arg0: i32) -> (i32, i32) {
    %c0_i32 = arith.constant 0 : i32
    %c0_i32_0 = arith.constant 0 : i32
    return %arg0, %c0_i32 : i32, i32
  }
}

module attributes {stable_mosaic.version = 14 : i64} {
  func.func @_tc2_body(%arg0: i32, %arg1: memref<512x128xf32, #tpu.memory_space<vmem>>, %arg2: memref<512x128xf32, #tpu.memory_space<vmem>>, %arg3: memref<2x512xf32, #tpu.memory_space<vmem>>, %arg4: memref<512x128xf32, #tpu.memory_space<vmem>>, %arg5: memref<128x128xf32, #tpu.memory_space<vmem>>, %arg6: memref<1x128xf32, #tpu.memory_space<vmem>>, %arg7: memref<128x128xf32, #tpu.memory_space<vmem>>, %arg8: memref<128x128xf32, #tpu.memory_space<vmem>>, %arg9: memref<1x128xf32, #tpu.memory_space<vmem>>, %arg10: memref<512x128xf32, #tpu.memory_space<vmem>>) attributes {dimension_semantics = [#tpu.dimension_semantics<arbitrary>], iteration_bounds = array<i64: 20>, scalar_prefetch = 0 : i64, scratch_operands = 0 : i64, tpu.core_type = #tpu.core_type<tc>, window_params = [{transform_indices = @transform_0, window_bounds = array<i64: 512, 128>}, {transform_indices = @transform_1, window_bounds = array<i64: 512, 128>}, {transform_indices = @transform_2, window_bounds = array<i64: 2, 512>}, {transform_indices = @transform_3, window_bounds = array<i64: 512, 128>}, {pipeline_mode = #tpu.pipeline_mode<synchronous>, transform_indices = @transform_4, window_bounds = array<i64: 128, 128>}, {pipeline_mode = #tpu.pipeline_mode<synchronous>, transform_indices = @transform_5, window_bounds = array<i64: 1, 128>}, {pipeline_mode = #tpu.pipeline_mode<synchronous>, transform_indices = @transform_6, window_bounds = array<i64: 128, 128>}, {pipeline_mode = #tpu.pipeline_mode<synchronous>, transform_indices = @transform_7, window_bounds = array<i64: 128, 128>}, {pipeline_mode = #tpu.pipeline_mode<synchronous>, transform_indices = @transform_8, window_bounds = array<i64: 1, 128>}, {transform_indices = @transform_9, window_bounds = array<i64: 512, 128>}]} {
    %get3A = arith.constant 0 : index
    %get3A_0 = arith.constant 0 : index
    %get3A_1 = vector.load %arg3[%get3A, %get3A_0] : memref<2x512xf32, #tpu.memory_space<vmem>>, vector<1x512xf32>
    %get3A_2 = vector.shape_cast %get3A_1 : vector<1x512xf32> to vector<512xf32>
    %get3A_3 = arith.constant 1 : index
    %get3A_4 = arith.constant 0 : index
    %get3A_5 = vector.load %arg3[%get3A_3, %get3A_4] : memref<2x512xf32, #tpu.memory_space<vmem>>, vector<1x512xf32>
    %get3A_6 = vector.shape_cast %get3A_5 : vector<1x512xf32> to vector<512xf32>
    %add3A = arith.addf %get3A_2, %get3A_6 : vector<512xf32>
    %max3A = arith.constant 1.000000e+00 : f32
    %max3A_7 = vector.broadcast %max3A : f32 to vector<512xf32>
    %max3A_8 = arith.maximumf %add3A, %max3A_7 : vector<512xf32>
    %div3A = arith.constant 1.000000e+00 : f32
    %div3A_9 = vector.broadcast %div3A : f32 to vector<512xf32>
    %div3A_10 = arith.divf %div3A_9, %max3A_8 : vector<512xf32>
    %get3A_11 = arith.constant 0 : index
    %get3A_12 = arith.constant 0 : index
    %get3A_13 = vector.load %arg1[%get3A_11, %get3A_12] : memref<512x128xf32, #tpu.memory_space<vmem>>, vector<512x128xf32>
    %get3A_14 = arith.constant 0 : index
    %get3A_15 = arith.constant 0 : index
    %get3A_16 = vector.load %arg2[%get3A_14, %get3A_15] : memref<512x128xf32, #tpu.memory_space<vmem>>, vector<512x128xf32>
    %add3A_17 = arith.addf %get3A_13, %get3A_16 : vector<512x128xf32>
    %broadcast_in_dim3A = vector.shape_cast %div3A_10 : vector<512xf32> to vector<512x1xf32>
    %mul3A = vector.broadcast %broadcast_in_dim3A : vector<512x1xf32> to vector<512x128xf32>
    %mul3A_18 = arith.mulf %add3A_17, %mul3A : vector<512x128xf32>
    %get3A_19 = arith.constant 0 : index
    %get3A_20 = arith.constant 0 : index
    %get3A_21 = vector.load %arg5[%get3A_19, %get3A_20] : memref<128x128xf32, #tpu.memory_space<vmem>>, vector<128x128xf32>
    %dot_general3A = arith.constant dense<0.000000e+00> : vector<512x128xf32>
    %dot_general3A_22 = tpu.matmul %mul3A_18, %get3A_21, %dot_general3A {dimension_numbers = #tpu.dot_dimension_numbers<[1], [0], [0], [1], [0, 0, 1, 1], [], []>, transpose_lhs_hint = false} : vector<512x128xf32>, vector<128x128xf32>, vector<512x128xf32> -> vector<512x128xf32>
    %get3A_23 = arith.constant 0 : index
    %get3A_24 = arith.constant 0 : index
    %get3A_25 = vector.load %arg6[%get3A_23, %get3A_24] : memref<1x128xf32, #tpu.memory_space<vmem>>, vector<1x128xf32>
    %add3A_26 = vector.broadcast %get3A_25 : vector<1x128xf32> to vector<512x128xf32>
    %add3A_27 = arith.addf %dot_general3A_22, %add3A_26 : vector<512x128xf32>
    %get3A_28 = arith.constant 0 : index
    %get3A_29 = arith.constant 0 : index
    %get3A_30 = vector.load %arg4[%get3A_28, %get3A_29] : memref<512x128xf32, #tpu.memory_space<vmem>>, vector<512x128xf32>
    %get3A_31 = arith.constant 0 : index
    %get3A_32 = arith.constant 0 : index
    %get3A_33 = vector.load %arg7[%get3A_31, %get3A_32] : memref<128x128xf32, #tpu.memory_space<vmem>>, vector<128x128xf32>
    %dot_general3A_34 = arith.constant dense<0.000000e+00> : vector<512x128xf32>
    %dot_general3A_35 = tpu.matmul %get3A_30, %get3A_33, %dot_general3A_34 {dimension_numbers = #tpu.dot_dimension_numbers<[1], [0], [0], [1], [0, 0, 1, 1], [], []>, transpose_lhs_hint = false} : vector<512x128xf32>, vector<128x128xf32>, vector<512x128xf32> -> vector<512x128xf32>
    %add3A_36 = arith.addf %add3A_27, %dot_general3A_35 : vector<512x128xf32>
    %max3A_37 = arith.constant 0.000000e+00 : f32
    %max3A_38 = vector.broadcast %max3A_37 : f32 to vector<512x128xf32>
    %max3A_39 = arith.maximumf %add3A_36, %max3A_38 : vector<512x128xf32>
    %get3A_40 = arith.constant 0 : index
    %get3A_41 = arith.constant 0 : index
    %get3A_42 = vector.load %arg8[%get3A_40, %get3A_41] : memref<128x128xf32, #tpu.memory_space<vmem>>, vector<128x128xf32>
    %dot_general3A_43 = arith.constant dense<0.000000e+00> : vector<512x128xf32>
    %dot_general3A_44 = tpu.matmul %max3A_39, %get3A_42, %dot_general3A_43 {dimension_numbers = #tpu.dot_dimension_numbers<[1], [0], [0], [1], [0, 0, 1, 1], [], []>, transpose_lhs_hint = false} : vector<512x128xf32>, vector<128x128xf32>, vector<512x128xf32> -> vector<512x128xf32>
    %get3A_45 = arith.constant 0 : index
    %get3A_46 = arith.constant 0 : index
    %get3A_47 = vector.load %arg9[%get3A_45, %get3A_46] : memref<1x128xf32, #tpu.memory_space<vmem>>, vector<1x128xf32>
    %add3A_48 = vector.broadcast %get3A_47 : vector<1x128xf32> to vector<512x128xf32>
    %add3A_49 = arith.addf %dot_general3A_44, %add3A_48 : vector<512x128xf32>
    %swap3A = arith.constant 0 : index
    %swap3A_50 = arith.constant 0 : index
    %swap3A_51 = vector.load %arg10[%swap3A, %swap3A_50] : memref<512x128xf32, #tpu.memory_space<vmem>>, vector<512x128xf32>
    tpu.vector_store %arg10[%swap3A, %swap3A_50], %add3A_49 {strides = array<i32>} : memref<512x128xf32, #tpu.memory_space<vmem>>, vector<512x128xf32>,
    return
  }
  func.func @transform_0(%arg0: i32) -> (i32, i32) {
    %c0_i32 = arith.constant 0 : i32
    %c0_i32_0 = arith.constant 0 : i32
    return %arg0, %c0_i32 : i32, i32
  }
  func.func @transform_1(%arg0: i32) -> (i32, i32) {
    %c0_i32 = arith.constant 0 : i32
    %c0_i32_0 = arith.constant 0 : i32
    return %arg0, %c0_i32 : i32, i32
  }
  func.func @transform_2(%arg0: i32) -> (i32, i32) {
    %c0_i32 = arith.constant 0 : i32
    %c0_i32_0 = arith.constant 0 : i32
    return %c0_i32, %arg0 : i32, i32
  }
  func.func @transform_3(%arg0: i32) -> (i32, i32) {
    %c0_i32 = arith.constant 0 : i32
    %c0_i32_0 = arith.constant 0 : i32
    return %arg0, %c0_i32 : i32, i32
  }
  func.func @transform_4(%arg0: i32) -> (i32, i32) {
    %c0_i32 = arith.constant 0 : i32
    %c0_i32_0 = arith.constant 0 : i32
    %c0_i32_1 = arith.constant 0 : i32
    return %c0_i32, %c0_i32_0 : i32, i32
  }
  func.func @transform_5(%arg0: i32) -> (i32, i32) {
    %c0_i32 = arith.constant 0 : i32
    %c0_i32_0 = arith.constant 0 : i32
    %c0_i32_1 = arith.constant 0 : i32
    return %c0_i32, %c0_i32_0 : i32, i32
  }
  func.func @transform_6(%arg0: i32) -> (i32, i32) {
    %c0_i32 = arith.constant 0 : i32
    %c0_i32_0 = arith.constant 0 : i32
    %c0_i32_1 = arith.constant 0 : i32
    return %c0_i32, %c0_i32_0 : i32, i32
  }
  func.func @transform_7(%arg0: i32) -> (i32, i32) {
    %c0_i32 = arith.constant 0 : i32
    %c0_i32_0 = arith.constant 0 : i32
    %c0_i32_1 = arith.constant 0 : i32
    return %c0_i32, %c0_i32_0 : i32, i32
  }
  func.func @transform_8(%arg0: i32) -> (i32, i32) {
    %c0_i32 = arith.constant 0 : i32
    %c0_i32_0 = arith.constant 0 : i32
    %c0_i32_1 = arith.constant 0 : i32
    return %c0_i32, %c0_i32_0 : i32, i32
  }
  func.func @transform_9(%arg0: i32) -> (i32, i32) {
    %c0_i32 = arith.constant 0 : i32
    %c0_i32_0 = arith.constant 0 : i32
    return %arg0, %c0_i32 : i32, i32
  }
}

</mosaic_0001>

<sc_bundles>
// kernel: kernel.6.cloned.1.call-start
scs
__scs_entry_jumppad:
0x0: {  	(pc) =	sbr.rel $0x88, $3  }
0x1: {  	(tag) =	ssettag $0x0;
	lr =	simm.s32 $0x1  }
0x2: {  	[smem:$0x3F97] =	sst lr;
	_ =	strace $0xD0000000  }
0x3: {  	_ = 	snop  }
0x4: {  	_ = 	snop  }
0x5: {  	_ = 	snop  }
0x6: {  	_ = 	snop  }
0x7: {  	_ = 	snop  }
__scs_overlays_trampoline_lowered:
0x8: {  	[smem:$0x3FA6] =	sst s0  }
0x9: {  	[smem:$0x3FA7] =	sst s1  }
0xa: {  	[smem:$0x3FA8] =	sst s2  }
0xb: {  	[smem:$0x3FA9] =	sst s3  }
0xc: {  	[smem:$0x3FAA] =	sst s4  }
0xd: {  	[smem:$0x3FAB] =	sst s5  }
0xe: {  	[smem:$0x3FAC] =	sst s6  }
0xf: {  	[smem:$0x3FAD] =	sst s7  }
0x10: {  	[smem:$0x3FAE] =	sst s8  }
0x11: {  	[smem:$0x3FAF] =	sst s9;
	s0 =	simm.s32 @!p0 $0x0  }
0x12: {  	s1 =	sld [smem:$0x3F95];
	s0 =	simm.s32 @p0 $0x1  }
0x13: {  	[smem:$0x3FB0] =	sst s0;
	s0 =	simm.s32 @!p1 $0x0  }
0x14: {  	s2 =	sld [smem:$0x3F94];
	s0 =	simm.s32 @p1 $0x1  }
0x15: {  	[smem:$0x3FB1] =	sst s0;
	s0 =	simm.s32 @!p2 $0x0  }
0x16: {  	s3 =	sld [smem:$0x3FDB];
	s0 =	simm.s32 @p2 $0x1  }
0x17: {  	s4 =	simm.s32 $0x1BF5;
	[smem:$0x3FB3] =	sst s0  }
0x18: {  	s0 =	sld [smem:$0x3F96];
	_ =	swait.ge [sflag:s4], $0x0  }
0x19: {  	s7 =	sld [smem:$0x3F97]  }
0x1a: {  	s8 =	sadd.s32 $0xFFFFE003, lr  }
0x1b: {  	s9 =	sadd.s32 $0xFFFFFEF7, lr;
	s5 =	simm.s32 $0xFFFFFFFF;
	p2 =	slt.u32 s8, $0xFFFFF086  }
0x1c: {  	p1 =	slt.u32 s9, $0xF7A;
	s5 =	simm.s32 @!p2 $0x0  }
0x1d: {  	s5 =	simm.s32 @p1 $0x1;
	p0 =	seq.s32 s7, s2  }
0x1e: {  	s7 =	smul.u32 @!p0 $0xF7A, s2;
	p2 =	seq.s32 @!p0 s5, $0x0  }
0x1f: {  	s9 =	smul.u32 $0xF7A, s1;
	s8 =	simm.s32 @!p0 $0x1BF5;
	p2 =	por !p2, p0  }
0x20: {  	[sflag:s8] =	ssyncset.s32 @!p0 $0xFFFFF086;
	s6 =	sadd.s32 @!p0 s3, s7;
	s7 =	simm.s32 @!p0 $0x108  }
0x21: {  	s3 =	sadd.s32 s3, s9;
	s6 =	sadd.s32 @!p0 $0x88, s6;
	s7 =	simm.s32 @p2 $0x1082  }
0x22: {  	[simem:s7], [sflag:s8] =	dma.local @!p0 [hbm:s6], $0xF7A  }
0x23: {  	s9 =	sor.u32 $0xD0000000, s2;
	s6 =	simm.s32 $0x108;
	_ =	swait.ge @!p0 [sflag:s8], $0x0  }
0x24: {  	s3 =	sadd.s32 $0x88, s3;
	s6 =	simm.s32 @!p1 $0x1082;
	[sflag:s4] =	ssyncset.s32 $0xFFFFF086  }
0x25: {  	[simem:s6], [sflag:s4] =	dma.local [hbm:s3], $0xF7A  }
0x26: {  	[smem:$0x3F97] =	sst s1;
	(tag) =	ssettag s2;
	_ =	strace s9  }
0x27: {  	s1 =	sld [smem:$0x3FA7]  }
0x28: {  	s2 =	sld [smem:$0x3FA8]  }
0x29: {  	s4 =	sld [smem:$0x3FAA]  }
0x2a: {  	p0 =	seq.s32 s5, $0x0;
	s5 =	sld [smem:$0x3FAB]  }
0x2b: {  	s6 =	sld [smem:$0x3FAC]  }
0x2c: {  	s7 =	sld [smem:$0x3FAD]  }
0x2d: {  	s3 =	simm.s32 $0x108;
	s8 =	sld [smem:$0x3FAE]  }
0x2e: {  	s3 =	simm.s32 @!p0 $0x1082;
	s9 =	sld [smem:$0x3FAF]  }
0x2f: {  	lr =	sadd.s32 s0, s3;
	s0 =	sld [smem:$0x3FA6]  }
0x30: {  	s3 =	sld [smem:$0x3FA9]  }
0x31: {  	[smem:$0x3FB2] =	sst s10  }
0x32: {  	s10 =	sld [smem:$0x3FB0];
	_ =	sdelay $0x3  }
0x33: {  	p0 =	seq.s32 s10, $0x1;
	s10 =	sld [smem:$0x3FB2];
	_ =	sdelay $0x3  }
0x34: {  	[smem:$0x3FB2] =	sst s10  }
0x35: {  	s10 =	sld [smem:$0x3FB1];
	_ =	sdelay $0x3  }
0x36: {  	p1 =	seq.s32 s10, $0x1;
	s10 =	sld [smem:$0x3FB2];
	_ =	sdelay $0x3  }
0x37: {  	[smem:$0x3FB2] =	sst s10  }
0x38: {  	s10 =	sld [smem:$0x3FB3]  }
0x39: {  	_ = 	snop;
	(pc) =	sbr.ind lr, $3  }
0x3a: {  	_ = 	snop  }
0x3b: {  	_ = 	snop  }
0x3c: {  	p2 =	seq.s32 s10, $0x1;
	s10 =	sld [smem:$0x3FB2]  }
0x3d: {  	_ =	shalt  }
0x3e: {  	_ =	shalt  }
0x3f: {  	_ =	shalt  }
0x40: {  	_ =	shalt  }
0x41: {  	_ =	shalt  }
0x42: {  	_ =	shalt  }
0x43: {  	_ =	shalt  }
0x44: {  	_ =	shalt  }
0x45: {  	_ =	shalt  }
0x46: {  	_ =	shalt  }
0x47: {  	_ =	shalt  }
0x48: {  	_ =	shalt  }
0x49: {  	_ =	shalt  }
0x4a: {  	_ =	shalt  }
0x4b: {  	_ =	shalt  }
0x4c: {  	_ =	shalt  }
0x4d: {  	_ =	shalt  }
0x4e: {  	_ =	shalt  }
0x4f: {  	_ =	shalt  }
0x50: {  	_ =	shalt  }
0x51: {  	_ =	shalt  }
0x52: {  	_ =	shalt  }
0x53: {  	_ =	shalt  }
0x54: {  	_ =	shalt  }
0x55: {  	_ =	shalt  }
0x56: {  	_ =	shalt  }
0x57: {  	_ =	shalt  }
0x58: {  	_ =	shalt  }
0x59: {  	_ =	shalt  }
0x5a: {  	_ =	shalt  }
0x5b: {  	_ =	shalt  }
0x5c: {  	_ =	shalt  }
0x5d: {  	_ =	shalt  }
0x5e: {  	_ =	shalt  }
0x5f: {  	_ =	shalt  }
0x60: {  	_ =	shalt  }
0x61: {  	_ =	shalt  }
0x62: {  	_ =	shalt  }
0x63: {  	_ =	shalt  }
0x64: {  	_ =	shalt  }
0x65: {  	_ =	shalt  }
0x66: {  	_ =	shalt  }
0x67: {  	_ =	shalt  }
0x68: {  	_ =	shalt  }
0x69: {  	_ =	shalt  }
0x6a: {  	_ =	shalt  }
0x6b: {  	_ =	shalt  }
0x6c: {  	_ =	shalt  }
0x6d: {  	_ =	shalt  }
0x6e: {  	_ =	shalt  }
0x6f: {  	_ =	shalt  }
0x70: {  	_ =	shalt  }
0x71: {  	_ =	shalt  }
0x72: {  	_ =	shalt  }
0x73: {  	_ =	shalt  }
0x74: {  	_ =	shalt  }
0x75: {  	_ =	shalt  }
0x76: {  	_ =	shalt  }
0x77: {  	_ =	shalt  }
0x78: {  	_ =	shalt  }
0x79: {  	_ =	shalt  }
0x7a: {  	_ =	shalt  }
0x7b: {  	_ =	shalt  }
0x7c: {  	_ =	shalt  }
0x7d: {  	_ =	shalt  }
0x7e: {  	_ =	shalt  }
0x7f: {  	_ =	shalt  }
0x80: {  	_ =	shalt  }
0x81: {  	_ =	shalt  }
0x82: {  	_ =	shalt  }
0x83: {  	_ =	shalt  }
0x84: {  	_ =	shalt  }
0x85: {  	_ =	shalt  }
0x86: {  	_ =	shalt  }
0x87: {  	_ =	shalt  }
.Lfunc_end0:
.L_simem_size_0:
called_computation_lowered:
.L_overlay_start_0:
0x88: {  	s2 =	sld [smem:$0x3FD9]  }
0x89: {  	s3 =	sld [smem:$0x3FFE];
	_ =	sdelay $0x1  }
0x8a: {  	s1 =	srdreg.scid  }
0x8b: {  	s0 =	sand.u32 $0x1, s1  }
0x8c: {  	s17 =	sshll.u32 s0, $0xA;
	s2 =	sadd.s32 s3, s2  }
0x8d: {  	s2 =	sadd.s32 s2, s17  }
0x8e: {  	[smem:$0x3FBE] =	sst s2  }
0x8f: {  	_ = 	snop  }
0x90: {  	s2 =	sld [smem:$0x3FD0];
	(tm) =	ssettm $0x1  }
0x91: {  	s18 =	sld [smem:$0x3FFB];
	_ =	sdelay $0x3  }
0x92: {  	_ =	strace s18  }
0x93: {  	s3 =	sld [smem:$0x3FFC];
	_ =	sdelay $0x3  }
0x94: {  	_ =	strace s3  }
0x95: {  	s3 =	sld [smem:$0x3FFD];
	_ =	sdelay $0x3  }
0x96: {  	_ =	strace s3  }
0x97: {  	_ =	strace $0x8FFFFFFF  }
0x98: {  	s19 =	sld [smem:$0x3FDB];
	_ =	sdelay $0x1  }
0x99: {  	s4 =	simm.s32 $_scs_section_size  }
0x9a: {  	s5 =	simm.s32 $_size__tile_overlayer_lowered;
	s6 =	simm.s32 $_tile_overlayer_lowered  }
0x9b: {  	s22 =	simm.s32 $0x1BFF;
	s21 =	sshll.u32 s6, $0x1;
	s3 =	sadd.s32 s4, s19  }
0x9c: {  	s7 =	simm.s32 $0x0;
	s20 =	sshll.u32 s5, $0x1;
	s5 =	sadd.s32 s21, s3  }
0x9d: {  	[timem:s7], [sflag:s22] =	dma.local [hbm:s5], s20  }
0x9e: {  	_ =	swait.ge [sflag:s22], s20  }
0x9f: {  	s4 =	ssub.s32 $0x0, s20;
	[sflag:s22] =	ssyncset.done $0x0  }
0xa0: {  	[sflag:s22] =	ssyncadd.s32 s4;
	_ =	sdelay $0x1  }
0xa1: {  	s23 =	simm.s32 $0x1B8B  }
0xa2: {  	_ =	swait.ge [sflag:s23], $0x1  }
0xa3: {  	[sflag:s23] =	ssyncset.done $0x0  }
0xa4: {  	s25 =	simm.s32 $0x1B8E;
	s24 =	sld [smem:$0x3FFE];
	[sflag:s23] =	ssyncadd.s32 $0xFFFFFFFF  }
0xa5: {  	s26 =	simm.s32 $execute0_lowered;
	[smem:$0x3FD2] =	sst s25  }
0xa6: {  	s5 =	sshll.u32 s26, $0x1;
	_ =	strace $0x80000046;
	[dreg:$0x1] =	wrdreg $0xFFFFFFFF  }
0xa7: {  	s28 =	simm.s32 $_size_execute0_lowered;
	s3 =	sadd.s32 s3, s5;
	[dreg:$0x0] =	wrdreg $0x0  }
0xa8: {  	s5 =	sshll.u32 s28, $0x1;
	[dreg:$0x2] =	wrdreg s3  }
0xa9: {  	[dreg:$0x3] =	wrdreg s5  }
0xaa: {  	[dreg:$0x4] =	wrdreg $0xC0  }
0xab: {  	_ =	task [dreg:s7], $0x5FFFF  }
0xac: {  	[dreg:$0x1] =	wrdreg $0xFFFFFFFF  }
0xad: {  	[dreg:$0x0] =	wrdreg $0x60  }
0xae: {  	[dreg:$0x2] =	wrdreg s24  }
0xaf: {  	[dreg:$0x3] =	wrdreg s2  }
0xb0: {  	[dreg:$0x4] =	wrdreg $0x0  }
0xb1: {  	[dreg:$0x5] =	wrdreg $0x140000  }
0xb2: {  	[dreg:$0x6] =	wrdreg $0x9  }
0xb3: {  	_ =	task.clear_ibuf [dreg:s7], $0x7FFFF;
	_ =	strace $0x90000046  }
0xb4: {  	s29 =	simm.s32 $0x9;
	_ =	strace $0x80000048  }
0xb5: {  	_ =	swait.ge [sflag:s29], $0x1  }
0xb6: {  	[sflag:s29] =	ssyncadd.s32 $0xFFFFFFFF  }
0xb7: {  	_ =	strace $0x90000048  }
0xb8: {  	_ =	sfence  }
0xb9: {  	s30 =	sld [smem:$0x0];
	_ =	sdelay $0x2  }
0xba: {  	s31 =	sshll.u32 s1, $0xD;
	s1 =	sshrl.u32 s1, $0x2  }
0xbb: {  	s3 =	sand.u32 $0x4000, s31;
	s1 =	sadd.s32 s1, s30  }
0xbc: {  	s0 =	sor.u32 s3, s0;
	s1 =	sshll.u32 s1, $0x11  }
0xbd: {  	s0 =	sor.u32 s1, s0  }
0xbe: {  	s0 =	sadd.s32 $0x8F2B, s0  }
0xbf: {  	[sflag:s0] =	ssyncadd.remote.s32 $0x1  }
0xc0: {  	_ =	sfence.sel $0xFFFF  }
0xc1: {  	[dreg:$0x0] =	wrdreg $0xFFFFFFFF;
	(pc) =	sbr.abs _section_cstart, $3  }
0xc2: {  	[dreg:$0x1] =	wrdreg $0xFFFFFFFF  }
0xc3: {  	_ =	task.clear_ibuf [dreg:s7], $0x2FFFF;
	_ =	strace $0x9FFFFFFF  }
0xc4: {  	(tm) =	ssettm $0x7FFFFFFF  }
0xc5: {  	_ =	shalt  }
tec
execute0_lowered:
.L_overlay_start_1:
0x0: {  	(tag) =	ssettag $0x1  }
0x1: {  	s0 =	rddreg [dreg:$0x0]  }
0x2: {  	s2 =	rddreg [dreg:$0x1]  }
0x3: {  	s1 =	rddreg [dreg:$0x2]  }
0x4: {  	s3 =	rddreg [dreg:$0x3];
	s4 =	simm.s32 $0x0  }
0x5: {  	s5 =	srdreg.scid;
	s14 =	stileid.u32;
	s28 =	simm.s32 $0x14280  }
0x6: {  	s29 =	simm.s32 $0x1C580;
	s30 =	simm.s32 $0x2;
	s31 =	simm.s32 $0x18280  }
0x7: {  	[smem:$0x7FF] =	sst s4;
	s6 =	sand.u32 $0x1, s5;
	s7 =	smul.u32 $0x280, s14  }
0x8: {  	s5 =	sadd.s32 $0x2E00, s0;
	s9 =	sadd.s32 $0x2B200, s0;
	s15 =	sadd.s32 $0x2B000, s0  }
0x9: {  	s11 =	smul.u32 $0x50000, s14;
	_ =	strace $0x80000047;
	[dreg:$0x7] =	wrdreg s9  }
0xa: {  	s16 =	sadd.s32 $0x2AE00, s0;
	s13 =	smul.u32 $0x50, s14;
	[dreg:$0x8] =	wrdreg s15  }
0xb: {  	s19 =	sshll.u32 s14, $0x6;
	s8 =	smul.u32 $0x2800, s6;
	[dreg:$0x9] =	wrdreg s16  }
0xc: {  	s17 =	sshll.u32 s6, $0x4;
	s18 =	ssub.s32 $0x2, s6;
	s6 =	smul.u32 $0x500, s6  }
0xd: {  	s15 =	simm.s32 $0xA;
	s16 =	simm.s32 $0x4;
	s9 =	sor.u32 s14, s17  }
0xe: {  	s12 =	sshrl.u32 s18, $0x1;
	s11 =	sshrl.u32 s11, $0x2;
	s17 =	simm.s32 $0x1C500  }
0xf: {  	s8 =	sadd.s32 s7, s8;
	s9 =	smul.u32 $0xA00, s9;
	s11 =	sadd.s32 s11, s1  }
0x10: {  	s6 =	sadd.s32 s13, s6;
	s7 =	sadd.s32 s7, s3;
	s10 =	sshll.u32 s8, $0x4  }
0x11: {  	s8 =	sshrl.u32 s8, $0x3;
	s26 =	sshrl.u32 s7, $0x3;
	s10 =	sadd.s32 s10, s0  }
0x12: {  	s0 =	sadd.s32 s8, s0;
	s9 =	sadd.s32 s2, s9;
	[dreg:$0x13] =	wrdreg s26  }
0x13: {  	s8 =	ssub.s32 s18, s12;
	s18 =	sor.u32 $0x1C0B, s19;
	[dreg:$0xb] =	wrdreg s9  }
0x14: {  	s13 =	simm.s32 $0x8;
	s19 =	sshrl.u32 s11, $0x3;
	[dreg:$0xa] =	wrdreg s18  }
0x15: {  	s6 =	sshll.u32 s6, $0x5;
	s20 =	sadd.s32 $0x20, s9;
	[dreg:$0x12] =	wrdreg s19  }
0x16: {  	s7 =	simm.s32 $0x9;
	s21 =	sadd.s32 $0x40, s9;
	[dreg:$0xc] =	wrdreg s20  }
0x17: {  	s14 =	sadd.s32 s6, s2;
	s9 =	sadd.s32 $0x60, s9;
	[dreg:$0xd] =	wrdreg s21  }
0x18: {  	s26 =	simm.s32 $0x80;
	s22 =	sadd.s32 $0x2DA00, s10;
	[dreg:$0xe] =	wrdreg s9  }
0x19: {  	s2 =	simm.s32 $0x1C300;
	s0 =	sadd.s32 $0x7DA00, s0;
	[dreg:$0xf] =	wrdreg s22  }
0x1a: {  	s6 =	simm.s32 $0x7;
	s24 =	smax.u32 s8, $0x1;
	[dreg:$0x10] =	wrdreg s0  }
0x1b: {  	s11 =	simm.s32 $0x6;
	s23 =	sadd.s32 $0xC0, s14;
	[dreg:$0x11] =	wrdreg s24  }
0x1c: {  	s12 =	simm.s32 $0x1C400;
	s25 =	sadd.s32 $0x80, s14;
	[dreg:$0x5] =	wrdreg s23  }
0x1d: {  	s8 =	simm.s32 $0x3;
	s10 =	simm.s32 $0x1C600;
	[dreg:$0x6] =	wrdreg s25  }
0x1e: {  	s20 =	simm.s32 $0xB;
	s21 =	simm.s32 $0x1C680;
	s22 =	simm.s32 $0x1C280  }
0x1f: {  	s23 =	simm.s32 $0x1C380;
	s24 =	simm.s32 $0x1C480;
	s9 =	simm.s32 $0x0  }
0x20: {  	s25 =	simm.s32 $0x1;
	s0 =	simm.s32 $0x5;
	[dreg:$0x14] =	wrdreg s9  }
.LBB2_1:
0x21: {  	s9 =	rddreg [dreg:$0x7]  }
0x22: {  	[spmem:s19], [sflag:s18] =	dma.local [hbm:s9], $0x2800  }
0x23: {  	_ =	swait.ge [sflag:s20], $0x2800  }
0x24: {  	[sflag:s20] =	ssyncset.done $0x0;
	s9 =	rddreg [dreg:$0x8]  }
0x25: {  	s19 =	rddreg [dreg:$0x13];
	[sflag:s20] =	ssyncadd.s32 $0xFFFFD800  }
0x26: {  	[spmem:s19], [sflag:s18] =	dma.local [hbm:s9], $0x50  }
0x27: {  	_ =	swait.ge [sflag:s20], $0x50  }
0x28: {  	[sflag:s20] =	ssyncset.done $0x0  }
0x29: {  	s18 =	rddreg [dreg:$0x9];
	[sflag:s20] =	ssyncadd.s32 $0xFFFFFFB0  }
0x2a: {  	[tilespmem:s21], [sflag:$0xB] =	stream.linear.gather [hbm4b:s18+s4], $0x80, $0x38;
	[tilespmem:$0x1C700] =	vst v63  }
0x2b: {  	_ =	swait.ge [sflag:s20], $0x80  }
0x2c: {  	[sflag:s20] =	ssyncset.done $0x0  }
0x2d: {  	[sflag:s20] =	ssyncadd.s32 $0xFFFFFF80  }
0x2e: {  	[bflag:$0x0] =	sbarrier.arrive $0xFFFF  }
0x2f: {  	s19 =	rddreg [dreg:$0xb]  }
0x30: {  	[tilespmem:s22], [sflag:$0x1] =	stream.linear.gather [hbm4b:s19+s4], $0x100, $0x38;
	[tilespmem:$0x1C700] =	vst v63  }
0x31: {  	s20 =	rddreg [dreg:$0xc]  }
0x32: {  	[tilespmem:s23], [sflag:$0x2] =	stream.linear.gather [hbm4b:s20+s4], $0x100, $0x38;
	[tilespmem:$0x1C700] =	vst v63  }
0x33: {  	s18 =	rddreg [dreg:$0xd]  }
0x34: {  	[tilespmem:s24], [sflag:$0x3] =	stream.linear.gather [hbm4b:s18+s4], $0x100, $0x38;
	[tilespmem:$0x1C700] =	vst v63  }
0x35: {  	_ =	swait.ge [sflag:s25], $0x100  }
0x36: {  	[sflag:s25] =	ssyncset.done $0x0  }
0x37: {  	[sflag:s25] =	ssyncadd.s32 $0xFFFFFF00  }
0x38: {  	[tilespmem:s28], [sflag:$0x5] =	stream.indirect.gather [hbm4b:s5+s26], $0x80, s22, s26, $0xb8;
	[tilespmem:$0x1C700] =	vst v63  }
0x39: {  	s19 =	rddreg [dreg:$0xe]  }
0x3a: {  	[tilespmem:s29], [sflag:$0x4] =	stream.linear.gather [hbm4b:s19+s4], $0x100, $0x38;
	[tilespmem:$0x1C700] =	vst v63  }
0x3b: {  	_ =	swait.ge [sflag:s30], $0x100  }
0x3c: {  	[sflag:s30] =	ssyncset.done $0x0  }
0x3d: {  	[sflag:s30] =	ssyncadd.s32 $0xFFFFFF00  }
0x3e: {  	[tilespmem:s31], [sflag:$0x6] =	stream.indirect.gather [hbm4b:s5+s26], $0x80, s23, s26, $0xb8;
	[tilespmem:$0x1C700] =	vst v63  }
0x3f: {  	_ =	swait.ge [sflag:s0], $0x4000  }
0x40: {  	[sflag:s0] =	ssyncset.done $0x0  }
0x41: {  	[sflag:s0] =	ssyncadd.s32 $0xFFFFC000  }
0x42: {  	[spmem:s1] =	stream.indirect.scatter.add.f32 [tilespmem:s28], [sflag:$0x7], $0x80, s2, s26, $0xb8;
	[tilespmem:$0x1C700] =	vst v63  }
0x43: {  	_ = 	snop  }
0x44: {  	[spmem:s3] =	stream.indirect.scatter.add.f32 [tilespmem:s21], [sflag:$0x9], $0x1, s2, s26, $0xb8;
	[tilespmem:$0x1C700] =	vst v63  }
0x45: {  	_ =	swait.ge [sflag:s6], $0x4000  }
0x46: {  	[sflag:s6] =	ssyncset.done $0x0  }
0x47: {  	[sflag:s6] =	ssyncadd.s32 $0xFFFFC000  }
0x48: {  	_ =	swait.ge [sflag:s7], $0x80  }
0x49: {  	s20 =	rddreg [dreg:$0x6];
	[sflag:s7] =	ssyncset.done $0x0  }
0x4a: {  	[sflag:s7] =	ssyncadd.s32 $0xFFFFFF80;
	s9 =	sadd.s32 $0x0, s20  }
0x4b: {  	[tilespmem:s22], [sflag:$0x1] =	stream.linear.gather [hbm4b:s9+s4], $0x100, $0x38;
	[tilespmem:$0x1C700] =	vst v63  }
0x4c: {  	_ =	swait.ge [sflag:s8], $0x100  }
0x4d: {  	[sflag:s8] =	ssyncset.done $0x0  }
0x4e: {  	[sflag:s8] =	ssyncadd.s32 $0xFFFFFF00  }
0x4f: {  	[tilespmem:s28], [sflag:$0x5] =	stream.indirect.gather [hbm4b:s5+s26], $0x80, s24, s26, $0xb8;
	[tilespmem:$0x1C700] =	vst v63  }
0x50: {  	_ =	swait.ge [sflag:s11], $0x4000  }
0x51: {  	[sflag:s11] =	ssyncset.done $0x0  }
0x52: {  	[sflag:s11] =	ssyncadd.s32 $0xFFFFC000  }
0x53: {  	[spmem:s1] =	stream.indirect.scatter.add.f32 [tilespmem:s31], [sflag:$0x8], $0x80, s12, s26, $0xb8;
	[tilespmem:$0x1C700] =	vst v63  }
0x54: {  	_ = 	snop  }
0x55: {  	[spmem:s3] =	stream.indirect.scatter.add.f32 [tilespmem:s21], [sflag:$0xA], $0x1, s12, s26, $0xb8;
	[tilespmem:$0x1C700] =	vst v63  }
0x56: {  	_ =	swait.ge [sflag:s13], $0x4000  }
0x57: {  	[sflag:s13] =	ssyncset.done $0x0  }
0x58: {  	[sflag:s13] =	ssyncadd.s32 $0xFFFFC000  }
0x59: {  	_ =	swait.ge [sflag:s15], $0x80  }
0x5a: {  	s9 =	sadd.s32 $0x0, s14;
	[sflag:s15] =	ssyncset.done $0x0  }
0x5b: {  	s18 =	sadd.s32 $0xA0, s9;
	[sflag:s15] =	ssyncadd.s32 $0xFFFFFF80  }
0x5c: {  	[tilespmem:s23], [sflag:$0x2] =	stream.linear.gather [hbm4b:s18+s4], $0x100, $0x38;
	[tilespmem:$0x1C700] =	vst v63  }
0x5d: {  	_ =	swait.ge [sflag:s16], $0x100  }
0x5e: {  	[sflag:s16] =	ssyncset.done $0x0  }
0x5f: {  	[sflag:s16] =	ssyncadd.s32 $0xFFFFFF00  }
0x60: {  	[tilespmem:s31], [sflag:$0x6] =	stream.indirect.gather [hbm4b:s5+s26], $0x80, s29, s26, $0xb8;
	[tilespmem:$0x1C700] =	vst v63  }
0x61: {  	_ =	swait.ge [sflag:s0], $0x4000  }
0x62: {  	[sflag:s0] =	ssyncset.done $0x0  }
0x63: {  	[sflag:s0] =	ssyncadd.s32 $0xFFFFC000  }
0x64: {  	[spmem:s1] =	stream.indirect.scatter.add.f32 [tilespmem:s28], [sflag:$0x7], $0x80, s17, s26, $0xb8;
	[tilespmem:$0x1C700] =	vst v63  }
0x65: {  	_ = 	snop  }
0x66: {  	[spmem:s3] =	stream.indirect.scatter.add.f32 [tilespmem:s21], [sflag:$0x9], $0x1, s17, s26, $0xb8;
	[tilespmem:$0x1C700] =	vst v63  }
0x67: {  	_ =	swait.ge [sflag:s6], $0x4000  }
0x68: {  	[sflag:s6] =	ssyncset.done $0x0  }
0x69: {  	[sflag:s6] =	ssyncadd.s32 $0xFFFFC000  }
0x6a: {  	_ =	swait.ge [sflag:s7], $0x80  }
0x6b: {  	s20 =	rddreg [dreg:$0x5];
	[sflag:s7] =	ssyncset.done $0x0  }
0x6c: {  	[sflag:s7] =	ssyncadd.s32 $0xFFFFFF80;
	s19 =	sadd.s32 $0x0, s20  }
0x6d: {  	[tilespmem:s24], [sflag:$0x3] =	stream.linear.gather [hbm4b:s19+s4], $0x100, $0x38;
	[tilespmem:$0x1C700] =	vst v63  }
0x6e: {  	_ =	swait.ge [sflag:s25], $0x100  }
0x6f: {  	[sflag:s25] =	ssyncset.done $0x0  }
0x70: {  	[sflag:s25] =	ssyncadd.s32 $0xFFFFFF00  }
0x71: {  	[tilespmem:s28], [sflag:$0x5] =	stream.indirect.gather [hbm4b:s5+s26], $0x80, s22, s26, $0xb8;
	[tilespmem:$0x1C700] =	vst v63  }
0x72: {  	_ =	swait.ge [sflag:s11], $0x4000  }
0x73: {  	[sflag:s11] =	ssyncset.done $0x0  }
0x74: {  	[sflag:s11] =	ssyncadd.s32 $0xFFFFC000  }
0x75: {  	[spmem:s1] =	stream.indirect.scatter.add.f32 [tilespmem:s31], [sflag:$0x8], $0x80, s10, s26, $0xb8;
	[tilespmem:$0x1C700] =	vst v63  }
0x76: {  	_ = 	snop  }
0x77: {  	[spmem:s3] =	stream.indirect.scatter.add.f32 [tilespmem:s21], [sflag:$0xA], $0x1, s10, s26, $0xb8;
	[tilespmem:$0x1C700] =	vst v63  }
0x78: {  	_ =	swait.ge [sflag:s13], $0x4000  }
0x79: {  	[sflag:s13] =	ssyncset.done $0x0  }
0x7a: {  	[sflag:s13] =	ssyncadd.s32 $0xFFFFC000  }
0x7b: {  	_ =	swait.ge [sflag:s15], $0x80  }
0x7c: {  	[sflag:s15] =	ssyncset.done $0x0  }
0x7d: {  	s9 =	sadd.s32 $0xE0, s9;
	[sflag:s15] =	ssyncadd.s32 $0xFFFFFF80  }
0x7e: {  	[tilespmem:s29], [sflag:$0x4] =	stream.linear.gather [hbm4b:s9+s4], $0x100, $0x38;
	[tilespmem:$0x1C700] =	vst v63  }
0x7f: {  	_ =	swait.ge [sflag:s30], $0x100  }
0x80: {  	[sflag:s30] =	ssyncset.done $0x0  }
0x81: {  	[sflag:s30] =	ssyncadd.s32 $0xFFFFFF00  }
0x82: {  	[tilespmem:s31], [sflag:$0x6] =	stream.indirect.gather [hbm4b:s5+s26], $0x80, s23, s26, $0xb8;
	[tilespmem:$0x1C700] =	vst v63  }
0x83: {  	_ =	swait.ge [sflag:s0], $0x4000  }
0x84: {  	[sflag:s0] =	ssyncset.done $0x0  }
0x85: {  	s20 =	simm.s32 $0x80;
	[sflag:s0] =	ssyncadd.s32 $0xFFFFC000  }
0x86: {  	[spmem:s1] =	stream.indirect.scatter.add.f32 [tilespmem:s28], [sflag:$0x7], $0x80, s2, s26, $0xb8;
	[tilespmem:$0x1C700] =	vst v63  }
.LBB2_2:
0x87: {  	[spmem:s3] =	stream.indirect.scatter.add.f32 [tilespmem:s21], [sflag:$0x9], $0x1, s2, s26, $0xb8;
	[tilespmem:$0x1C700] =	vst v63  }
0x88: {  	_ =	swait.ge [sflag:s6], $0x4000  }
0x89: {  	[sflag:s6] =	ssyncset.done $0x0  }
0x8a: {  	[sflag:s6] =	ssyncadd.s32 $0xFFFFC000  }
0x8b: {  	_ =	swait.ge [sflag:s7], $0x80  }
0x8c: {  	s9 =	smov.u32 s20;
	s19 =	rddreg [dreg:$0x6];
	[sflag:s7] =	ssyncset.done $0x0  }
0x8d: {  	[sflag:s7] =	ssyncadd.s32 $0xFFFFFF80;
	s19 =	sadd.s32 s9, s19  }
0x8e: {  	[tilespmem:s22], [sflag:$0x1] =	stream.linear.gather [hbm4b:s19+s4], $0x100, $0x38;
	[tilespmem:$0x1C700] =	vst v63  }
0x8f: {  	_ =	swait.ge [sflag:s8], $0x100  }
0x90: {  	[sflag:s8] =	ssyncset.done $0x0  }
0x91: {  	[sflag:s8] =	ssyncadd.s32 $0xFFFFFF00  }
0x92: {  	[tilespmem:s28], [sflag:$0x5] =	stream.indirect.gather [hbm4b:s5+s26], $0x80, s24, s26, $0xb8;
	[tilespmem:$0x1C700] =	vst v63  }
0x93: {  	_ =	swait.ge [sflag:s11], $0x4000  }
0x94: {  	[sflag:s11] =	ssyncset.done $0x0  }
0x95: {  	[sflag:s11] =	ssyncadd.s32 $0xFFFFC000  }
0x96: {  	[spmem:s1] =	stream.indirect.scatter.add.f32 [tilespmem:s31], [sflag:$0x8], $0x80, s12, s26, $0xb8;
	[tilespmem:$0x1C700] =	vst v63  }
0x97: {  	_ = 	snop  }
0x98: {  	[spmem:s3] =	stream.indirect.scatter.add.f32 [tilespmem:s21], [sflag:$0xA], $0x1, s12, s26, $0xb8;
	[tilespmem:$0x1C700] =	vst v63  }
0x99: {  	_ =	swait.ge [sflag:s13], $0x4000  }
0x9a: {  	[sflag:s13] =	ssyncset.done $0x0  }
0x9b: {  	[sflag:s13] =	ssyncadd.s32 $0xFFFFC000  }
0x9c: {  	_ =	swait.ge [sflag:s15], $0x80  }
0x9d: {  	s19 =	sadd.s32 s9, s14;
	[sflag:s15] =	ssyncset.done $0x0  }
0x9e: {  	s18 =	sadd.s32 $0xA0, s19;
	[sflag:s15] =	ssyncadd.s32 $0xFFFFFF80  }
0x9f: {  	[tilespmem:s23], [sflag:$0x2] =	stream.linear.gather [hbm4b:s18+s4], $0x100, $0x38;
	[tilespmem:$0x1C700] =	vst v63  }
0xa0: {  	_ =	swait.ge [sflag:s16], $0x100  }
0xa1: {  	[sflag:s16] =	ssyncset.done $0x0  }
0xa2: {  	[sflag:s16] =	ssyncadd.s32 $0xFFFFFF00  }
0xa3: {  	[tilespmem:s31], [sflag:$0x6] =	stream.indirect.gather [hbm4b:s5+s26], $0x80, s29, s26, $0xb8;
	[tilespmem:$0x1C700] =	vst v63  }
0xa4: {  	_ =	swait.ge [sflag:s0], $0x4000  }
0xa5: {  	[sflag:s0] =	ssyncset.done $0x0  }
0xa6: {  	[sflag:s0] =	ssyncadd.s32 $0xFFFFC000  }
0xa7: {  	[spmem:s1] =	stream.indirect.scatter.add.f32 [tilespmem:s28], [sflag:$0x7], $0x80, s17, s26, $0xb8;
	[tilespmem:$0x1C700] =	vst v63  }
0xa8: {  	_ = 	snop  }
0xa9: {  	[spmem:s3] =	stream.indirect.scatter.add.f32 [tilespmem:s21], [sflag:$0x9], $0x1, s17, s26, $0xb8;
	[tilespmem:$0x1C700] =	vst v63  }
0xaa: {  	_ =	swait.ge [sflag:s6], $0x4000  }
0xab: {  	[sflag:s6] =	ssyncset.done $0x0  }
0xac: {  	[sflag:s6] =	ssyncadd.s32 $0xFFFFC000  }
0xad: {  	_ =	swait.ge [sflag:s7], $0x80  }
0xae: {  	s18 =	rddreg [dreg:$0x5];
	[sflag:s7] =	ssyncset.done $0x0  }
0xaf: {  	[sflag:s7] =	ssyncadd.s32 $0xFFFFFF80;
	s9 =	sadd.s32 s9, s18  }
0xb0: {  	[tilespmem:s24], [sflag:$0x3] =	stream.linear.gather [hbm4b:s9+s4], $0x100, $0x38;
	[tilespmem:$0x1C700] =	vst v63  }
0xb1: {  	_ =	swait.ge [sflag:s25], $0x100  }
0xb2: {  	[sflag:s25] =	ssyncset.done $0x0  }
0xb3: {  	[sflag:s25] =	ssyncadd.s32 $0xFFFFFF00  }
0xb4: {  	[tilespmem:s28], [sflag:$0x5] =	stream.indirect.gather [hbm4b:s5+s26], $0x80, s22, s26, $0xb8;
	[tilespmem:$0x1C700] =	vst v63  }
0xb5: {  	_ =	swait.ge [sflag:s11], $0x4000  }
0xb6: {  	[sflag:s11] =	ssyncset.done $0x0  }
0xb7: {  	[sflag:s11] =	ssyncadd.s32 $0xFFFFC000  }
0xb8: {  	[spmem:s1] =	stream.indirect.scatter.add.f32 [tilespmem:s31], [sflag:$0x8], $0x80, s10, s26, $0xb8;
	[tilespmem:$0x1C700] =	vst v63  }
0xb9: {  	_ = 	snop  }
0xba: {  	[spmem:s3] =	stream.indirect.scatter.add.f32 [tilespmem:s21], [sflag:$0xA], $0x1, s10, s26, $0xb8;
	[tilespmem:$0x1C700] =	vst v63  }
0xbb: {  	_ =	swait.ge [sflag:s13], $0x4000  }
0xbc: {  	[sflag:s13] =	ssyncset.done $0x0  }
0xbd: {  	[sflag:s13] =	ssyncadd.s32 $0xFFFFC000  }
0xbe: {  	_ =	swait.ge [sflag:s15], $0x80  }
0xbf: {  	[sflag:s15] =	ssyncset.done $0x0  }
0xc0: {  	s19 =	sadd.s32 $0xE0, s19;
	[sflag:s15] =	ssyncadd.s32 $0xFFFFFF80  }
0xc1: {  	[tilespmem:s29], [sflag:$0x4] =	stream.linear.gather [hbm4b:s19+s4], $0x100, $0x38;
	[tilespmem:$0x1C700] =	vst v63  }
0xc2: {  	_ =	swait.ge [sflag:s30], $0x100  }
0xc3: {  	[sflag:s30] =	ssyncset.done $0x0  }
0xc4: {  	p0 =	sne.s32 s20, $0x900;
	[sflag:s30] =	ssyncadd.s32 $0xFFFFFF00  }
0xc5: {  	[tilespmem:s31], [sflag:$0x6] =	stream.indirect.gather [hbm4b:s5+s26], $0x80, s23, s26, $0xb8;
	[tilespmem:$0x1C700] =	vst v63  }
.Ltmp0:
0xc6: {  	_ = 	snop;
	(pc) =	sbr.rel @p0 .LBB2_2-.Ltmp0, $4  }
0xc7: {  	_ =	swait.ge [sflag:s0], $0x4000  }
0xc8: {  	[sflag:s0] =	ssyncset.done $0x0  }
0xc9: {  	s20 =	sadd.s32 $0x80, s20;
	[sflag:s0] =	ssyncadd.s32 $0xFFFFC000  }
0xca: {  	[spmem:s1] =	stream.indirect.scatter.add.f32 [tilespmem:s28], [sflag:$0x7], $0x80, s2, s26, $0xb8;
	[tilespmem:$0x1C700] =	vst v63  }
0xcb: {  	[spmem:s3] =	stream.indirect.scatter.add.f32 [tilespmem:s21], [sflag:$0x9], $0x1, s2, s26, $0xb8;
	[tilespmem:$0x1C700] =	vst v63  }
0xcc: {  	_ =	swait.ge [sflag:s6], $0x4000  }
0xcd: {  	[sflag:s6] =	ssyncset.done $0x0  }
0xce: {  	[sflag:s6] =	ssyncadd.s32 $0xFFFFC000  }
0xcf: {  	_ =	swait.ge [sflag:s7], $0x80  }
0xd0: {  	[sflag:s7] =	ssyncset.done $0x0  }
0xd1: {  	[sflag:s7] =	ssyncadd.s32 $0xFFFFFF80  }
0xd2: {  	_ =	swait.ge [sflag:s8], $0x100  }
0xd3: {  	[sflag:s8] =	ssyncset.done $0x0  }
0xd4: {  	[sflag:s8] =	ssyncadd.s32 $0xFFFFFF00  }
0xd5: {  	[tilespmem:s28], [sflag:$0x5] =	stream.indirect.gather [hbm4b:s5+s26], $0x80, s24, s26, $0xb8;
	[tilespmem:$0x1C700] =	vst v63  }
0xd6: {  	_ =	swait.ge [sflag:s11], $0x4000  }
0xd7: {  	[sflag:s11] =	ssyncset.done $0x0  }
0xd8: {  	[sflag:s11] =	ssyncadd.s32 $0xFFFFC000  }
0xd9: {  	[spmem:s1] =	stream.indirect.scatter.add.f32 [tilespmem:s31], [sflag:$0x8], $0x80, s12, s26, $0xb8;
	[tilespmem:$0x1C700] =	vst v63  }
0xda: {  	_ = 	snop  }
0xdb: {  	[spmem:s3] =	stream.indirect.scatter.add.f32 [tilespmem:s21], [sflag:$0xA], $0x1, s12, s26, $0xb8;
	[tilespmem:$0x1C700] =	vst v63  }
0xdc: {  	_ =	swait.ge [sflag:s13], $0x4000  }
0xdd: {  	[sflag:s13] =	ssyncset.done $0x0  }
0xde: {  	[sflag:s13] =	ssyncadd.s32 $0xFFFFC000  }
0xdf: {  	_ =	swait.ge [sflag:s15], $0x80  }
0xe0: {  	[sflag:s15] =	ssyncset.done $0x0  }
0xe1: {  	[sflag:s15] =	ssyncadd.s32 $0xFFFFFF80  }
0xe2: {  	_ =	swait.ge [sflag:s16], $0x100  }
0xe3: {  	[sflag:s16] =	ssyncset.done $0x0  }
0xe4: {  	[sflag:s16] =	ssyncadd.s32 $0xFFFFFF00  }
0xe5: {  	[tilespmem:s31], [sflag:$0x6] =	stream.indirect.gather [hbm4b:s5+s26], $0x80, s29, s26, $0xb8;
	[tilespmem:$0x1C700] =	vst v63  }
0xe6: {  	_ =	swait.ge [sflag:s0], $0x4000  }
0xe7: {  	[sflag:s0] =	ssyncset.done $0x0  }
0xe8: {  	[sflag:s0] =	ssyncadd.s32 $0xFFFFC000  }
0xe9: {  	[spmem:s1] =	stream.indirect.scatter.add.f32 [tilespmem:s28], [sflag:$0x7], $0x80, s17, s26, $0xb8;
	[tilespmem:$0x1C700] =	vst v63  }
0xea: {  	_ = 	snop  }
0xeb: {  	[spmem:s3] =	stream.indirect.scatter.add.f32 [tilespmem:s21], [sflag:$0x9], $0x1, s17, s26, $0xb8;
	[tilespmem:$0x1C700] =	vst v63  }
0xec: {  	_ =	swait.ge [sflag:s11], $0x4000  }
0xed: {  	[sflag:s11] =	ssyncset.done $0x0  }
0xee: {  	[sflag:s11] =	ssyncadd.s32 $0xFFFFC000  }
0xef: {  	[spmem:s1] =	stream.indirect.scatter.add.f32 [tilespmem:s31], [sflag:$0x8], $0x80, s10, s26, $0xb8;
	[tilespmem:$0x1C700] =	vst v63  }
0xf0: {  	_ = 	snop  }
0xf1: {  	[spmem:s3] =	stream.indirect.scatter.add.f32 [tilespmem:s21], [sflag:$0xA], $0x1, s10, s26, $0xb8;
	[tilespmem:$0x1C700] =	vst v63  }
0xf2: {  	_ =	swait.ge [sflag:s6], $0x4000  }
0xf3: {  	[sflag:s6] =	ssyncset.done $0x0  }
0xf4: {  	[sflag:s6] =	ssyncadd.s32 $0xFFFFC000  }
0xf5: {  	_ =	swait.ge [sflag:s7], $0x80  }
0xf6: {  	[sflag:s7] =	ssyncset.done $0x0  }
0xf7: {  	[sflag:s7] =	ssyncadd.s32 $0xFFFFFF80  }
0xf8: {  	_ =	swait.ge [sflag:s13], $0x4000  }
0xf9: {  	[sflag:s13] =	ssyncset.done $0x0  }
0xfa: {  	[sflag:s13] =	ssyncadd.s32 $0xFFFFC000  }
0xfb: {  	_ =	swait.ge [sflag:s15], $0x80  }
0xfc: {  	[sflag:s15] =	ssyncset.done $0x0  }
0xfd: {  	[sflag:s15] =	ssyncadd.s32 $0xFFFFFF80  }
0xfe: {  	[bflag:$0x0] =	sbarrier.arrive $0xFFFF  }
0xff: {  	s19 =	rddreg [dreg:$0xa]  }
0x100: {  	s9 =	rddreg [dreg:$0xf]  }
0x101: {  	s20 =	simm.s32 $0xB;
	s18 =	rddreg [dreg:$0x12]  }
0x102: {  	[hbm:s9], [sflag:s19] =	dma.local [spmem:s18], $0x2800  }
0x103: {  	_ =	swait.ge [sflag:s20], $0x2800  }
0x104: {  	[sflag:s20] =	ssyncset.done $0x0;
	s9 =	rddreg [dreg:$0x10]  }
0x105: {  	s18 =	rddreg [dreg:$0x13];
	[sflag:s20] =	ssyncadd.s32 $0xFFFFD800  }
0x106: {  	[hbm:s9], [sflag:s19] =	dma.local [spmem:s18], $0x50  }
0x107: {  	_ =	swait.ge [sflag:s20], $0x50  }
0x108: {  	s9 =	rddreg [dreg:$0x14]  }
0x109: {  	s18 =	sadd.s32 $0x1, s9;
	s9 =	rddreg [dreg:$0x11]  }
0x10a: {  	p0 =	sne.s32 s18, s9  }
.Ltmp1:
0x10b: {  	_ = 	snop;
	(pc) =	sbr.rel @p0 .LBB2_1-.Ltmp1, $3  }
0x10c: {  	_ =	sdelay $0x1  }
0x10d: {  	[sflag:s20] =	ssyncset.done $0x0;
	[dreg:$0x14] =	wrdreg s18  }
0x10e: {  	[sflag:s20] =	ssyncadd.s32 $0xFFFFFFB0;
	s18 =	smov.u32 s19;
	s19 =	rddreg [dreg:$0x12]  }
0x10f: {  	_ =	sfence.sel $0x180000  }
0x110: {  	[bflag:$0x0] =	sbarrier.arrive $0xFFFF  }
0x111: {  	_ =	strace $0x90000047  }
0x112: {  	s0 =	stileid.u32;
	[bflag:$0x2] =	sbarrier.arrive $0xFFFF  }
0x113: {  	p0 =	sne.s32 s0, $0x0;
	s0 =	rddreg [dreg:$0x4]  }
0x114: {  	s0 =	sadd.s32 @!p0 $0x100000, s0  }
0x115: {  	[sflag:s0] =	ssyncadd.tile.s32 @!p0 $0x1;
	_ =	shalt  }
.Lfunc_end2:
_tile_overlayer_lowered:
.L_overlay_start_2:
0x116: {  	(tag) =	ssettag $0x2  }
0x117: {  	s0 =	rddreg [dreg:$0x0];
	s2 =	stileid.u32  }
0x118: {  	s1 =	rddreg [dreg:$0x1];
	p0 =	sne.s32 s2, $0x0  }
0x119: {  	s3 =	rddreg [dreg:$0x2];
	[bflag:$0x3] =	sbarrier.arrive $0xFFFF;
	s2 =	simm.s32 @!p0 $0x1C0B  }
0x11a: {  	[timem:s3], [sflag:s2] =	dma.local @!p0 [hbm:s0], s1  }
0x11b: {  	s0 =	simm.s32 @!p0 $0xB  }
0x11c: {  	_ =	swait.ge @!p0 [sflag:s0], s1  }
0x11d: {  	s1 =	ssub.s32 @!p0 $0x0, s1;
	[sflag:s0] =	ssyncset.done @!p0 $0x0  }
0x11e: {  	[sflag:s0] =	ssyncadd.s32 @!p0 s1  }
0x11f: {  	[bflag:$0x3] =	sbarrier.arrive $0xFFFF  }
0x120: {  	_ =	shalt  }

// kernel: kernel.9.cloned.1.call-start
scs
__scs_entry_jumppad:
0x0: {  	(pc) =	sbr.rel $0x88, $3  }
0x1: {  	(tag) =	ssettag $0x0;
	lr =	simm.s32 $0x1  }
0x2: {  	[smem:$0x3F97] =	sst lr;
	_ =	strace $0xD0000000  }
0x3: {  	_ = 	snop  }
0x4: {  	_ = 	snop  }
0x5: {  	_ = 	snop  }
0x6: {  	_ = 	snop  }
0x7: {  	_ = 	snop  }
__scs_overlays_trampoline_lowered:
0x8: {  	[smem:$0x3FA6] =	sst s0  }
0x9: {  	[smem:$0x3FA7] =	sst s1  }
0xa: {  	[smem:$0x3FA8] =	sst s2  }
0xb: {  	[smem:$0x3FA9] =	sst s3  }
0xc: {  	[smem:$0x3FAA] =	sst s4  }
0xd: {  	[smem:$0x3FAB] =	sst s5  }
0xe: {  	[smem:$0x3FAC] =	sst s6  }
0xf: {  	[smem:$0x3FAD] =	sst s7  }
0x10: {  	[smem:$0x3FAE] =	sst s8  }
0x11: {  	[smem:$0x3FAF] =	sst s9;
	s0 =	simm.s32 @!p0 $0x0  }
0x12: {  	s1 =	sld [smem:$0x3F95];
	s0 =	simm.s32 @p0 $0x1  }
0x13: {  	[smem:$0x3FB0] =	sst s0;
	s0 =	simm.s32 @!p1 $0x0  }
0x14: {  	s2 =	sld [smem:$0x3F94];
	s0 =	simm.s32 @p1 $0x1  }
0x15: {  	[smem:$0x3FB1] =	sst s0;
	s0 =	simm.s32 @!p2 $0x0  }
0x16: {  	s3 =	sld [smem:$0x3FDB];
	s0 =	simm.s32 @p2 $0x1  }
0x17: {  	s4 =	simm.s32 $0x1BF5;
	[smem:$0x3FB3] =	sst s0  }
0x18: {  	s0 =	sld [smem:$0x3F96];
	_ =	swait.ge [sflag:s4], $0x0  }
0x19: {  	s7 =	sld [smem:$0x3F97]  }
0x1a: {  	s8 =	sadd.s32 $0xFFFFE003, lr  }
0x1b: {  	s9 =	sadd.s32 $0xFFFFFEF7, lr;
	s5 =	simm.s32 $0xFFFFFFFF;
	p2 =	slt.u32 s8, $0xFFFFF086  }
0x1c: {  	p1 =	slt.u32 s9, $0xF7A;
	s5 =	simm.s32 @!p2 $0x0  }
0x1d: {  	s5 =	simm.s32 @p1 $0x1;
	p0 =	seq.s32 s7, s2  }
0x1e: {  	s7 =	smul.u32 @!p0 $0xF7A, s2;
	p2 =	seq.s32 @!p0 s5, $0x0  }
0x1f: {  	s9 =	smul.u32 $0xF7A, s1;
	s8 =	simm.s32 @!p0 $0x1BF5;
	p2 =	por !p2, p0  }
0x20: {  	[sflag:s8] =	ssyncset.s32 @!p0 $0xFFFFF086;
	s6 =	sadd.s32 @!p0 s3, s7;
	s7 =	simm.s32 @!p0 $0x108  }
0x21: {  	s3 =	sadd.s32 s3, s9;
	s6 =	sadd.s32 @!p0 $0x88, s6;
	s7 =	simm.s32 @p2 $0x1082  }
0x22: {  	[simem:s7], [sflag:s8] =	dma.local @!p0 [hbm:s6], $0xF7A  }
0x23: {  	s9 =	sor.u32 $0xD0000000, s2;
	s6 =	simm.s32 $0x108;
	_ =	swait.ge @!p0 [sflag:s8], $0x0  }
0x24: {  	s3 =	sadd.s32 $0x88, s3;
	s6 =	simm.s32 @!p1 $0x1082;
	[sflag:s4] =	ssyncset.s32 $0xFFFFF086  }
0x25: {  	[simem:s6], [sflag:s4] =	dma.local [hbm:s3], $0xF7A  }
0x26: {  	[smem:$0x3F97] =	sst s1;
	(tag) =	ssettag s2;
	_ =	strace s9  }
0x27: {  	s1 =	sld [smem:$0x3FA7]  }
0x28: {  	s2 =	sld [smem:$0x3FA8]  }
0x29: {  	s4 =	sld [smem:$0x3FAA]  }
0x2a: {  	p0 =	seq.s32 s5, $0x0;
	s5 =	sld [smem:$0x3FAB]  }
0x2b: {  	s6 =	sld [smem:$0x3FAC]  }
0x2c: {  	s7 =	sld [smem:$0x3FAD]  }
0x2d: {  	s3 =	simm.s32 $0x108;
	s8 =	sld [smem:$0x3FAE]  }
0x2e: {  	s3 =	simm.s32 @!p0 $0x1082;
	s9 =	sld [smem:$0x3FAF]  }
0x2f: {  	lr =	sadd.s32 s0, s3;
	s0 =	sld [smem:$0x3FA6]  }
0x30: {  	s3 =	sld [smem:$0x3FA9]  }
0x31: {  	[smem:$0x3FB2] =	sst s10  }
0x32: {  	s10 =	sld [smem:$0x3FB0];
	_ =	sdelay $0x3  }
0x33: {  	p0 =	seq.s32 s10, $0x1;
	s10 =	sld [smem:$0x3FB2];
	_ =	sdelay $0x3  }
0x34: {  	[smem:$0x3FB2] =	sst s10  }
0x35: {  	s10 =	sld [smem:$0x3FB1];
	_ =	sdelay $0x3  }
0x36: {  	p1 =	seq.s32 s10, $0x1;
	s10 =	sld [smem:$0x3FB2];
	_ =	sdelay $0x3  }
0x37: {  	[smem:$0x3FB2] =	sst s10  }
0x38: {  	s10 =	sld [smem:$0x3FB3]  }
0x39: {  	_ = 	snop;
	(pc) =	sbr.ind lr, $3  }
0x3a: {  	_ = 	snop  }
0x3b: {  	_ = 	snop  }
0x3c: {  	p2 =	seq.s32 s10, $0x1;
	s10 =	sld [smem:$0x3FB2]  }
0x3d: {  	_ =	shalt  }
0x3e: {  	_ =	shalt  }
0x3f: {  	_ =	shalt  }
0x40: {  	_ =	shalt  }
0x41: {  	_ =	shalt  }
0x42: {  	_ =	shalt  }
0x43: {  	_ =	shalt  }
0x44: {  	_ =	shalt  }
0x45: {  	_ =	shalt  }
0x46: {  	_ =	shalt  }
0x47: {  	_ =	shalt  }
0x48: {  	_ =	shalt  }
0x49: {  	_ =	shalt  }
0x4a: {  	_ =	shalt  }
0x4b: {  	_ =	shalt  }
0x4c: {  	_ =	shalt  }
0x4d: {  	_ =	shalt  }
0x4e: {  	_ =	shalt  }
0x4f: {  	_ =	shalt  }
0x50: {  	_ =	shalt  }
0x51: {  	_ =	shalt  }
0x52: {  	_ =	shalt  }
0x53: {  	_ =	shalt  }
0x54: {  	_ =	shalt  }
0x55: {  	_ =	shalt  }
0x56: {  	_ =	shalt  }
0x57: {  	_ =	shalt  }
0x58: {  	_ =	shalt  }
0x59: {  	_ =	shalt  }
0x5a: {  	_ =	shalt  }
0x5b: {  	_ =	shalt  }
0x5c: {  	_ =	shalt  }
0x5d: {  	_ =	shalt  }
0x5e: {  	_ =	shalt  }
0x5f: {  	_ =	shalt  }
0x60: {  	_ =	shalt  }
0x61: {  	_ =	shalt  }
0x62: {  	_ =	shalt  }
0x63: {  	_ =	shalt  }
0x64: {  	_ =	shalt  }
0x65: {  	_ =	shalt  }
0x66: {  	_ =	shalt  }
0x67: {  	_ =	shalt  }
0x68: {  	_ =	shalt  }
0x69: {  	_ =	shalt  }
0x6a: {  	_ =	shalt  }
0x6b: {  	_ =	shalt  }
0x6c: {  	_ =	shalt  }
0x6d: {  	_ =	shalt  }
0x6e: {  	_ =	shalt  }
0x6f: {  	_ =	shalt  }
0x70: {  	_ =	shalt  }
0x71: {  	_ =	shalt  }
0x72: {  	_ =	shalt  }
0x73: {  	_ =	shalt  }
0x74: {  	_ =	shalt  }
0x75: {  	_ =	shalt  }
0x76: {  	_ =	shalt  }
0x77: {  	_ =	shalt  }
0x78: {  	_ =	shalt  }
0x79: {  	_ =	shalt  }
0x7a: {  	_ =	shalt  }
0x7b: {  	_ =	shalt  }
0x7c: {  	_ =	shalt  }
0x7d: {  	_ =	shalt  }
0x7e: {  	_ =	shalt  }
0x7f: {  	_ =	shalt  }
0x80: {  	_ =	shalt  }
0x81: {  	_ =	shalt  }
0x82: {  	_ =	shalt  }
0x83: {  	_ =	shalt  }
0x84: {  	_ =	shalt  }
0x85: {  	_ =	shalt  }
0x86: {  	_ =	shalt  }
0x87: {  	_ =	shalt  }
.Lfunc_end0:
.L_simem_size_0:
called_computation.1_lowered:
.L_overlay_start_0:
0x88: {  	s2 =	sld [smem:$0x3FD9]  }
0x89: {  	s3 =	sld [smem:$0x3FFE];
	_ =	sdelay $0x1  }
0x8a: {  	s1 =	srdreg.scid  }
0x8b: {  	s0 =	sand.u32 $0x1, s1  }
0x8c: {  	s17 =	sshll.u32 s0, $0xA;
	s2 =	sadd.s32 s3, s2  }
0x8d: {  	s2 =	sadd.s32 s2, s17  }
0x8e: {  	[smem:$0x3FBE] =	sst s2  }
0x8f: {  	_ = 	snop  }
0x90: {  	s2 =	sld [smem:$0x3FD0];
	(tm) =	ssettm $0x1  }
0x91: {  	s18 =	sld [smem:$0x3FFB];
	_ =	sdelay $0x3  }
0x92: {  	_ =	strace s18  }
0x93: {  	s3 =	sld [smem:$0x3FFC];
	_ =	sdelay $0x3  }
0x94: {  	_ =	strace s3  }
0x95: {  	s3 =	sld [smem:$0x3FFD];
	_ =	sdelay $0x3  }
0x96: {  	_ =	strace s3  }
0x97: {  	_ =	strace $0x8FFFFFFF  }
0x98: {  	s19 =	sld [smem:$0x3FDB];
	_ =	sdelay $0x1  }
0x99: {  	s4 =	simm.s32 $_scs_section_size  }
0x9a: {  	s5 =	simm.s32 $_size__tile_overlayer_lowered;
	s6 =	simm.s32 $_tile_overlayer_lowered  }
0x9b: {  	s22 =	simm.s32 $0x1BFF;
	s21 =	sshll.u32 s6, $0x1;
	s3 =	sadd.s32 s4, s19  }
0x9c: {  	s7 =	simm.s32 $0x0;
	s20 =	sshll.u32 s5, $0x1;
	s5 =	sadd.s32 s21, s3  }
0x9d: {  	[timem:s7], [sflag:s22] =	dma.local [hbm:s5], s20  }
0x9e: {  	_ =	swait.ge [sflag:s22], s20  }
0x9f: {  	s4 =	ssub.s32 $0x0, s20;
	[sflag:s22] =	ssyncset.done $0x0  }
0xa0: {  	[sflag:s22] =	ssyncadd.s32 s4;
	_ =	sdelay $0x1  }
0xa1: {  	s23 =	simm.s32 $0x1B8B  }
0xa2: {  	_ =	swait.ge [sflag:s23], $0x1  }
0xa3: {  	[sflag:s23] =	ssyncset.done $0x0  }
0xa4: {  	s25 =	simm.s32 $0x1B8E;
	s24 =	sld [smem:$0x3FFE];
	[sflag:s23] =	ssyncadd.s32 $0xFFFFFFFF  }
0xa5: {  	s26 =	simm.s32 $execute0_lowered;
	[smem:$0x3FD2] =	sst s25  }
0xa6: {  	s5 =	sshll.u32 s26, $0x1;
	_ =	strace $0x80000049;
	[dreg:$0x1] =	wrdreg $0xFFFFFFFF  }
0xa7: {  	s28 =	simm.s32 $_size_execute0_lowered;
	s3 =	sadd.s32 s3, s5;
	[dreg:$0x0] =	wrdreg $0x0  }
0xa8: {  	s5 =	sshll.u32 s28, $0x1;
	[dreg:$0x2] =	wrdreg s3  }
0xa9: {  	[dreg:$0x3] =	wrdreg s5  }
0xaa: {  	[dreg:$0x4] =	wrdreg $0xC0  }
0xab: {  	_ =	task [dreg:s7], $0x5FFFF  }
0xac: {  	[dreg:$0x1] =	wrdreg $0xFFFFFFFF  }
0xad: {  	[dreg:$0x0] =	wrdreg $0x60  }
0xae: {  	[dreg:$0x2] =	wrdreg s24  }
0xaf: {  	[dreg:$0x3] =	wrdreg s2  }
0xb0: {  	[dreg:$0x4] =	wrdreg $0x0  }
0xb1: {  	[dreg:$0x5] =	wrdreg $0x9  }
0xb2: {  	_ =	task.clear_ibuf [dreg:s7], $0x6FFFF;
	_ =	strace $0x90000049  }
0xb3: {  	s29 =	simm.s32 $0x9;
	_ =	strace $0x8000004B  }
0xb4: {  	_ =	swait.ge [sflag:s29], $0x1  }
0xb5: {  	[sflag:s29] =	ssyncadd.s32 $0xFFFFFFFF  }
0xb6: {  	_ =	strace $0x9000004B  }
0xb7: {  	_ =	sfence  }
0xb8: {  	s30 =	sld [smem:$0x0];
	_ =	sdelay $0x2  }
0xb9: {  	s31 =	sshll.u32 s1, $0xD;
	s1 =	sshrl.u32 s1, $0x2  }
0xba: {  	s3 =	sand.u32 $0x4000, s31;
	s1 =	sadd.s32 s1, s30  }
0xbb: {  	s0 =	sor.u32 s3, s0;
	s1 =	sshll.u32 s1, $0x11  }
0xbc: {  	s0 =	sor.u32 s1, s0  }
0xbd: {  	s0 =	sadd.s32 $0x8F2B, s0  }
0xbe: {  	[sflag:s0] =	ssyncadd.remote.s32 $0x1  }
0xbf: {  	_ =	sfence.sel $0xFFFF  }
0xc0: {  	[dreg:$0x0] =	wrdreg $0xFFFFFFFF;
	(pc) =	sbr.abs _section_cstart, $3  }
0xc1: {  	[dreg:$0x1] =	wrdreg $0xFFFFFFFF  }
0xc2: {  	_ =	task.clear_ibuf [dreg:s7], $0x2FFFF;
	_ =	strace $0x9FFFFFFF  }
0xc3: {  	(tm) =	ssettm $0x7FFFFFFF  }
tec
execute0_lowered:
.L_overlay_start_1:
0x0: {  	(tag) =	ssettag $0x1  }
0x1: {  	s0 =	rddreg [dreg:$0x0]  }
0x2: {  	s1 =	rddreg [dreg:$0x1]  }
0x3: {  	s2 =	rddreg [dreg:$0x2]  }
0x4: {  	s4 =	srdreg.scid;
	s12 =	stileid.u32;
	s3 =	simm.s32 $0x0  }
0x5: {  	s28 =	simm.s32 $0x18000;
	s29 =	simm.s32 $0x5;
	s30 =	simm.s32 $0x1C080  }
0x6: {  	s31 =	simm.s32 $0x7;
	s5 =	sand.u32 $0x1, s4;
	s6 =	smul.u32 $0x2800, s12  }
0x7: {  	[smem:$0x7FF] =	sst s3;
	s4 =	sadd.s32 $0x2E00, s0;
	s16 =	smul.u32 $0x50000, s12  }
0x8: {  	s8 =	sadd.s32 $0x2B200, s0;
	s15 =	sadd.s32 $0x2AE00, s0;
	s9 =	smul.u32 $0x50, s12  }
0x9: {  	s7 =	smul.u32 $0x28000, s5;
	_ =	strace $0x8000004A;
	[dreg:$0x5] =	wrdreg s8  }
0xa: {  	s17 =	sshll.u32 s5, $0x4;
	s18 =	smul.u32 $0x500, s5;
	s5 =	ssub.s32 $0x2, s5  }
0xb: {  	s19 =	sshll.u32 s12, $0x6;
	[dreg:$0x6] =	wrdreg s15;
	s10 =	sshrl.u32 s5, $0x1  }
0xc: {  	s6 =	sadd.s32 s6, s7;
	s7 =	sshrl.u32 s16, $0x2;
	s5 =	ssub.s32 s5, s10  }
0xd: {  	s8 =	sadd.s32 s9, s18;
	s18 =	simm.s32 $0x1C180;
	s9 =	simm.s32 $0x1C280  }
0xe: {  	s0 =	sadd.s32 s6, s0;
	s6 =	sor.u32 s12, s17;
	s11 =	sadd.s32 s7, s2  }
0xf: {  	s21 =	sshll.u32 s8, $0x5;
	s8 =	sor.u32 $0x1C09, s19;
	s26 =	smax.u32 s5, $0x1  }
0x10: {  	s17 =	simm.s32 $0x9;
	s19 =	simm.s32 $0x1C000;
	s5 =	simm.s32 $0x8  }
0x11: {  	s12 =	simm.s32 $0x0;
	s6 =	smul.u32 $0xA00, s6;
	s10 =	sadd.s32 s21, s1  }
0x12: {  	s0 =	sadd.s32 $0x2DA00, s0;
	[dreg:$0xc] =	wrdreg s26;
	s13 =	sshrl.u32 s11, $0x3  }
0x13: {  	s21 =	simm.s32 $0x1C200;
	s26 =	simm.s32 $0x2;
	[dreg:$0xb] =	wrdreg s0  }
0x14: {  	s11 =	simm.s32 $0x1C380;
	s25 =	sadd.s32 $0xC0, s10;
	[dreg:$0xd] =	wrdreg s13  }
0x15: {  	s15 =	sadd.s32 $0x80, s10;
	s20 =	sadd.s32 s1, s6;
	[dreg:$0x4] =	wrdreg s25  }
0x16: {  	s0 =	simm.s32 $0x3;
	s22 =	sadd.s32 $0x20, s20;
	[dreg:$0x7] =	wrdreg s20  }
0x17: {  	s25 =	simm.s32 $0x1C300;
	s23 =	sadd.s32 $0x40, s20;
	[dreg:$0x8] =	wrdreg s22  }
0x18: {  	s1 =	simm.s32 $0x6;
	s24 =	sadd.s32 $0x60, s20;
	[dreg:$0x9] =	wrdreg s23  }
0x19: {  	s6 =	simm.s32 $0x4;
	s20 =	simm.s32 $0x1C100;
	[dreg:$0xa] =	wrdreg s24  }
0x1a: {  	s22 =	simm.s32 $0x1;
	s23 =	simm.s32 $0x80;
	s24 =	simm.s32 $0x14000  }
.LBB2_1:
0x1b: {  	s7 =	rddreg [dreg:$0x5]  }
0x1c: {  	[spmem:s13], [sflag:s8] =	dma.local [hbm:s7], $0x2800  }
0x1d: {  	_ =	swait.ge [sflag:s17], $0x2800  }
0x1e: {  	[sflag:s17] =	ssyncset.done $0x0  }
0x1f: {  	s14 =	simm.s32 $0x1C400;
	s13 =	rddreg [dreg:$0x6];
	[sflag:s17] =	ssyncadd.s32 $0xFFFFD800  }
0x20: {  	[tilespmem:s14], [sflag:$0x9] =	stream.linear.gather [hbm4b:s13+s3], $0x80, $0x38;
	[tilespmem:$0x1C480] =	vst v63  }
0x21: {  	_ =	swait.ge [sflag:s17], $0x80  }
0x22: {  	[sflag:s17] =	ssyncset.done $0x0  }
0x23: {  	[sflag:s17] =	ssyncadd.s32 $0xFFFFFF80  }
0x24: {  	[bflag:$0x0] =	sbarrier.arrive $0xFFFF  }
0x25: {  	s13 =	rddreg [dreg:$0x7]  }
0x26: {  	[tilespmem:s19], [sflag:$0x1] =	stream.linear.gather [hbm4b:s13+s3], $0x100, $0x38;
	[tilespmem:$0x1C480] =	vst v63  }
0x27: {  	s14 =	rddreg [dreg:$0x8]  }
0x28: {  	[tilespmem:s20], [sflag:$0x2] =	stream.linear.gather [hbm4b:s14+s3], $0x100, $0x38;
	[tilespmem:$0x1C480] =	vst v63  }
0x29: {  	s16 =	smov.u32 s8;
	s8 =	rddreg [dreg:$0x9]  }
0x2a: {  	[tilespmem:s21], [sflag:$0x3] =	stream.linear.gather [hbm4b:s8+s3], $0x100, $0x38;
	[tilespmem:$0x1C480] =	vst v63  }
0x2b: {  	_ =	swait.ge [sflag:s22], $0x100  }
0x2c: {  	[sflag:s22] =	ssyncset.done $0x0  }
0x2d: {  	[sflag:s22] =	ssyncadd.s32 $0xFFFFFF00  }
0x2e: {  	[tilespmem:s24], [sflag:$0x5] =	stream.indirect.gather [hbm4b:s4+s23], $0x80, s19, s23, $0xb8;
	[tilespmem:$0x1C480] =	vst v63  }
0x2f: {  	s13 =	rddreg [dreg:$0xa]  }
0x30: {  	[tilespmem:s25], [sflag:$0x4] =	stream.linear.gather [hbm4b:s13+s3], $0x100, $0x38;
	[tilespmem:$0x1C480] =	vst v63  }
0x31: {  	_ =	swait.ge [sflag:s26], $0x100  }
0x32: {  	[sflag:s26] =	ssyncset.done $0x0  }
0x33: {  	[sflag:s26] =	ssyncadd.s32 $0xFFFFFF00  }
0x34: {  	[tilespmem:s28], [sflag:$0x6] =	stream.indirect.gather [hbm4b:s4+s23], $0x80, s20, s23, $0xb8;
	[tilespmem:$0x1C480] =	vst v63  }
0x35: {  	_ =	swait.ge [sflag:s29], $0x4000  }
0x36: {  	[sflag:s29] =	ssyncset.done $0x0  }
0x37: {  	[sflag:s29] =	ssyncadd.s32 $0xFFFFC000  }
0x38: {  	[spmem:s2] =	stream.indirect.scatter.add.f32 [tilespmem:s24], [sflag:$0x7], $0x80, s30, s23, $0xb8;
	[tilespmem:$0x1C480] =	vst v63  }
0x39: {  	_ =	swait.ge [sflag:s31], $0x4000  }
0x3a: {  	[sflag:s31] =	ssyncset.done $0x0  }
0x3b: {  	s14 =	sadd.s32 $0x0, s15;
	[sflag:s31] =	ssyncadd.s32 $0xFFFFC000  }
0x3c: {  	[tilespmem:s19], [sflag:$0x1] =	stream.linear.gather [hbm4b:s14+s3], $0x100, $0x38;
	[tilespmem:$0x1C480] =	vst v63  }
0x3d: {  	_ =	swait.ge [sflag:s0], $0x100  }
0x3e: {  	[sflag:s0] =	ssyncset.done $0x0  }
0x3f: {  	[sflag:s0] =	ssyncadd.s32 $0xFFFFFF00  }
0x40: {  	[tilespmem:s24], [sflag:$0x5] =	stream.indirect.gather [hbm4b:s4+s23], $0x80, s21, s23, $0xb8;
	[tilespmem:$0x1C480] =	vst v63  }
0x41: {  	_ =	swait.ge [sflag:s1], $0x4000  }
0x42: {  	[sflag:s1] =	ssyncset.done $0x0  }
0x43: {  	[sflag:s1] =	ssyncadd.s32 $0xFFFFC000  }
0x44: {  	[spmem:s2] =	stream.indirect.scatter.add.f32 [tilespmem:s28], [sflag:$0x8], $0x80, s18, s23, $0xb8;
	[tilespmem:$0x1C480] =	vst v63  }
0x45: {  	_ =	swait.ge [sflag:s5], $0x4000  }
0x46: {  	s7 =	sadd.s32 $0x0, s10;
	[sflag:s5] =	ssyncset.done $0x0  }
0x47: {  	s14 =	sadd.s32 $0xA0, s7;
	[sflag:s5] =	ssyncadd.s32 $0xFFFFC000  }
0x48: {  	[tilespmem:s20], [sflag:$0x2] =	stream.linear.gather [hbm4b:s14+s3], $0x100, $0x38;
	[tilespmem:$0x1C480] =	vst v63  }
0x49: {  	_ =	swait.ge [sflag:s6], $0x100  }
0x4a: {  	[sflag:s6] =	ssyncset.done $0x0  }
0x4b: {  	[sflag:s6] =	ssyncadd.s32 $0xFFFFFF00  }
0x4c: {  	[tilespmem:s28], [sflag:$0x6] =	stream.indirect.gather [hbm4b:s4+s23], $0x80, s25, s23, $0xb8;
	[tilespmem:$0x1C480] =	vst v63  }
0x4d: {  	_ =	swait.ge [sflag:s29], $0x4000  }
0x4e: {  	[sflag:s29] =	ssyncset.done $0x0  }
0x4f: {  	[sflag:s29] =	ssyncadd.s32 $0xFFFFC000  }
0x50: {  	[spmem:s2] =	stream.indirect.scatter.add.f32 [tilespmem:s24], [sflag:$0x7], $0x80, s9, s23, $0xb8;
	[tilespmem:$0x1C480] =	vst v63  }
0x51: {  	_ =	swait.ge [sflag:s31], $0x4000  }
0x52: {  	s8 =	rddreg [dreg:$0x4];
	[sflag:s31] =	ssyncset.done $0x0  }
0x53: {  	[sflag:s31] =	ssyncadd.s32 $0xFFFFC000;
	s14 =	sadd.s32 $0x0, s8  }
0x54: {  	[tilespmem:s21], [sflag:$0x3] =	stream.linear.gather [hbm4b:s14+s3], $0x100, $0x38;
	[tilespmem:$0x1C480] =	vst v63  }
0x55: {  	_ =	swait.ge [sflag:s22], $0x100  }
0x56: {  	[sflag:s22] =	ssyncset.done $0x0  }
0x57: {  	[sflag:s22] =	ssyncadd.s32 $0xFFFFFF00  }
0x58: {  	[tilespmem:s24], [sflag:$0x5] =	stream.indirect.gather [hbm4b:s4+s23], $0x80, s19, s23, $0xb8;
	[tilespmem:$0x1C480] =	vst v63  }
0x59: {  	_ =	swait.ge [sflag:s1], $0x4000  }
0x5a: {  	[sflag:s1] =	ssyncset.done $0x0  }
0x5b: {  	[sflag:s1] =	ssyncadd.s32 $0xFFFFC000  }
0x5c: {  	[spmem:s2] =	stream.indirect.scatter.add.f32 [tilespmem:s28], [sflag:$0x8], $0x80, s11, s23, $0xb8;
	[tilespmem:$0x1C480] =	vst v63  }
0x5d: {  	_ =	swait.ge [sflag:s5], $0x4000  }
0x5e: {  	[sflag:s5] =	ssyncset.done $0x0  }
0x5f: {  	s13 =	sadd.s32 $0xE0, s7;
	[sflag:s5] =	ssyncadd.s32 $0xFFFFC000  }
0x60: {  	[tilespmem:s25], [sflag:$0x4] =	stream.linear.gather [hbm4b:s13+s3], $0x100, $0x38;
	[tilespmem:$0x1C480] =	vst v63  }
0x61: {  	_ =	swait.ge [sflag:s26], $0x100  }
0x62: {  	[sflag:s26] =	ssyncset.done $0x0  }
0x63: {  	[sflag:s26] =	ssyncadd.s32 $0xFFFFFF00  }
0x64: {  	[tilespmem:s28], [sflag:$0x6] =	stream.indirect.gather [hbm4b:s4+s23], $0x80, s20, s23, $0xb8;
	[tilespmem:$0x1C480] =	vst v63  }
0x65: {  	_ =	swait.ge [sflag:s29], $0x4000  }
0x66: {  	[sflag:s29] =	ssyncset.done $0x0  }
0x67: {  	s13 =	simm.s32 $0x80;
	[sflag:s29] =	ssyncadd.s32 $0xFFFFC000  }
.LBB2_2:
0x68: {  	[spmem:s2] =	stream.indirect.scatter.add.f32 [tilespmem:s24], [sflag:$0x7], $0x80, s30, s23, $0xb8;
	[tilespmem:$0x1C480] =	vst v63  }
0x69: {  	_ =	swait.ge [sflag:s31], $0x4000  }
0x6a: {  	s14 =	smov.u32 s13;
	[sflag:s31] =	ssyncset.done $0x0  }
0x6b: {  	s7 =	sadd.s32 s14, s15;
	[sflag:s31] =	ssyncadd.s32 $0xFFFFC000  }
0x6c: {  	[tilespmem:s19], [sflag:$0x1] =	stream.linear.gather [hbm4b:s7+s3], $0x100, $0x38;
	[tilespmem:$0x1C480] =	vst v63  }
0x6d: {  	_ =	swait.ge [sflag:s0], $0x100  }
0x6e: {  	[sflag:s0] =	ssyncset.done $0x0  }
0x6f: {  	[sflag:s0] =	ssyncadd.s32 $0xFFFFFF00  }
0x70: {  	[tilespmem:s24], [sflag:$0x5] =	stream.indirect.gather [hbm4b:s4+s23], $0x80, s21, s23, $0xb8;
	[tilespmem:$0x1C480] =	vst v63  }
0x71: {  	_ =	swait.ge [sflag:s1], $0x4000  }
0x72: {  	[sflag:s1] =	ssyncset.done $0x0  }
0x73: {  	[sflag:s1] =	ssyncadd.s32 $0xFFFFC000  }
0x74: {  	[spmem:s2] =	stream.indirect.scatter.add.f32 [tilespmem:s28], [sflag:$0x8], $0x80, s18, s23, $0xb8;
	[tilespmem:$0x1C480] =	vst v63  }
0x75: {  	_ =	swait.ge [sflag:s5], $0x4000  }
0x76: {  	s7 =	sadd.s32 s14, s10;
	[sflag:s5] =	ssyncset.done $0x0  }
0x77: {  	s8 =	sadd.s32 $0xA0, s7;
	[sflag:s5] =	ssyncadd.s32 $0xFFFFC000  }
0x78: {  	[tilespmem:s20], [sflag:$0x2] =	stream.linear.gather [hbm4b:s8+s3], $0x100, $0x38;
	[tilespmem:$0x1C480] =	vst v63  }
0x79: {  	_ =	swait.ge [sflag:s6], $0x100  }
0x7a: {  	[sflag:s6] =	ssyncset.done $0x0  }
0x7b: {  	[sflag:s6] =	ssyncadd.s32 $0xFFFFFF00  }
0x7c: {  	[tilespmem:s28], [sflag:$0x6] =	stream.indirect.gather [hbm4b:s4+s23], $0x80, s25, s23, $0xb8;
	[tilespmem:$0x1C480] =	vst v63  }
0x7d: {  	_ =	swait.ge [sflag:s29], $0x4000  }
0x7e: {  	[sflag:s29] =	ssyncset.done $0x0  }
0x7f: {  	[sflag:s29] =	ssyncadd.s32 $0xFFFFC000  }
0x80: {  	[spmem:s2] =	stream.indirect.scatter.add.f32 [tilespmem:s24], [sflag:$0x7], $0x80, s9, s23, $0xb8;
	[tilespmem:$0x1C480] =	vst v63  }
0x81: {  	_ =	swait.ge [sflag:s31], $0x4000  }
0x82: {  	s8 =	rddreg [dreg:$0x4];
	[sflag:s31] =	ssyncset.done $0x0  }
0x83: {  	[sflag:s31] =	ssyncadd.s32 $0xFFFFC000;
	s8 =	sadd.s32 s14, s8  }
0x84: {  	[tilespmem:s21], [sflag:$0x3] =	stream.linear.gather [hbm4b:s8+s3], $0x100, $0x38;
	[tilespmem:$0x1C480] =	vst v63  }
0x85: {  	_ =	swait.ge [sflag:s22], $0x100  }
0x86: {  	[sflag:s22] =	ssyncset.done $0x0  }
0x87: {  	[sflag:s22] =	ssyncadd.s32 $0xFFFFFF00  }
0x88: {  	[tilespmem:s24], [sflag:$0x5] =	stream.indirect.gather [hbm4b:s4+s23], $0x80, s19, s23, $0xb8;
	[tilespmem:$0x1C480] =	vst v63  }
0x89: {  	_ =	swait.ge [sflag:s1], $0x4000  }
0x8a: {  	[sflag:s1] =	ssyncset.done $0x0  }
0x8b: {  	[sflag:s1] =	ssyncadd.s32 $0xFFFFC000  }
0x8c: {  	[spmem:s2] =	stream.indirect.scatter.add.f32 [tilespmem:s28], [sflag:$0x8], $0x80, s11, s23, $0xb8;
	[tilespmem:$0x1C480] =	vst v63  }
0x8d: {  	_ =	swait.ge [sflag:s5], $0x4000  }
0x8e: {  	[sflag:s5] =	ssyncset.done $0x0  }
0x8f: {  	s7 =	sadd.s32 $0xE0, s7;
	[sflag:s5] =	ssyncadd.s32 $0xFFFFC000  }
0x90: {  	[tilespmem:s25], [sflag:$0x4] =	stream.linear.gather [hbm4b:s7+s3], $0x100, $0x38;
	[tilespmem:$0x1C480] =	vst v63  }
0x91: {  	_ =	swait.ge [sflag:s26], $0x100  }
0x92: {  	p0 =	sne.s32 s13, $0x900;
	[sflag:s26] =	ssyncset.done $0x0  }
.Ltmp0:
0x93: {  	[sflag:s26] =	ssyncadd.s32 $0xFFFFFF00;
	(pc) =	sbr.rel @p0 .LBB2_2-.Ltmp0, $4  }
0x94: {  	[tilespmem:s28], [sflag:$0x6] =	stream.indirect.gather [hbm4b:s4+s23], $0x80, s20, s23, $0xb8;
	[tilespmem:$0x1C480] =	vst v63  }
0x95: {  	_ =	swait.ge [sflag:s29], $0x4000  }
0x96: {  	[sflag:s29] =	ssyncset.done $0x0  }
0x97: {  	s13 =	sadd.s32 $0x80, s13;
	[sflag:s29] =	ssyncadd.s32 $0xFFFFC000  }
0x98: {  	[spmem:s2] =	stream.indirect.scatter.add.f32 [tilespmem:s24], [sflag:$0x7], $0x80, s30, s23, $0xb8;
	[tilespmem:$0x1C480] =	vst v63  }
0x99: {  	_ =	swait.ge [sflag:s31], $0x4000  }
0x9a: {  	[sflag:s31] =	ssyncset.done $0x0  }
0x9b: {  	[sflag:s31] =	ssyncadd.s32 $0xFFFFC000  }
0x9c: {  	_ =	swait.ge [sflag:s0], $0x100  }
0x9d: {  	[sflag:s0] =	ssyncset.done $0x0  }
0x9e: {  	[sflag:s0] =	ssyncadd.s32 $0xFFFFFF00  }
0x9f: {  	[tilespmem:s24], [sflag:$0x5] =	stream.indirect.gather [hbm4b:s4+s23], $0x80, s21, s23, $0xb8;
	[tilespmem:$0x1C480] =	vst v63  }
0xa0: {  	_ =	swait.ge [sflag:s1], $0x4000  }
0xa1: {  	[sflag:s1] =	ssyncset.done $0x0  }
0xa2: {  	[sflag:s1] =	ssyncadd.s32 $0xFFFFC000  }
0xa3: {  	[spmem:s2] =	stream.indirect.scatter.add.f32 [tilespmem:s28], [sflag:$0x8], $0x80, s18, s23, $0xb8;
	[tilespmem:$0x1C480] =	vst v63  }
0xa4: {  	_ =	swait.ge [sflag:s5], $0x4000  }
0xa5: {  	[sflag:s5] =	ssyncset.done $0x0  }
0xa6: {  	[sflag:s5] =	ssyncadd.s32 $0xFFFFC000  }
0xa7: {  	_ =	swait.ge [sflag:s6], $0x100  }
0xa8: {  	[sflag:s6] =	ssyncset.done $0x0  }
0xa9: {  	[sflag:s6] =	ssyncadd.s32 $0xFFFFFF00  }
0xaa: {  	[tilespmem:s28], [sflag:$0x6] =	stream.indirect.gather [hbm4b:s4+s23], $0x80, s25, s23, $0xb8;
	[tilespmem:$0x1C480] =	vst v63  }
0xab: {  	_ =	swait.ge [sflag:s29], $0x4000  }
0xac: {  	[sflag:s29] =	ssyncset.done $0x0  }
0xad: {  	[sflag:s29] =	ssyncadd.s32 $0xFFFFC000  }
0xae: {  	[spmem:s2] =	stream.indirect.scatter.add.f32 [tilespmem:s24], [sflag:$0x7], $0x80, s9, s23, $0xb8;
	[tilespmem:$0x1C480] =	vst v63  }
0xaf: {  	_ =	swait.ge [sflag:s1], $0x4000  }
0xb0: {  	[sflag:s1] =	ssyncset.done $0x0  }
0xb1: {  	[sflag:s1] =	ssyncadd.s32 $0xFFFFC000  }
0xb2: {  	[spmem:s2] =	stream.indirect.scatter.add.f32 [tilespmem:s28], [sflag:$0x8], $0x80, s11, s23, $0xb8;
	[tilespmem:$0x1C480] =	vst v63  }
0xb3: {  	_ =	swait.ge [sflag:s31], $0x4000  }
0xb4: {  	[sflag:s31] =	ssyncset.done $0x0  }
0xb5: {  	[sflag:s31] =	ssyncadd.s32 $0xFFFFC000  }
0xb6: {  	_ =	swait.ge [sflag:s5], $0x4000  }
0xb7: {  	[sflag:s5] =	ssyncset.done $0x0  }
0xb8: {  	[sflag:s5] =	ssyncadd.s32 $0xFFFFC000  }
0xb9: {  	[bflag:$0x0] =	sbarrier.arrive $0xFFFF  }
0xba: {  	s7 =	rddreg [dreg:$0xb]  }
0xbb: {  	s13 =	rddreg [dreg:$0xd]  }
0xbc: {  	[hbm:s7], [sflag:s16] =	dma.local [spmem:s13], $0x2800  }
0xbd: {  	_ =	swait.ge [sflag:s17], $0x2800  }
0xbe: {  	s8 =	smov.u32 s16;
	s12 =	sadd.s32 $0x1, s12;
	s16 =	rddreg [dreg:$0xc]  }
0xbf: {  	p0 =	sne.s32 s12, s16  }
.Ltmp1:
0xc0: {  	_ = 	snop;
	(pc) =	sbr.rel @p0 .LBB2_1-.Ltmp1, $3  }
0xc1: {  	_ =	sdelay $0x1  }
0xc2: {  	[sflag:s17] =	ssyncset.done $0x0  }
0xc3: {  	[sflag:s17] =	ssyncadd.s32 $0xFFFFD800  }
0xc4: {  	_ =	sfence.sel $0x180000  }
0xc5: {  	[bflag:$0x0] =	sbarrier.arrive $0xFFFF  }
0xc6: {  	_ =	strace $0x9000004A  }
0xc7: {  	s0 =	stileid.u32;
	[bflag:$0x2] =	sbarrier.arrive $0xFFFF  }
0xc8: {  	p0 =	sne.s32 s0, $0x0;
	s0 =	rddreg [dreg:$0x3]  }
0xc9: {  	s0 =	sadd.s32 @!p0 $0x100000, s0  }
0xca: {  	[sflag:s0] =	ssyncadd.tile.s32 @!p0 $0x1;
	_ =	shalt  }
.Lfunc_end2:
_tile_overlayer_lowered:
.L_overlay_start_2:
0xcb: {  	(tag) =	ssettag $0x2  }
0xcc: {  	s0 =	rddreg [dreg:$0x0];
	s2 =	stileid.u32  }
0xcd: {  	s1 =	rddreg [dreg:$0x1];
	p0 =	sne.s32 s2, $0x0  }
0xce: {  	s3 =	rddreg [dreg:$0x2];
	[bflag:$0x3] =	sbarrier.arrive $0xFFFF;
	s2 =	simm.s32 @!p0 $0x1C09  }
0xcf: {  	[timem:s3], [sflag:s2] =	dma.local @!p0 [hbm:s0], s1  }
0xd0: {  	s0 =	simm.s32 @!p0 $0x9  }
0xd1: {  	_ =	swait.ge @!p0 [sflag:s0], s1  }
0xd2: {  	s1 =	ssub.s32 @!p0 $0x0, s1;
	[sflag:s0] =	ssyncset.done @!p0 $0x0  }
0xd3: {  	[sflag:s0] =	ssyncadd.s32 @!p0 s1  }
0xd4: {  	[bflag:$0x3] =	sbarrier.arrive $0xFFFF  }
0xd5: {  	_ =	shalt  }

</sc_bundles>
